<compile_context>
chip_gen: v7x
topology: tpu7x:2x2x1
jax: 0.10.2.dev20260603
libtpu: 0.0.44.dev20260713+nightly
codegen_flags: <defaults>
</compile_context>

<pallas_src>
import functools

import jax
import jax.numpy as jnp
from jax import lax
from jax.experimental import pallas as pl
from jax.experimental.pallas import tpu as pltpu
from jax.experimental.pallas import tpu_sc as plsc

_N = 10000
_NP = 10240
_E = 320000
_D = 128

_NC = 2
_NS = 16
_NW = _NC * _NS
_EPW = _E // _NW
_K = 80
_CHUNKS = _EPW // _K
_RPT = _NP // _NS


_G = 4
_GL = 8
_GROUPS = _CHUNKS // _GL


def _segsum_kernel(table, e4, zeros, out, acc, srcg, dstg, rows,
                   sem_s, sem_d, sem_g):
    c = lax.axis_index("c")
    s = lax.axis_index("s")
    pltpu.sync_copy(zeros, acc.at[pl.ds(s * _RPT, _RPT)])

    wid = c * _NS + s
    plsc.subcore_barrier()

    def body(j, carry):
        jj = j * _GL
        ds_ = pltpu.async_copy(e4.at[0, wid, pl.ds(jj, _GL)], srcg, sem_s)
        dd_ = pltpu.async_copy(e4.at[1, wid, pl.ds(jj, _GL)], dstg, sem_d)
        ds_.wait()
        dd_.wait()
        for h in range(_GL // _G):
            dg = [pltpu.async_copy(table.at[srcg.at[h * _G + g]], rows[g],
                                   sem_g[g]) for g in range(_G)]
            for g in range(_G):
                dg[g].wait()
                pltpu.sync_copy(rows[g], acc.at[dstg.at[h * _G + g]],
                                add=True)
        return carry

    lax.fori_loop(0, _GROUPS, body, 0)
    rem = _CHUNKS - _GROUPS * _GL
    if rem:
        t0 = _GROUPS * _GL
        pltpu.async_copy(e4.at[0, wid, pl.ds(t0, rem)],
                         srcg.at[pl.ds(0, rem)], sem_s).wait()
        pltpu.async_copy(e4.at[1, wid, pl.ds(t0, rem)],
                         dstg.at[pl.ds(0, rem)], sem_d).wait()
        dg = [pltpu.async_copy(table.at[srcg.at[g]], rows[g % _G],
                               sem_g[g % _G]) for g in range(min(rem, _G))]
        for g in range(rem):
            dg[g].wait()
            pltpu.sync_copy(rows[g % _G], acc.at[dstg.at[g]], add=True)
            if g + _G < rem:
                dg.append(pltpu.async_copy(table.at[srcg.at[g + _G]],
                                           rows[g % _G], sem_g[g % _G]))

    plsc.subcore_barrier()
    pltpu.sync_copy(acc.at[pl.ds(s * _RPT, _RPT)],
                    out.at[c, pl.ds(s * _RPT, _RPT)])


_segsum = functools.partial(
    pl.kernel,
    out_type=jax.ShapeDtypeStruct((_NC, _NP, _D), jnp.float32),
    mesh=plsc.VectorSubcoreMesh(core_axis_name="c", subcore_axis_name="s"),
    scratch_types=[
        pltpu.VMEM_SHARED((_NP, _D), jnp.float32),
        pltpu.VMEM((_GL, _K), jnp.int32),
        pltpu.VMEM((_GL, _K), jnp.int32),
        [pltpu.VMEM((_K, _D), jnp.float32) for _ in range(_G)],
        pltpu.SemaphoreType.DMA,
        pltpu.SemaphoreType.DMA,
        [pltpu.SemaphoreType.DMA for _ in range(_G)],
    ],
)(_segsum_kernel)


_R = 2000


def _root_body(x_ref, wt_ref, b_ref, o_ref):
    o_ref[...] = lax.dot_general(x_ref[...], wt_ref[...],
                                 (((1,), (1,)), ((), ())),
                                 preferred_element_type=jnp.float32) + b_ref[...]


def _combine_body(p_ref, r_ref, wr_ref, o_ref):
    agg = p_ref[0] + p_ref[1]
    acc = lax.dot_general(agg, wr_ref[...], (((1,), (1,)), ((), ())),
                          preferred_element_type=jnp.float32)
    o_ref[...] = jnp.maximum(acc + r_ref[...], 0.0)


def _combine_heads_body(p_ref, r_ref, wr_ref, wh_ref, bh_ref, oa_ref,
                        oo_ref):
    agg = p_ref[0] + p_ref[1]
    acc = lax.dot_general(agg, wr_ref[...], (((1,), (1,)), ((), ())),
                          preferred_element_type=jnp.float32)
    h = jnp.maximum(acc + r_ref[...], 0.0)
    heads = lax.dot_general(h, wh_ref[...], (((1,), (1,)), ((), ())),
                            preferred_element_type=jnp.float32) + bh_ref[...]
    oa_ref[...] = heads[:, :2]
    oo_ref[...] = heads[:, 2:3]


_HD = 8


def _root_term(xp, w_root, b):
    return pl.pallas_call(
        _root_body,
        grid=(_N // _R,),
        in_specs=[
            pl.BlockSpec((_R, _D), lambda i: (i, 0)),
            pl.BlockSpec((_D, _D), lambda i: (0, 0)),
            pl.BlockSpec((1, _D), lambda i: (0, 0)),
        ],
        out_specs=pl.BlockSpec((_R, _D), lambda i: (i, 0)),
        out_shape=jax.ShapeDtypeStruct((_N, _D), jnp.float32),
    )(xp, w_root, b)


def _combine(parts, root, w_rel):
    return pl.pallas_call(
        _combine_body,
        grid=(_N // _R,),
        in_specs=[
            pl.BlockSpec((_NC, _R, _D), lambda i: (0, i, 0)),
            pl.BlockSpec((_R, _D), lambda i: (i, 0)),
            pl.BlockSpec((_D, _D), lambda i: (0, 0)),
        ],
        out_specs=pl.BlockSpec((_R, _D), lambda i: (i, 0)),
        out_shape=jax.ShapeDtypeStruct((_N, _D), jnp.float32),
    )(parts, root, w_rel)


def _combine_heads(parts, root, w_rel, w_heads, b_heads):
    return pl.pallas_call(
        _combine_heads_body,
        grid=(_N // _R,),
        in_specs=[
            pl.BlockSpec((_NC, _R, _D), lambda i: (0, i, 0)),
            pl.BlockSpec((_R, _D), lambda i: (i, 0)),
            pl.BlockSpec((_D, _D), lambda i: (0, 0)),
            pl.BlockSpec((_HD, _D), lambda i: (0, 0)),
            pl.BlockSpec((1, _HD), lambda i: (0, 0)),
        ],
        out_specs=[pl.BlockSpec((_R, 2), lambda i: (i, 0)),
                   pl.BlockSpec((_R, 1), lambda i: (i, 0))],
        out_shape=[jax.ShapeDtypeStruct((_N, 2), jnp.float32),
                   jax.ShapeDtypeStruct((_N, 1), jnp.float32)],
    )(parts, root, w_rel, w_heads, b_heads)


def kernel(x, edge_index, W1_rel, b1, W1_root, W2_rel, b2, W2_root,
           Wa, ba, Wo, bo):
    e4 = edge_index.reshape(2, _NW, _CHUNKS, _K)
    zeros = jnp.zeros((_RPT, _D), jnp.float32)

    w_heads = jnp.zeros((_HD, _D), jnp.float32)
    w_heads = w_heads.at[:2, :].set(Wa).at[2, :].set(Wo[0])
    b_heads = jnp.zeros((_HD,), jnp.float32)
    b_heads = b_heads.at[:2].set(ba).at[2].set(bo[0])

    parts1 = _segsum(x, e4, zeros)
    root1 = _root_term(x, W1_root, b1.reshape(1, _D))
    h1 = _combine(parts1, root1, W1_rel)
    parts2 = _segsum(h1, e4, zeros)
    root2 = _root_term(h1, W2_root, b2.reshape(1, _D))
    task_allocation, task_order = _combine_heads(
        parts2, root2, W2_rel, w_heads, b_heads.reshape(1, _HD))
    return (task_allocation, task_order)

# --- scband reference (transcript-rebuilt; emitter-appended) ---
"""Pipeline reference for scband-job-scheduler-gnn-81363860456051 (READ-ONLY COPY).

The authoritative reference and input builder live on the scoring server;
editing this copy changes nothing except your own understanding.
"""

import jax, jax.numpy as jnp
import numpy as np

N = 10000
E = 320000
D = 128
H = 128
M = 2


def setup_inputs(seed: int = 0) -> dict:
    key = jax.random.key(seed)
    ks = jax.random.split(key, 14)
    x = jax.random.normal(ks[0], (N, D), dtype=jnp.float32)
    edge_index = jax.random.randint(ks[1], (2, E), 0, N, dtype=jnp.int32)
    s = 0.05
    W1_rel = jax.random.normal(ks[2], (H, D), dtype=jnp.float32) * s
    b1 = jax.random.normal(ks[3], (H,), dtype=jnp.float32) * s
    W1_root = jax.random.normal(ks[4], (H, D), dtype=jnp.float32) * s
    W2_rel = jax.random.normal(ks[5], (H, H), dtype=jnp.float32) * s
    b2 = jax.random.normal(ks[6], (H,), dtype=jnp.float32) * s
    W2_root = jax.random.normal(ks[7], (H, H), dtype=jnp.float32) * s
    Wa = jax.random.normal(ks[8], (M, H), dtype=jnp.float32) * s
    ba = jax.random.normal(ks[9], (M,), dtype=jnp.float32) * s
    Wo = jax.random.normal(ks[10], (1, H), dtype=jnp.float32) * s
    bo = jax.random.normal(ks[11], (1,), dtype=jnp.float32) * s
    return {"x": x, "edge_index": edge_index,
            "W1_rel": W1_rel, "b1": b1, "W1_root": W1_root,
            "W2_rel": W2_rel, "b2": b2, "W2_root": W2_root,
            "Wa": Wa, "ba": ba, "Wo": Wo, "bo": bo}


def _graph_conv(x, edge_index, W_rel, b_rel, W_root):
    # PyG-style GraphConv: out_i = W_rel * sum_{j in N(i)} x_j + b_rel + W_root * x_i
    src = edge_index[0]
    dst = edge_index[1]
    msgs = jnp.take(x, src, axis=0)                       # gather (SparseCore)
    agg = jax.ops.segment_sum(msgs, dst, num_segments=x.shape[0])  # scatter-add
    return agg @ W_rel.T + b_rel + x @ W_root.T


def reference(x, edge_index, W1_rel, b1, W1_root, W2_rel, b2, W2_root, Wa, ba, Wo, bo):
    h = jax.nn.relu(_graph_conv(x, edge_index, W1_rel, b1, W1_root))
    h = jax.nn.relu(_graph_conv(h, edge_index, W2_rel, b2, W2_root))
    task_allocation = h @ Wa.T + ba
    task_order = h @ Wo.T + bo
    return (task_allocation, task_order)

if __name__ == "__main__":
    import jax
    _d = setup_inputs()
    print(jax.jit(kernel)(*tuple(_d.values())))

</pallas_src>

<mosaic_0001>
#map = affine_map<(d0, d1) -> (0, 0)>
#map1 = affine_map<(d0, d1) -> (0, 0, 0, 0)>
#map2 = affine_map<(d0, d1) -> (0, 0, 0)>
module attributes {stable_mosaic.version = 14 : i64} {
  func.func @_segsum_kernel(%arg0: i32, %arg1: i32, %arg2: memref<10000x128xf32, #tpu.memory_space<hbm>>, %arg3: memref<2x32x125x80xi32, #tpu.memory_space<hbm>>, %arg4: memref<640x128xf32, #tpu.memory_space<hbm>>, %arg5: memref<2x10240x128xf32, #tpu.memory_space<hbm>>, %arg6: memref<10240x128xf32, #tpu.memory_space<vmem_shared>>, %arg7: memref<8x80xi32, #tpu.memory_space<vmem>>, %arg8: memref<8x80xi32, #tpu.memory_space<vmem>>, %arg9: memref<80x128xf32, #tpu.memory_space<vmem>>, %arg10: memref<80x128xf32, #tpu.memory_space<vmem>>, %arg11: memref<80x128xf32, #tpu.memory_space<vmem>>, %arg12: memref<80x128xf32, #tpu.memory_space<vmem>>, %arg13: memref<!tpu.dma_semaphore, #tpu.memory_space<semaphore_mem>>, %arg14: memref<!tpu.dma_semaphore, #tpu.memory_space<semaphore_mem>>, %arg15: memref<!tpu.dma_semaphore, #tpu.memory_space<semaphore_mem>>, %arg16: memref<!tpu.dma_semaphore, #tpu.memory_space<semaphore_mem>>, %arg17: memref<!tpu.dma_semaphore, #tpu.memory_space<semaphore_mem>>, %arg18: memref<!tpu.dma_semaphore, #tpu.memory_space<semaphore_mem>>) attributes {dimension_semantics = [#tpu.dimension_semantics<core_parallel>, #tpu.dimension_semantics<subcore_parallel>], iteration_bounds = array<i64: 2, 16>, scalar_prefetch = 0 : i64, scratch_operands = 13 : i64, tpu.core_type = #tpu.core_type<sc_vector_subcore>, window_params = [{transform_indices = #map}, {transform_indices = #map1}, {transform_indices = #map}, {transform_indices = #map2}]} {
    %mul3A = arith.constant 640 : i32
    %mul3A_0 = arith.muli %arg1, %mul3A : i32
    "tpu.region"() ({
      %run_scoped3A_145 = tpu.sem_alloc : memref<!tpu.dma_semaphore, #tpu.memory_space<semaphore_mem>>
      %dma_start3A_146 = arith.constant 0 : i32
      %dma_start3A_147 = tpu.memref_slice %arg6[%mul3A_0, %dma_start3A_146] : memref<10240x128xf32, #tpu.memory_space<vmem_shared>> -> memref<640x128xf32, #tpu.memory_space<vmem_shared>>
      tpu.enqueue_dma source(%arg4 : memref<640x128xf32, #tpu.memory_space<hbm>>) target(%dma_start3A_147 : memref<640x128xf32, #tpu.memory_space<vmem_shared>>) target_semaphore(%run_scoped3A_145 : memref<!tpu.dma_semaphore, #tpu.memory_space<semaphore_mem>>)
      %dma_wait3A_148 = arith.constant 0 : i32
      %dma_wait3A_149 = tpu.memref_slice %arg6[%mul3A_0, %dma_wait3A_148] : memref<10240x128xf32, #tpu.memory_space<vmem_shared>> -> memref<640x128xf32, #tpu.memory_space<vmem_shared>>
      tpu.wait_dma2 semaphore(%run_scoped3A_145 : memref<!tpu.dma_semaphore, #tpu.memory_space<semaphore_mem>>) src(%arg4 : memref<640x128xf32, #tpu.memory_space<hbm>>) dst(%dma_wait3A_149 : memref<640x128xf32, #tpu.memory_space<vmem_shared>>)
      tpu.yield
    }) : () -> ()
    %mul3A_1 = arith.constant 16 : i32
    %mul3A_2 = arith.muli %arg0, %mul3A_1 : i32
    %add3A = arith.addi %mul3A_2, %arg1 : i32
    %barrier3A = arith.constant 0 : index
    tpu.barrier barrier_id(%barrier3A)
    %scan3A = arith.constant 0 : i32
    %scan3A_3 = arith.constant 0 : i32
    %scan3A_4 = arith.constant 15 : i32
    %scan3A_5 = arith.addi %scan3A_3, %scan3A_4 : i32
    %scan3A_6 = arith.constant 1 : i32
    scf.for %scan3A_145 = %scan3A_3 to %scan3A_5 step %scan3A_6  : i32 {
      %mul3A_146 = arith.constant 8 : i32
      %mul3A_147 = arith.muli %scan3A_145, %mul3A_146 : i32
      %dma_start3A_148 = arith.constant 0 : i32
      %dma_start3A_149 = arith.constant 0 : i32
      %dma_start3A_150 = tpu.memref_slice %arg3[%dma_start3A_148, %add3A, %mul3A_147, %dma_start3A_149] : memref<2x32x125x80xi32, #tpu.memory_space<hbm>> -> memref<1x1x8x80xi32, #tpu.memory_space<hbm>>
      %dma_start3A_151 = tpu.memref_squeeze %dma_start3A_150 : memref<1x1x8x80xi32, #tpu.memory_space<hbm>> -> memref<8x80xi32, #tpu.memory_space<hbm>>
      %dma_start3A_152 = arith.constant 0 : i32
      %dma_start3A_153 = tpu.memref_slice %arg3[%dma_start3A_148, %add3A, %mul3A_147, %dma_start3A_152] : memref<2x32x125x80xi32, #tpu.memory_space<hbm>> -> memref<1x1x8x80xi32, #tpu.memory_space<hbm>>
      %dma_start3A_154 = tpu.memref_squeeze %dma_start3A_153 : memref<1x1x8x80xi32, #tpu.memory_space<hbm>> -> memref<8x80xi32, #tpu.memory_space<hbm>>
      tpu.enqueue_dma source(%dma_start3A_154 : memref<8x80xi32, #tpu.memory_space<hbm>>) target(%arg7 : memref<8x80xi32, #tpu.memory_space<vmem>>) target_semaphore(%arg13 : memref<!tpu.dma_semaphore, #tpu.memory_space<semaphore_mem>>)
      %dma_start3A_155 = arith.constant 1 : i32
      %dma_start3A_156 = arith.constant 0 : i32
      %dma_start3A_157 = tpu.memref_slice %arg3[%dma_start3A_155, %add3A, %mul3A_147, %dma_start3A_156] : memref<2x32x125x80xi32, #tpu.memory_space<hbm>> -> memref<1x1x8x80xi32, #tpu.memory_space<hbm>>
      %dma_start3A_158 = tpu.memref_squeeze %dma_start3A_157 : memref<1x1x8x80xi32, #tpu.memory_space<hbm>> -> memref<8x80xi32, #tpu.memory_space<hbm>>
      %dma_start3A_159 = arith.constant 0 : i32
      %dma_start3A_160 = tpu.memref_slice %arg3[%dma_start3A_155, %add3A, %mul3A_147, %dma_start3A_159] : memref<2x32x125x80xi32, #tpu.memory_space<hbm>> -> memref<1x1x8x80xi32, #tpu.memory_space<hbm>>
      %dma_start3A_161 = tpu.memref_squeeze %dma_start3A_160 : memref<1x1x8x80xi32, #tpu.memory_space<hbm>> -> memref<8x80xi32, #tpu.memory_space<hbm>>
      tpu.enqueue_dma source(%dma_start3A_161 : memref<8x80xi32, #tpu.memory_space<hbm>>) target(%arg8 : memref<8x80xi32, #tpu.memory_space<vmem>>) target_semaphore(%arg14 : memref<!tpu.dma_semaphore, #tpu.memory_space<semaphore_mem>>)
      %dma_wait3A_162 = arith.constant 0 : i32
      %dma_wait3A_163 = arith.constant 0 : i32
      %dma_wait3A_164 = tpu.memref_slice %arg3[%dma_wait3A_162, %add3A, %mul3A_147, %dma_wait3A_163] : memref<2x32x125x80xi32, #tpu.memory_space<hbm>> -> memref<1x1x8x80xi32, #tpu.memory_space<hbm>>
      %dma_wait3A_165 = tpu.memref_squeeze %dma_wait3A_164 : memref<1x1x8x80xi32, #tpu.memory_space<hbm>> -> memref<8x80xi32, #tpu.memory_space<hbm>>
      %dma_wait3A_166 = arith.constant 0 : i32
      %dma_wait3A_167 = tpu.memref_slice %arg3[%dma_wait3A_162, %add3A, %mul3A_147, %dma_wait3A_166] : memref<2x32x125x80xi32, #tpu.memory_space<hbm>> -> memref<1x1x8x80xi32, #tpu.memory_space<hbm>>
      %dma_wait3A_168 = tpu.memref_squeeze %dma_wait3A_167 : memref<1x1x8x80xi32, #tpu.memory_space<hbm>> -> memref<8x80xi32, #tpu.memory_space<hbm>>
      tpu.wait_dma2 semaphore(%arg13 : memref<!tpu.dma_semaphore, #tpu.memory_space<semaphore_mem>>) src(%dma_wait3A_168 : memref<8x80xi32, #tpu.memory_space<hbm>>) dst(%arg7 : memref<8x80xi32, #tpu.memory_space<vmem>>)
      %dma_wait3A_169 = arith.constant 1 : i32
      %dma_wait3A_170 = arith.constant 0 : i32
      %dma_wait3A_171 = tpu.memref_slice %arg3[%dma_wait3A_169, %add3A, %mul3A_147, %dma_wait3A_170] : memref<2x32x125x80xi32, #tpu.memory_space<hbm>> -> memref<1x1x8x80xi32, #tpu.memory_space<hbm>>
      %dma_wait3A_172 = tpu.memref_squeeze %dma_wait3A_171 : memref<1x1x8x80xi32, #tpu.memory_space<hbm>> -> memref<8x80xi32, #tpu.memory_space<hbm>>
      %dma_wait3A_173 = arith.constant 0 : i32
      %dma_wait3A_174 = tpu.memref_slice %arg3[%dma_wait3A_169, %add3A, %mul3A_147, %dma_wait3A_173] : memref<2x32x125x80xi32, #tpu.memory_space<hbm>> -> memref<1x1x8x80xi32, #tpu.memory_space<hbm>>
      %dma_wait3A_175 = tpu.memref_squeeze %dma_wait3A_174 : memref<1x1x8x80xi32, #tpu.memory_space<hbm>> -> memref<8x80xi32, #tpu.memory_space<hbm>>
      tpu.wait_dma2 semaphore(%arg14 : memref<!tpu.dma_semaphore, #tpu.memory_space<semaphore_mem>>) src(%dma_wait3A_175 : memref<8x80xi32, #tpu.memory_space<hbm>>) dst(%arg8 : memref<8x80xi32, #tpu.memory_space<vmem>>)
      %dma_start3A_176 = arith.constant 0 : i32
      %dma_start3A_177 = arith.constant 0 : i32
      %dma_start3A_178 = tpu.memref_slice %arg7[%dma_start3A_176, %dma_start3A_177] : memref<8x80xi32, #tpu.memory_space<vmem>> -> memref<1x80xi32, #tpu.memory_space<vmem>>
      %dma_start3A_179 = tpu.memref_squeeze %dma_start3A_178 : memref<1x80xi32, #tpu.memory_space<vmem>> -> memref<80xi32, #tpu.memory_space<vmem>>
      %dma_start3A_180 = arith.constant 0 : i32
      %dma_start3A_181 = arith.constant 0 : i32
      %dma_start3A_182 = tpu.memref_slice %arg2[%dma_start3A_180, %dma_start3A_181] : memref<10000x128xf32, #tpu.memory_space<hbm>> -> memref<10000x128xf32, #tpu.memory_space<hbm>>
      tpu.enqueue_indirect_dma source(%dma_start3A_182 : memref<10000x128xf32, #tpu.memory_space<hbm>>) target(%arg9 : memref<80x128xf32, #tpu.memory_space<vmem>>) offsets(%dma_start3A_179 : memref<80xi32, #tpu.memory_space<vmem>>) semaphore(%arg15 : memref<!tpu.dma_semaphore, #tpu.memory_space<semaphore_mem>>)
      %dma_start3A_183 = arith.constant 1 : i32
      %dma_start3A_184 = arith.constant 0 : i32
      %dma_start3A_185 = tpu.memref_slice %arg7[%dma_start3A_183, %dma_start3A_184] : memref<8x80xi32, #tpu.memory_space<vmem>> -> memref<1x80xi32, #tpu.memory_space<vmem>>
      %dma_start3A_186 = tpu.memref_squeeze %dma_start3A_185 : memref<1x80xi32, #tpu.memory_space<vmem>> -> memref<80xi32, #tpu.memory_space<vmem>>
      %dma_start3A_187 = arith.constant 0 : i32
      %dma_start3A_188 = arith.constant 0 : i32
      %dma_start3A_189 = tpu.memref_slice %arg2[%dma_start3A_187, %dma_start3A_188] : memref<10000x128xf32, #tpu.memory_space<hbm>> -> memref<10000x128xf32, #tpu.memory_space<hbm>>
      tpu.enqueue_indirect_dma source(%dma_start3A_189 : memref<10000x128xf32, #tpu.memory_space<hbm>>) target(%arg10 : memref<80x128xf32, #tpu.memory_space<vmem>>) offsets(%dma_start3A_186 : memref<80xi32, #tpu.memory_space<vmem>>) semaphore(%arg16 : memref<!tpu.dma_semaphore, #tpu.memory_space<semaphore_mem>>)
      %dma_start3A_190 = arith.constant 2 : i32
      %dma_start3A_191 = arith.constant 0 : i32
      %dma_start3A_192 = tpu.memref_slice %arg7[%dma_start3A_190, %dma_start3A_191] : memref<8x80xi32, #tpu.memory_space<vmem>> -> memref<1x80xi32, #tpu.memory_space<vmem>>
      %dma_start3A_193 = tpu.memref_squeeze %dma_start3A_192 : memref<1x80xi32, #tpu.memory_space<vmem>> -> memref<80xi32, #tpu.memory_space<vmem>>
      %dma_start3A_194 = arith.constant 0 : i32
      %dma_start3A_195 = arith.constant 0 : i32
      %dma_start3A_196 = tpu.memref_slice %arg2[%dma_start3A_194, %dma_start3A_195] : memref<10000x128xf32, #tpu.memory_space<hbm>> -> memref<10000x128xf32, #tpu.memory_space<hbm>>
      tpu.enqueue_indirect_dma source(%dma_start3A_196 : memref<10000x128xf32, #tpu.memory_space<hbm>>) target(%arg11 : memref<80x128xf32, #tpu.memory_space<vmem>>) offsets(%dma_start3A_193 : memref<80xi32, #tpu.memory_space<vmem>>) semaphore(%arg17 : memref<!tpu.dma_semaphore, #tpu.memory_space<semaphore_mem>>)
      %dma_start3A_197 = arith.constant 3 : i32
      %dma_start3A_198 = arith.constant 0 : i32
      %dma_start3A_199 = tpu.memref_slice %arg7[%dma_start3A_197, %dma_start3A_198] : memref<8x80xi32, #tpu.memory_space<vmem>> -> memref<1x80xi32, #tpu.memory_space<vmem>>
      %dma_start3A_200 = tpu.memref_squeeze %dma_start3A_199 : memref<1x80xi32, #tpu.memory_space<vmem>> -> memref<80xi32, #tpu.memory_space<vmem>>
      %dma_start3A_201 = arith.constant 0 : i32
      %dma_start3A_202 = arith.constant 0 : i32
      %dma_start3A_203 = tpu.memref_slice %arg2[%dma_start3A_201, %dma_start3A_202] : memref<10000x128xf32, #tpu.memory_space<hbm>> -> memref<10000x128xf32, #tpu.memory_space<hbm>>
      tpu.enqueue_indirect_dma source(%dma_start3A_203 : memref<10000x128xf32, #tpu.memory_space<hbm>>) target(%arg12 : memref<80x128xf32, #tpu.memory_space<vmem>>) offsets(%dma_start3A_200 : memref<80xi32, #tpu.memory_space<vmem>>) semaphore(%arg18 : memref<!tpu.dma_semaphore, #tpu.memory_space<semaphore_mem>>)
      %dma_wait3A_204 = arith.constant 0 : i32
      %dma_wait3A_205 = arith.constant 0 : i32
      %dma_wait3A_206 = tpu.memref_slice %arg7[%dma_wait3A_204, %dma_wait3A_205] : memref<8x80xi32, #tpu.memory_space<vmem>> -> memref<1x80xi32, #tpu.memory_space<vmem>>
      %dma_wait3A_207 = tpu.memref_squeeze %dma_wait3A_206 : memref<1x80xi32, #tpu.memory_space<vmem>> -> memref<80xi32, #tpu.memory_space<vmem>>
      %dma_wait3A_208 = arith.constant 0 : i32
      %dma_wait3A_209 = arith.constant 0 : i32
      %dma_wait3A_210 = tpu.memref_slice %arg2[%dma_wait3A_208, %dma_wait3A_209] : memref<10000x128xf32, #tpu.memory_space<hbm>> -> memref<10000x128xf32, #tpu.memory_space<hbm>>
      tpu.wait_indirect_dma semaphore(%arg15 : memref<!tpu.dma_semaphore, #tpu.memory_space<semaphore_mem>>) src(%dma_wait3A_210 : memref<10000x128xf32, #tpu.memory_space<hbm>>) dst(%arg9 : memref<80x128xf32, #tpu.memory_space<vmem>>)
      %run_scoped3A_211 = arith.constant 0 : i32
      "tpu.region"() ({
        %run_scoped3A_296 = tpu.sem_alloc : memref<!tpu.dma_semaphore, #tpu.memory_space<semaphore_mem>>
        %dma_start3A_297 = arith.constant 0 : i32
        %dma_start3A_298 = tpu.memref_slice %arg8[%run_scoped3A_211, %dma_start3A_297] : memref<8x80xi32, #tpu.memory_space<vmem>> -> memref<1x80xi32, #tpu.memory_space<vmem>>
        %dma_start3A_299 = tpu.memref_squeeze %dma_start3A_298 : memref<1x80xi32, #tpu.memory_space<vmem>> -> memref<80xi32, #tpu.memory_space<vmem>>
        %dma_start3A_300 = arith.constant 0 : i32
        %dma_start3A_301 = arith.constant 0 : i32
        %dma_start3A_302 = tpu.memref_slice %arg6[%dma_start3A_300, %dma_start3A_301] : memref<10240x128xf32, #tpu.memory_space<vmem_shared>> -> memref<10240x128xf32, #tpu.memory_space<vmem_shared>>
        tpu.enqueue_indirect_dma source(%arg9 : memref<80x128xf32, #tpu.memory_space<vmem>>) target(%dma_start3A_302 : memref<10240x128xf32, #tpu.memory_space<vmem_shared>>) offsets(%dma_start3A_299 : memref<80xi32, #tpu.memory_space<vmem>>) semaphore(%run_scoped3A_296 : memref<!tpu.dma_semaphore, #tpu.memory_space<semaphore_mem>>) {add = true}
        %dma_wait3A_303 = arith.constant 0 : i32
        %dma_wait3A_304 = tpu.memref_slice %arg8[%run_scoped3A_211, %dma_wait3A_303] : memref<8x80xi32, #tpu.memory_space<vmem>> -> memref<1x80xi32, #tpu.memory_space<vmem>>
        %dma_wait3A_305 = tpu.memref_squeeze %dma_wait3A_304 : memref<1x80xi32, #tpu.memory_space<vmem>> -> memref<80xi32, #tpu.memory_space<vmem>>
        %dma_wait3A_306 = arith.constant 0 : i32
        %dma_wait3A_307 = arith.constant 0 : i32
        %dma_wait3A_308 = tpu.memref_slice %arg6[%dma_wait3A_306, %dma_wait3A_307] : memref<10240x128xf32, #tpu.memory_space<vmem_shared>> -> memref<10240x128xf32, #tpu.memory_space<vmem_shared>>
        tpu.wait_indirect_dma semaphore(%run_scoped3A_296 : memref<!tpu.dma_semaphore, #tpu.memory_space<semaphore_mem>>) src(%arg9 : memref<80x128xf32, #tpu.memory_space<vmem>>) dst(%dma_wait3A_308 : memref<10240x128xf32, #tpu.memory_space<vmem_shared>>)
        tpu.yield
      }) : () -> ()
      %dma_wait3A_212 = arith.constant 1 : i32
      %dma_wait3A_213 = arith.constant 0 : i32
      %dma_wait3A_214 = tpu.memref_slice %arg7[%dma_wait3A_212, %dma_wait3A_213] : memref<8x80xi32, #tpu.memory_space<vmem>> -> memref<1x80xi32, #tpu.memory_space<vmem>>
      %dma_wait3A_215 = tpu.memref_squeeze %dma_wait3A_214 : memref<1x80xi32, #tpu.memory_space<vmem>> -> memref<80xi32, #tpu.memory_space<vmem>>
      %dma_wait3A_216 = arith.constant 0 : i32
      %dma_wait3A_217 = arith.constant 0 : i32
      %dma_wait3A_218 = tpu.memref_slice %arg2[%dma_wait3A_216, %dma_wait3A_217] : memref<10000x128xf32, #tpu.memory_space<hbm>> -> memref<10000x128xf32, #tpu.memory_space<hbm>>
      tpu.wait_indirect_dma semaphore(%arg16 : memref<!tpu.dma_semaphore, #tpu.memory_space<semaphore_mem>>) src(%dma_wait3A_218 : memref<10000x128xf32, #tpu.memory_space<hbm>>) dst(%arg10 : memref<80x128xf32, #tpu.memory_space<vmem>>)
      %run_scoped3A_219 = arith.constant 1 : i32
      "tpu.region"() ({
        %run_scoped3A_296 = tpu.sem_alloc : memref<!tpu.dma_semaphore, #tpu.memory_space<semaphore_mem>>
        %dma_start3A_297 = arith.constant 0 : i32
        %dma_start3A_298 = tpu.memref_slice %arg8[%run_scoped3A_219, %dma_start3A_297] : memref<8x80xi32, #tpu.memory_space<vmem>> -> memref<1x80xi32, #tpu.memory_space<vmem>>
        %dma_start3A_299 = tpu.memref_squeeze %dma_start3A_298 : memref<1x80xi32, #tpu.memory_space<vmem>> -> memref<80xi32, #tpu.memory_space<vmem>>
        %dma_start3A_300 = arith.constant 0 : i32
        %dma_start3A_301 = arith.constant 0 : i32
        %dma_start3A_302 = tpu.memref_slice %arg6[%dma_start3A_300, %dma_start3A_301] : memref<10240x128xf32, #tpu.memory_space<vmem_shared>> -> memref<10240x128xf32, #tpu.memory_space<vmem_shared>>
        tpu.enqueue_indirect_dma source(%arg10 : memref<80x128xf32, #tpu.memory_space<vmem>>) target(%dma_start3A_302 : memref<10240x128xf32, #tpu.memory_space<vmem_shared>>) offsets(%dma_start3A_299 : memref<80xi32, #tpu.memory_space<vmem>>) semaphore(%run_scoped3A_296 : memref<!tpu.dma_semaphore, #tpu.memory_space<semaphore_mem>>) {add = true}
        %dma_wait3A_303 = arith.constant 0 : i32
        %dma_wait3A_304 = tpu.memref_slice %arg8[%run_scoped3A_219, %dma_wait3A_303] : memref<8x80xi32, #tpu.memory_space<vmem>> -> memref<1x80xi32, #tpu.memory_space<vmem>>
        %dma_wait3A_305 = tpu.memref_squeeze %dma_wait3A_304 : memref<1x80xi32, #tpu.memory_space<vmem>> -> memref<80xi32, #tpu.memory_space<vmem>>
        %dma_wait3A_306 = arith.constant 0 : i32
        %dma_wait3A_307 = arith.constant 0 : i32
        %dma_wait3A_308 = tpu.memref_slice %arg6[%dma_wait3A_306, %dma_wait3A_307] : memref<10240x128xf32, #tpu.memory_space<vmem_shared>> -> memref<10240x128xf32, #tpu.memory_space<vmem_shared>>
        tpu.wait_indirect_dma semaphore(%run_scoped3A_296 : memref<!tpu.dma_semaphore, #tpu.memory_space<semaphore_mem>>) src(%arg10 : memref<80x128xf32, #tpu.memory_space<vmem>>) dst(%dma_wait3A_308 : memref<10240x128xf32, #tpu.memory_space<vmem_shared>>)
        tpu.yield
      }) : () -> ()
      %dma_wait3A_220 = arith.constant 2 : i32
      %dma_wait3A_221 = arith.constant 0 : i32
      %dma_wait3A_222 = tpu.memref_slice %arg7[%dma_wait3A_220, %dma_wait3A_221] : memref<8x80xi32, #tpu.memory_space<vmem>> -> memref<1x80xi32, #tpu.memory_space<vmem>>
      %dma_wait3A_223 = tpu.memref_squeeze %dma_wait3A_222 : memref<1x80xi32, #tpu.memory_space<vmem>> -> memref<80xi32, #tpu.memory_space<vmem>>
      %dma_wait3A_224 = arith.constant 0 : i32
      %dma_wait3A_225 = arith.constant 0 : i32
      %dma_wait3A_226 = tpu.memref_slice %arg2[%dma_wait3A_224, %dma_wait3A_225] : memref<10000x128xf32, #tpu.memory_space<hbm>> -> memref<10000x128xf32, #tpu.memory_space<hbm>>
      tpu.wait_indirect_dma semaphore(%arg17 : memref<!tpu.dma_semaphore, #tpu.memory_space<semaphore_mem>>) src(%dma_wait3A_226 : memref<10000x128xf32, #tpu.memory_space<hbm>>) dst(%arg11 : memref<80x128xf32, #tpu.memory_space<vmem>>)
      %run_scoped3A_227 = arith.constant 2 : i32
      "tpu.region"() ({
        %run_scoped3A_296 = tpu.sem_alloc : memref<!tpu.dma_semaphore, #tpu.memory_space<semaphore_mem>>
        %dma_start3A_297 = arith.constant 0 : i32
        %dma_start3A_298 = tpu.memref_slice %arg8[%run_scoped3A_227, %dma_start3A_297] : memref<8x80xi32, #tpu.memory_space<vmem>> -> memref<1x80xi32, #tpu.memory_space<vmem>>
        %dma_start3A_299 = tpu.memref_squeeze %dma_start3A_298 : memref<1x80xi32, #tpu.memory_space<vmem>> -> memref<80xi32, #tpu.memory_space<vmem>>
        %dma_start3A_300 = arith.constant 0 : i32
        %dma_start3A_301 = arith.constant 0 : i32
        %dma_start3A_302 = tpu.memref_slice %arg6[%dma_start3A_300, %dma_start3A_301] : memref<10240x128xf32, #tpu.memory_space<vmem_shared>> -> memref<10240x128xf32, #tpu.memory_space<vmem_shared>>
        tpu.enqueue_indirect_dma source(%arg11 : memref<80x128xf32, #tpu.memory_space<vmem>>) target(%dma_start3A_302 : memref<10240x128xf32, #tpu.memory_space<vmem_shared>>) offsets(%dma_start3A_299 : memref<80xi32, #tpu.memory_space<vmem>>) semaphore(%run_scoped3A_296 : memref<!tpu.dma_semaphore, #tpu.memory_space<semaphore_mem>>) {add = true}
        %dma_wait3A_303 = arith.constant 0 : i32
        %dma_wait3A_304 = tpu.memref_slice %arg8[%run_scoped3A_227, %dma_wait3A_303] : memref<8x80xi32, #tpu.memory_space<vmem>> -> memref<1x80xi32, #tpu.memory_space<vmem>>
        %dma_wait3A_305 = tpu.memref_squeeze %dma_wait3A_304 : memref<1x80xi32, #tpu.memory_space<vmem>> -> memref<80xi32, #tpu.memory_space<vmem>>
        %dma_wait3A_306 = arith.constant 0 : i32
        %dma_wait3A_307 = arith.constant 0 : i32
        %dma_wait3A_308 = tpu.memref_slice %arg6[%dma_wait3A_306, %dma_wait3A_307] : memref<10240x128xf32, #tpu.memory_space<vmem_shared>> -> memref<10240x128xf32, #tpu.memory_space<vmem_shared>>
        tpu.wait_indirect_dma semaphore(%run_scoped3A_296 : memref<!tpu.dma_semaphore, #tpu.memory_space<semaphore_mem>>) src(%arg11 : memref<80x128xf32, #tpu.memory_space<vmem>>) dst(%dma_wait3A_308 : memref<10240x128xf32, #tpu.memory_space<vmem_shared>>)
        tpu.yield
      }) : () -> ()
      %dma_wait3A_228 = arith.constant 3 : i32
      %dma_wait3A_229 = arith.constant 0 : i32
      %dma_wait3A_230 = tpu.memref_slice %arg7[%dma_wait3A_228, %dma_wait3A_229] : memref<8x80xi32, #tpu.memory_space<vmem>> -> memref<1x80xi32, #tpu.memory_space<vmem>>
      %dma_wait3A_231 = tpu.memref_squeeze %dma_wait3A_230 : memref<1x80xi32, #tpu.memory_space<vmem>> -> memref<80xi32, #tpu.memory_space<vmem>>
      %dma_wait3A_232 = arith.constant 0 : i32
      %dma_wait3A_233 = arith.constant 0 : i32
      %dma_wait3A_234 = tpu.memref_slice %arg2[%dma_wait3A_232, %dma_wait3A_233] : memref<10000x128xf32, #tpu.memory_space<hbm>> -> memref<10000x128xf32, #tpu.memory_space<hbm>>
      tpu.wait_indirect_dma semaphore(%arg18 : memref<!tpu.dma_semaphore, #tpu.memory_space<semaphore_mem>>) src(%dma_wait3A_234 : memref<10000x128xf32, #tpu.memory_space<hbm>>) dst(%arg12 : memref<80x128xf32, #tpu.memory_space<vmem>>)
      %run_scoped3A_235 = arith.constant 3 : i32
      "tpu.region"() ({
        %run_scoped3A_296 = tpu.sem_alloc : memref<!tpu.dma_semaphore, #tpu.memory_space<semaphore_mem>>
        %dma_start3A_297 = arith.constant 0 : i32
        %dma_start3A_298 = tpu.memref_slice %arg8[%run_scoped3A_235, %dma_start3A_297] : memref<8x80xi32, #tpu.memory_space<vmem>> -> memref<1x80xi32, #tpu.memory_space<vmem>>
        %dma_start3A_299 = tpu.memref_squeeze %dma_start3A_298 : memref<1x80xi32, #tpu.memory_space<vmem>> -> memref<80xi32, #tpu.memory_space<vmem>>
        %dma_start3A_300 = arith.constant 0 : i32
        %dma_start3A_301 = arith.constant 0 : i32
        %dma_start3A_302 = tpu.memref_slice %arg6[%dma_start3A_300, %dma_start3A_301] : memref<10240x128xf32, #tpu.memory_space<vmem_shared>> -> memref<10240x128xf32, #tpu.memory_space<vmem_shared>>
        tpu.enqueue_indirect_dma source(%arg12 : memref<80x128xf32, #tpu.memory_space<vmem>>) target(%dma_start3A_302 : memref<10240x128xf32, #tpu.memory_space<vmem_shared>>) offsets(%dma_start3A_299 : memref<80xi32, #tpu.memory_space<vmem>>) semaphore(%run_scoped3A_296 : memref<!tpu.dma_semaphore, #tpu.memory_space<semaphore_mem>>) {add = true}
        %dma_wait3A_303 = arith.constant 0 : i32
        %dma_wait3A_304 = tpu.memref_slice %arg8[%run_scoped3A_235, %dma_wait3A_303] : memref<8x80xi32, #tpu.memory_space<vmem>> -> memref<1x80xi32, #tpu.memory_space<vmem>>
        %dma_wait3A_305 = tpu.memref_squeeze %dma_wait3A_304 : memref<1x80xi32, #tpu.memory_space<vmem>> -> memref<80xi32, #tpu.memory_space<vmem>>
        %dma_wait3A_306 = arith.constant 0 : i32
        %dma_wait3A_307 = arith.constant 0 : i32
        %dma_wait3A_308 = tpu.memref_slice %arg6[%dma_wait3A_306, %dma_wait3A_307] : memref<10240x128xf32, #tpu.memory_space<vmem_shared>> -> memref<10240x128xf32, #tpu.memory_space<vmem_shared>>
        tpu.wait_indirect_dma semaphore(%run_scoped3A_296 : memref<!tpu.dma_semaphore, #tpu.memory_space<semaphore_mem>>) src(%arg12 : memref<80x128xf32, #tpu.memory_space<vmem>>) dst(%dma_wait3A_308 : memref<10240x128xf32, #tpu.memory_space<vmem_shared>>)
        tpu.yield
      }) : () -> ()
      %dma_start3A_236 = arith.constant 4 : i32
      %dma_start3A_237 = arith.constant 0 : i32
      %dma_start3A_238 = tpu.memref_slice %arg7[%dma_start3A_236, %dma_start3A_237] : memref<8x80xi32, #tpu.memory_space<vmem>> -> memref<1x80xi32, #tpu.memory_space<vmem>>
      %dma_start3A_239 = tpu.memref_squeeze %dma_start3A_238 : memref<1x80xi32, #tpu.memory_space<vmem>> -> memref<80xi32, #tpu.memory_space<vmem>>
      %dma_start3A_240 = arith.constant 0 : i32
      %dma_start3A_241 = arith.constant 0 : i32
      %dma_start3A_242 = tpu.memref_slice %arg2[%dma_start3A_240, %dma_start3A_241] : memref<10000x128xf32, #tpu.memory_space<hbm>> -> memref<10000x128xf32, #tpu.memory_space<hbm>>
      tpu.enqueue_indirect_dma source(%dma_start3A_242 : memref<10000x128xf32, #tpu.memory_space<hbm>>) target(%arg9 : memref<80x128xf32, #tpu.memory_space<vmem>>) offsets(%dma_start3A_239 : memref<80xi32, #tpu.memory_space<vmem>>) semaphore(%arg15 : memref<!tpu.dma_semaphore, #tpu.memory_space<semaphore_mem>>)
      %dma_start3A_243 = arith.constant 5 : i32
      %dma_start3A_244 = arith.constant 0 : i32
      %dma_start3A_245 = tpu.memref_slice %arg7[%dma_start3A_243, %dma_start3A_244] : memref<8x80xi32, #tpu.memory_space<vmem>> -> memref<1x80xi32, #tpu.memory_space<vmem>>
      %dma_start3A_246 = tpu.memref_squeeze %dma_start3A_245 : memref<1x80xi32, #tpu.memory_space<vmem>> -> memref<80xi32, #tpu.memory_space<vmem>>
      %dma_start3A_247 = arith.constant 0 : i32
      %dma_start3A_248 = arith.constant 0 : i32
      %dma_start3A_249 = tpu.memref_slice %arg2[%dma_start3A_247, %dma_start3A_248] : memref<10000x128xf32, #tpu.memory_space<hbm>> -> memref<10000x128xf32, #tpu.memory_space<hbm>>
      tpu.enqueue_indirect_dma source(%dma_start3A_249 : memref<10000x128xf32, #tpu.memory_space<hbm>>) target(%arg10 : memref<80x128xf32, #tpu.memory_space<vmem>>) offsets(%dma_start3A_246 : memref<80xi32, #tpu.memory_space<vmem>>) semaphore(%arg16 : memref<!tpu.dma_semaphore, #tpu.memory_space<semaphore_mem>>)
      %dma_start3A_250 = arith.constant 6 : i32
      %dma_start3A_251 = arith.constant 0 : i32
      %dma_start3A_252 = tpu.memref_slice %arg7[%dma_start3A_250, %dma_start3A_251] : memref<8x80xi32, #tpu.memory_space<vmem>> -> memref<1x80xi32, #tpu.memory_space<vmem>>
      %dma_start3A_253 = tpu.memref_squeeze %dma_start3A_252 : memref<1x80xi32, #tpu.memory_space<vmem>> -> memref<80xi32, #tpu.memory_space<vmem>>
      %dma_start3A_254 = arith.constant 0 : i32
      %dma_start3A_255 = arith.constant 0 : i32
      %dma_start3A_256 = tpu.memref_slice %arg2[%dma_start3A_254, %dma_start3A_255] : memref<10000x128xf32, #tpu.memory_space<hbm>> -> memref<10000x128xf32, #tpu.memory_space<hbm>>
      tpu.enqueue_indirect_dma source(%dma_start3A_256 : memref<10000x128xf32, #tpu.memory_space<hbm>>) target(%arg11 : memref<80x128xf32, #tpu.memory_space<vmem>>) offsets(%dma_start3A_253 : memref<80xi32, #tpu.memory_space<vmem>>) semaphore(%arg17 : memref<!tpu.dma_semaphore, #tpu.memory_space<semaphore_mem>>)
      %dma_start3A_257 = arith.constant 7 : i32
      %dma_start3A_258 = arith.constant 0 : i32
      %dma_start3A_259 = tpu.memref_slice %arg7[%dma_start3A_257, %dma_start3A_258] : memref<8x80xi32, #tpu.memory_space<vmem>> -> memref<1x80xi32, #tpu.memory_space<vmem>>
      %dma_start3A_260 = tpu.memref_squeeze %dma_start3A_259 : memref<1x80xi32, #tpu.memory_space<vmem>> -> memref<80xi32, #tpu.memory_space<vmem>>
      %dma_start3A_261 = arith.constant 0 : i32
      %dma_start3A_262 = arith.constant 0 : i32
      %dma_start3A_263 = tpu.memref_slice %arg2[%dma_start3A_261, %dma_start3A_262] : memref<10000x128xf32, #tpu.memory_space<hbm>> -> memref<10000x128xf32, #tpu.memory_space<hbm>>
      tpu.enqueue_indirect_dma source(%dma_start3A_263 : memref<10000x128xf32, #tpu.memory_space<hbm>>) target(%arg12 : memref<80x128xf32, #tpu.memory_space<vmem>>) offsets(%dma_start3A_260 : memref<80xi32, #tpu.memory_space<vmem>>) semaphore(%arg18 : memref<!tpu.dma_semaphore, #tpu.memory_space<semaphore_mem>>)
      %dma_wait3A_264 = arith.constant 4 : i32
      %dma_wait3A_265 = arith.constant 0 : i32
      %dma_wait3A_266 = tpu.memref_slice %arg7[%dma_wait3A_264, %dma_wait3A_265] : memref<8x80xi32, #tpu.memory_space<vmem>> -> memref<1x80xi32, #tpu.memory_space<vmem>>
      %dma_wait3A_267 = tpu.memref_squeeze %dma_wait3A_266 : memref<1x80xi32, #tpu.memory_space<vmem>> -> memref<80xi32, #tpu.memory_space<vmem>>
      %dma_wait3A_268 = arith.constant 0 : i32
      %dma_wait3A_269 = arith.constant 0 : i32
      %dma_wait3A_270 = tpu.memref_slice %arg2[%dma_wait3A_268, %dma_wait3A_269] : memref<10000x128xf32, #tpu.memory_space<hbm>> -> memref<10000x128xf32, #tpu.memory_space<hbm>>
      tpu.wait_indirect_dma semaphore(%arg15 : memref<!tpu.dma_semaphore, #tpu.memory_space<semaphore_mem>>) src(%dma_wait3A_270 : memref<10000x128xf32, #tpu.memory_space<hbm>>) dst(%arg9 : memref<80x128xf32, #tpu.memory_space<vmem>>)
      %run_scoped3A_271 = arith.constant 4 : i32
      "tpu.region"() ({
        %run_scoped3A_296 = tpu.sem_alloc : memref<!tpu.dma_semaphore, #tpu.memory_space<semaphore_mem>>
        %dma_start3A_297 = arith.constant 0 : i32
        %dma_start3A_298 = tpu.memref_slice %arg8[%run_scoped3A_271, %dma_start3A_297] : memref<8x80xi32, #tpu.memory_space<vmem>> -> memref<1x80xi32, #tpu.memory_space<vmem>>
        %dma_start3A_299 = tpu.memref_squeeze %dma_start3A_298 : memref<1x80xi32, #tpu.memory_space<vmem>> -> memref<80xi32, #tpu.memory_space<vmem>>
        %dma_start3A_300 = arith.constant 0 : i32
        %dma_start3A_301 = arith.constant 0 : i32
        %dma_start3A_302 = tpu.memref_slice %arg6[%dma_start3A_300, %dma_start3A_301] : memref<10240x128xf32, #tpu.memory_space<vmem_shared>> -> memref<10240x128xf32, #tpu.memory_space<vmem_shared>>
        tpu.enqueue_indirect_dma source(%arg9 : memref<80x128xf32, #tpu.memory_space<vmem>>) target(%dma_start3A_302 : memref<10240x128xf32, #tpu.memory_space<vmem_shared>>) offsets(%dma_start3A_299 : memref<80xi32, #tpu.memory_space<vmem>>) semaphore(%run_scoped3A_296 : memref<!tpu.dma_semaphore, #tpu.memory_space<semaphore_mem>>) {add = true}
        %dma_wait3A_303 = arith.constant 0 : i32
        %dma_wait3A_304 = tpu.memref_slice %arg8[%run_scoped3A_271, %dma_wait3A_303] : memref<8x80xi32, #tpu.memory_space<vmem>> -> memref<1x80xi32, #tpu.memory_space<vmem>>
        %dma_wait3A_305 = tpu.memref_squeeze %dma_wait3A_304 : memref<1x80xi32, #tpu.memory_space<vmem>> -> memref<80xi32, #tpu.memory_space<vmem>>
        %dma_wait3A_306 = arith.constant 0 : i32
        %dma_wait3A_307 = arith.constant 0 : i32
        %dma_wait3A_308 = tpu.memref_slice %arg6[%dma_wait3A_306, %dma_wait3A_307] : memref<10240x128xf32, #tpu.memory_space<vmem_shared>> -> memref<10240x128xf32, #tpu.memory_space<vmem_shared>>
        tpu.wait_indirect_dma semaphore(%run_scoped3A_296 : memref<!tpu.dma_semaphore, #tpu.memory_space<semaphore_mem>>) src(%arg9 : memref<80x128xf32, #tpu.memory_space<vmem>>) dst(%dma_wait3A_308 : memref<10240x128xf32, #tpu.memory_space<vmem_shared>>)
        tpu.yield
      }) : () -> ()
      %dma_wait3A_272 = arith.constant 5 : i32
      %dma_wait3A_273 = arith.constant 0 : i32
      %dma_wait3A_274 = tpu.memref_slice %arg7[%dma_wait3A_272, %dma_wait3A_273] : memref<8x80xi32, #tpu.memory_space<vmem>> -> memref<1x80xi32, #tpu.memory_space<vmem>>
      %dma_wait3A_275 = tpu.memref_squeeze %dma_wait3A_274 : memref<1x80xi32, #tpu.memory_space<vmem>> -> memref<80xi32, #tpu.memory_space<vmem>>
      %dma_wait3A_276 = arith.constant 0 : i32
      %dma_wait3A_277 = arith.constant 0 : i32
      %dma_wait3A_278 = tpu.memref_slice %arg2[%dma_wait3A_276, %dma_wait3A_277] : memref<10000x128xf32, #tpu.memory_space<hbm>> -> memref<10000x128xf32, #tpu.memory_space<hbm>>
      tpu.wait_indirect_dma semaphore(%arg16 : memref<!tpu.dma_semaphore, #tpu.memory_space<semaphore_mem>>) src(%dma_wait3A_278 : memref<10000x128xf32, #tpu.memory_space<hbm>>) dst(%arg10 : memref<80x128xf32, #tpu.memory_space<vmem>>)
      %run_scoped3A_279 = arith.constant 5 : i32
      "tpu.region"() ({
        %run_scoped3A_296 = tpu.sem_alloc : memref<!tpu.dma_semaphore, #tpu.memory_space<semaphore_mem>>
        %dma_start3A_297 = arith.constant 0 : i32
        %dma_start3A_298 = tpu.memref_slice %arg8[%run_scoped3A_279, %dma_start3A_297] : memref<8x80xi32, #tpu.memory_space<vmem>> -> memref<1x80xi32, #tpu.memory_space<vmem>>
        %dma_start3A_299 = tpu.memref_squeeze %dma_start3A_298 : memref<1x80xi32, #tpu.memory_space<vmem>> -> memref<80xi32, #tpu.memory_space<vmem>>
        %dma_start3A_300 = arith.constant 0 : i32
        %dma_start3A_301 = arith.constant 0 : i32
        %dma_start3A_302 = tpu.memref_slice %arg6[%dma_start3A_300, %dma_start3A_301] : memref<10240x128xf32, #tpu.memory_space<vmem_shared>> -> memref<10240x128xf32, #tpu.memory_space<vmem_shared>>
        tpu.enqueue_indirect_dma source(%arg10 : memref<80x128xf32, #tpu.memory_space<vmem>>) target(%dma_start3A_302 : memref<10240x128xf32, #tpu.memory_space<vmem_shared>>) offsets(%dma_start3A_299 : memref<80xi32, #tpu.memory_space<vmem>>) semaphore(%run_scoped3A_296 : memref<!tpu.dma_semaphore, #tpu.memory_space<semaphore_mem>>) {add = true}
        %dma_wait3A_303 = arith.constant 0 : i32
        %dma_wait3A_304 = tpu.memref_slice %arg8[%run_scoped3A_279, %dma_wait3A_303] : memref<8x80xi32, #tpu.memory_space<vmem>> -> memref<1x80xi32, #tpu.memory_space<vmem>>
        %dma_wait3A_305 = tpu.memref_squeeze %dma_wait3A_304 : memref<1x80xi32, #tpu.memory_space<vmem>> -> memref<80xi32, #tpu.memory_space<vmem>>
        %dma_wait3A_306 = arith.constant 0 : i32
        %dma_wait3A_307 = arith.constant 0 : i32
        %dma_wait3A_308 = tpu.memref_slice %arg6[%dma_wait3A_306, %dma_wait3A_307] : memref<10240x128xf32, #tpu.memory_space<vmem_shared>> -> memref<10240x128xf32, #tpu.memory_space<vmem_shared>>
        tpu.wait_indirect_dma semaphore(%run_scoped3A_296 : memref<!tpu.dma_semaphore, #tpu.memory_space<semaphore_mem>>) src(%arg10 : memref<80x128xf32, #tpu.memory_space<vmem>>) dst(%dma_wait3A_308 : memref<10240x128xf32, #tpu.memory_space<vmem_shared>>)
        tpu.yield
      }) : () -> ()
      %dma_wait3A_280 = arith.constant 6 : i32
      %dma_wait3A_281 = arith.constant 0 : i32
      %dma_wait3A_282 = tpu.memref_slice %arg7[%dma_wait3A_280, %dma_wait3A_281] : memref<8x80xi32, #tpu.memory_space<vmem>> -> memref<1x80xi32, #tpu.memory_space<vmem>>
      %dma_wait3A_283 = tpu.memref_squeeze %dma_wait3A_282 : memref<1x80xi32, #tpu.memory_space<vmem>> -> memref<80xi32, #tpu.memory_space<vmem>>
      %dma_wait3A_284 = arith.constant 0 : i32
      %dma_wait3A_285 = arith.constant 0 : i32
      %dma_wait3A_286 = tpu.memref_slice %arg2[%dma_wait3A_284, %dma_wait3A_285] : memref<10000x128xf32, #tpu.memory_space<hbm>> -> memref<10000x128xf32, #tpu.memory_space<hbm>>
      tpu.wait_indirect_dma semaphore(%arg17 : memref<!tpu.dma_semaphore, #tpu.memory_space<semaphore_mem>>) src(%dma_wait3A_286 : memref<10000x128xf32, #tpu.memory_space<hbm>>) dst(%arg11 : memref<80x128xf32, #tpu.memory_space<vmem>>)
      %run_scoped3A_287 = arith.constant 6 : i32
      "tpu.region"() ({
        %run_scoped3A_296 = tpu.sem_alloc : memref<!tpu.dma_semaphore, #tpu.memory_space<semaphore_mem>>
        %dma_start3A_297 = arith.constant 0 : i32
        %dma_start3A_298 = tpu.memref_slice %arg8[%run_scoped3A_287, %dma_start3A_297] : memref<8x80xi32, #tpu.memory_space<vmem>> -> memref<1x80xi32, #tpu.memory_space<vmem>>
        %dma_start3A_299 = tpu.memref_squeeze %dma_start3A_298 : memref<1x80xi32, #tpu.memory_space<vmem>> -> memref<80xi32, #tpu.memory_space<vmem>>
        %dma_start3A_300 = arith.constant 0 : i32
        %dma_start3A_301 = arith.constant 0 : i32
        %dma_start3A_302 = tpu.memref_slice %arg6[%dma_start3A_300, %dma_start3A_301] : memref<10240x128xf32, #tpu.memory_space<vmem_shared>> -> memref<10240x128xf32, #tpu.memory_space<vmem_shared>>
        tpu.enqueue_indirect_dma source(%arg11 : memref<80x128xf32, #tpu.memory_space<vmem>>) target(%dma_start3A_302 : memref<10240x128xf32, #tpu.memory_space<vmem_shared>>) offsets(%dma_start3A_299 : memref<80xi32, #tpu.memory_space<vmem>>) semaphore(%run_scoped3A_296 : memref<!tpu.dma_semaphore, #tpu.memory_space<semaphore_mem>>) {add = true}
        %dma_wait3A_303 = arith.constant 0 : i32
        %dma_wait3A_304 = tpu.memref_slice %arg8[%run_scoped3A_287, %dma_wait3A_303] : memref<8x80xi32, #tpu.memory_space<vmem>> -> memref<1x80xi32, #tpu.memory_space<vmem>>
        %dma_wait3A_305 = tpu.memref_squeeze %dma_wait3A_304 : memref<1x80xi32, #tpu.memory_space<vmem>> -> memref<80xi32, #tpu.memory_space<vmem>>
        %dma_wait3A_306 = arith.constant 0 : i32
        %dma_wait3A_307 = arith.constant 0 : i32
        %dma_wait3A_308 = tpu.memref_slice %arg6[%dma_wait3A_306, %dma_wait3A_307] : memref<10240x128xf32, #tpu.memory_space<vmem_shared>> -> memref<10240x128xf32, #tpu.memory_space<vmem_shared>>
        tpu.wait_indirect_dma semaphore(%run_scoped3A_296 : memref<!tpu.dma_semaphore, #tpu.memory_space<semaphore_mem>>) src(%arg11 : memref<80x128xf32, #tpu.memory_space<vmem>>) dst(%dma_wait3A_308 : memref<10240x128xf32, #tpu.memory_space<vmem_shared>>)
        tpu.yield
      }) : () -> ()
      %dma_wait3A_288 = arith.constant 7 : i32
      %dma_wait3A_289 = arith.constant 0 : i32
      %dma_wait3A_290 = tpu.memref_slice %arg7[%dma_wait3A_288, %dma_wait3A_289] : memref<8x80xi32, #tpu.memory_space<vmem>> -> memref<1x80xi32, #tpu.memory_space<vmem>>
      %dma_wait3A_291 = tpu.memref_squeeze %dma_wait3A_290 : memref<1x80xi32, #tpu.memory_space<vmem>> -> memref<80xi32, #tpu.memory_space<vmem>>
      %dma_wait3A_292 = arith.constant 0 : i32
      %dma_wait3A_293 = arith.constant 0 : i32
      %dma_wait3A_294 = tpu.memref_slice %arg2[%dma_wait3A_292, %dma_wait3A_293] : memref<10000x128xf32, #tpu.memory_space<hbm>> -> memref<10000x128xf32, #tpu.memory_space<hbm>>
      tpu.wait_indirect_dma semaphore(%arg18 : memref<!tpu.dma_semaphore, #tpu.memory_space<semaphore_mem>>) src(%dma_wait3A_294 : memref<10000x128xf32, #tpu.memory_space<hbm>>) dst(%arg12 : memref<80x128xf32, #tpu.memory_space<vmem>>)
      %run_scoped3A_295 = arith.constant 7 : i32
      "tpu.region"() ({
        %run_scoped3A_296 = tpu.sem_alloc : memref<!tpu.dma_semaphore, #tpu.memory_space<semaphore_mem>>
        %dma_start3A_297 = arith.constant 0 : i32
        %dma_start3A_298 = tpu.memref_slice %arg8[%run_scoped3A_295, %dma_start3A_297] : memref<8x80xi32, #tpu.memory_space<vmem>> -> memref<1x80xi32, #tpu.memory_space<vmem>>
        %dma_start3A_299 = tpu.memref_squeeze %dma_start3A_298 : memref<1x80xi32, #tpu.memory_space<vmem>> -> memref<80xi32, #tpu.memory_space<vmem>>
        %dma_start3A_300 = arith.constant 0 : i32
        %dma_start3A_301 = arith.constant 0 : i32
        %dma_start3A_302 = tpu.memref_slice %arg6[%dma_start3A_300, %dma_start3A_301] : memref<10240x128xf32, #tpu.memory_space<vmem_shared>> -> memref<10240x128xf32, #tpu.memory_space<vmem_shared>>
        tpu.enqueue_indirect_dma source(%arg12 : memref<80x128xf32, #tpu.memory_space<vmem>>) target(%dma_start3A_302 : memref<10240x128xf32, #tpu.memory_space<vmem_shared>>) offsets(%dma_start3A_299 : memref<80xi32, #tpu.memory_space<vmem>>) semaphore(%run_scoped3A_296 : memref<!tpu.dma_semaphore, #tpu.memory_space<semaphore_mem>>) {add = true}
        %dma_wait3A_303 = arith.constant 0 : i32
        %dma_wait3A_304 = tpu.memref_slice %arg8[%run_scoped3A_295, %dma_wait3A_303] : memref<8x80xi32, #tpu.memory_space<vmem>> -> memref<1x80xi32, #tpu.memory_space<vmem>>
        %dma_wait3A_305 = tpu.memref_squeeze %dma_wait3A_304 : memref<1x80xi32, #tpu.memory_space<vmem>> -> memref<80xi32, #tpu.memory_space<vmem>>
        %dma_wait3A_306 = arith.constant 0 : i32
        %dma_wait3A_307 = arith.constant 0 : i32
        %dma_wait3A_308 = tpu.memref_slice %arg6[%dma_wait3A_306, %dma_wait3A_307] : memref<10240x128xf32, #tpu.memory_space<vmem_shared>> -> memref<10240x128xf32, #tpu.memory_space<vmem_shared>>
        tpu.wait_indirect_dma semaphore(%run_scoped3A_296 : memref<!tpu.dma_semaphore, #tpu.memory_space<semaphore_mem>>) src(%arg12 : memref<80x128xf32, #tpu.memory_space<vmem>>) dst(%dma_wait3A_308 : memref<10240x128xf32, #tpu.memory_space<vmem_shared>>)
        tpu.yield
      }) : () -> ()
    }
    %scan3A_7 = arith.constant 15 : i32
    %dma_start3A = arith.constant 0 : i32
    %dma_start3A_8 = arith.constant 0 : i32
    %dma_start3A_9 = arith.constant 0 : i32
    %dma_start3A_10 = tpu.memref_slice %arg7[%dma_start3A_8, %dma_start3A_9] : memref<8x80xi32, #tpu.memory_space<vmem>> -> memref<5x80xi32, #tpu.memory_space<vmem>>
    %dma_start3A_11 = arith.constant 120 : i32
    %dma_start3A_12 = arith.constant 0 : i32
    %dma_start3A_13 = tpu.memref_slice %arg3[%dma_start3A, %add3A, %dma_start3A_11, %dma_start3A_12] : memref<2x32x125x80xi32, #tpu.memory_space<hbm>> -> memref<1x1x5x80xi32, #tpu.memory_space<hbm>>
    %dma_start3A_14 = tpu.memref_squeeze %dma_start3A_13 : memref<1x1x5x80xi32, #tpu.memory_space<hbm>> -> memref<5x80xi32, #tpu.memory_space<hbm>>
    %dma_start3A_15 = arith.constant 0 : i32
    %dma_start3A_16 = arith.constant 0 : i32
    %dma_start3A_17 = tpu.memref_slice %arg7[%dma_start3A_15, %dma_start3A_16] : memref<8x80xi32, #tpu.memory_space<vmem>> -> memref<5x80xi32, #tpu.memory_space<vmem>>
    %dma_start3A_18 = arith.constant 120 : i32
    %dma_start3A_19 = arith.constant 0 : i32
    %dma_start3A_20 = tpu.memref_slice %arg3[%dma_start3A, %add3A, %dma_start3A_18, %dma_start3A_19] : memref<2x32x125x80xi32, #tpu.memory_space<hbm>> -> memref<1x1x5x80xi32, #tpu.memory_space<hbm>>
    %dma_start3A_21 = tpu.memref_squeeze %dma_start3A_20 : memref<1x1x5x80xi32, #tpu.memory_space<hbm>> -> memref<5x80xi32, #tpu.memory_space<hbm>>
    tpu.enqueue_dma source(%dma_start3A_21 : memref<5x80xi32, #tpu.memory_space<hbm>>) target(%dma_start3A_17 : memref<5x80xi32, #tpu.memory_space<vmem>>) target_semaphore(%arg13 : memref<!tpu.dma_semaphore, #tpu.memory_space<semaphore_mem>>)
    %dma_wait3A = arith.constant 0 : i32
    %dma_wait3A_22 = arith.constant 0 : i32
    %dma_wait3A_23 = arith.constant 0 : i32
    %dma_wait3A_24 = tpu.memref_slice %arg7[%dma_wait3A_22, %dma_wait3A_23] : memref<8x80xi32, #tpu.memory_space<vmem>> -> memref<5x80xi32, #tpu.memory_space<vmem>>
    %dma_wait3A_25 = arith.constant 120 : i32
    %dma_wait3A_26 = arith.constant 0 : i32
    %dma_wait3A_27 = tpu.memref_slice %arg3[%dma_wait3A, %add3A, %dma_wait3A_25, %dma_wait3A_26] : memref<2x32x125x80xi32, #tpu.memory_space<hbm>> -> memref<1x1x5x80xi32, #tpu.memory_space<hbm>>
    %dma_wait3A_28 = tpu.memref_squeeze %dma_wait3A_27 : memref<1x1x5x80xi32, #tpu.memory_space<hbm>> -> memref<5x80xi32, #tpu.memory_space<hbm>>
    %dma_wait3A_29 = arith.constant 0 : i32
    %dma_wait3A_30 = arith.constant 0 : i32
    %dma_wait3A_31 = tpu.memref_slice %arg7[%dma_wait3A_29, %dma_wait3A_30] : memref<8x80xi32, #tpu.memory_space<vmem>> -> memref<5x80xi32, #tpu.memory_space<vmem>>
    %dma_wait3A_32 = arith.constant 120 : i32
    %dma_wait3A_33 = arith.constant 0 : i32
    %dma_wait3A_34 = tpu.memref_slice %arg3[%dma_wait3A, %add3A, %dma_wait3A_32, %dma_wait3A_33] : memref<2x32x125x80xi32, #tpu.memory_space<hbm>> -> memref<1x1x5x80xi32, #tpu.memory_space<hbm>>
    %dma_wait3A_35 = tpu.memref_squeeze %dma_wait3A_34 : memref<1x1x5x80xi32, #tpu.memory_space<hbm>> -> memref<5x80xi32, #tpu.memory_space<hbm>>
    tpu.wait_dma2 semaphore(%arg13 : memref<!tpu.dma_semaphore, #tpu.memory_space<semaphore_mem>>) src(%dma_wait3A_35 : memref<5x80xi32, #tpu.memory_space<hbm>>) dst(%dma_wait3A_31 : memref<5x80xi32, #tpu.memory_space<vmem>>)
    %dma_start3A_36 = arith.constant 1 : i32
    %dma_start3A_37 = arith.constant 0 : i32
    %dma_start3A_38 = arith.constant 0 : i32
    %dma_start3A_39 = tpu.memref_slice %arg8[%dma_start3A_37, %dma_start3A_38] : memref<8x80xi32, #tpu.memory_space<vmem>> -> memref<5x80xi32, #tpu.memory_space<vmem>>
    %dma_start3A_40 = arith.constant 120 : i32
    %dma_start3A_41 = arith.constant 0 : i32
    %dma_start3A_42 = tpu.memref_slice %arg3[%dma_start3A_36, %add3A, %dma_start3A_40, %dma_start3A_41] : memref<2x32x125x80xi32, #tpu.memory_space<hbm>> -> memref<1x1x5x80xi32, #tpu.memory_space<hbm>>
    %dma_start3A_43 = tpu.memref_squeeze %dma_start3A_42 : memref<1x1x5x80xi32, #tpu.memory_space<hbm>> -> memref<5x80xi32, #tpu.memory_space<hbm>>
    %dma_start3A_44 = arith.constant 0 : i32
    %dma_start3A_45 = arith.constant 0 : i32
    %dma_start3A_46 = tpu.memref_slice %arg8[%dma_start3A_44, %dma_start3A_45] : memref<8x80xi32, #tpu.memory_space<vmem>> -> memref<5x80xi32, #tpu.memory_space<vmem>>
    %dma_start3A_47 = arith.constant 120 : i32
    %dma_start3A_48 = arith.constant 0 : i32
    %dma_start3A_49 = tpu.memref_slice %arg3[%dma_start3A_36, %add3A, %dma_start3A_47, %dma_start3A_48] : memref<2x32x125x80xi32, #tpu.memory_space<hbm>> -> memref<1x1x5x80xi32, #tpu.memory_space<hbm>>
    %dma_start3A_50 = tpu.memref_squeeze %dma_start3A_49 : memref<1x1x5x80xi32, #tpu.memory_space<hbm>> -> memref<5x80xi32, #tpu.memory_space<hbm>>
    tpu.enqueue_dma source(%dma_start3A_50 : memref<5x80xi32, #tpu.memory_space<hbm>>) target(%dma_start3A_46 : memref<5x80xi32, #tpu.memory_space<vmem>>) target_semaphore(%arg14 : memref<!tpu.dma_semaphore, #tpu.memory_space<semaphore_mem>>)
    %dma_wait3A_51 = arith.constant 1 : i32
    %dma_wait3A_52 = arith.constant 0 : i32
    %dma_wait3A_53 = arith.constant 0 : i32
    %dma_wait3A_54 = tpu.memref_slice %arg8[%dma_wait3A_52, %dma_wait3A_53] : memref<8x80xi32, #tpu.memory_space<vmem>> -> memref<5x80xi32, #tpu.memory_space<vmem>>
    %dma_wait3A_55 = arith.constant 120 : i32
    %dma_wait3A_56 = arith.constant 0 : i32
    %dma_wait3A_57 = tpu.memref_slice %arg3[%dma_wait3A_51, %add3A, %dma_wait3A_55, %dma_wait3A_56] : memref<2x32x125x80xi32, #tpu.memory_space<hbm>> -> memref<1x1x5x80xi32, #tpu.memory_space<hbm>>
    %dma_wait3A_58 = tpu.memref_squeeze %dma_wait3A_57 : memref<1x1x5x80xi32, #tpu.memory_space<hbm>> -> memref<5x80xi32, #tpu.memory_space<hbm>>
    %dma_wait3A_59 = arith.constant 0 : i32
    %dma_wait3A_60 = arith.constant 0 : i32
    %dma_wait3A_61 = tpu.memref_slice %arg8[%dma_wait3A_59, %dma_wait3A_60] : memref<8x80xi32, #tpu.memory_space<vmem>> -> memref<5x80xi32, #tpu.memory_space<vmem>>
    %dma_wait3A_62 = arith.constant 120 : i32
    %dma_wait3A_63 = arith.constant 0 : i32
    %dma_wait3A_64 = tpu.memref_slice %arg3[%dma_wait3A_51, %add3A, %dma_wait3A_62, %dma_wait3A_63] : memref<2x32x125x80xi32, #tpu.memory_space<hbm>> -> memref<1x1x5x80xi32, #tpu.memory_space<hbm>>
    %dma_wait3A_65 = tpu.memref_squeeze %dma_wait3A_64 : memref<1x1x5x80xi32, #tpu.memory_space<hbm>> -> memref<5x80xi32, #tpu.memory_space<hbm>>
    tpu.wait_dma2 semaphore(%arg14 : memref<!tpu.dma_semaphore, #tpu.memory_space<semaphore_mem>>) src(%dma_wait3A_65 : memref<5x80xi32, #tpu.memory_space<hbm>>) dst(%dma_wait3A_61 : memref<5x80xi32, #tpu.memory_space<vmem>>)
    %dma_start3A_66 = arith.constant 0 : i32
    %dma_start3A_67 = arith.constant 0 : i32
    %dma_start3A_68 = tpu.memref_slice %arg7[%dma_start3A_66, %dma_start3A_67] : memref<8x80xi32, #tpu.memory_space<vmem>> -> memref<1x80xi32, #tpu.memory_space<vmem>>
    %dma_start3A_69 = tpu.memref_squeeze %dma_start3A_68 : memref<1x80xi32, #tpu.memory_space<vmem>> -> memref<80xi32, #tpu.memory_space<vmem>>
    %dma_start3A_70 = arith.constant 0 : i32
    %dma_start3A_71 = arith.constant 0 : i32
    %dma_start3A_72 = tpu.memref_slice %arg2[%dma_start3A_70, %dma_start3A_71] : memref<10000x128xf32, #tpu.memory_space<hbm>> -> memref<10000x128xf32, #tpu.memory_space<hbm>>
    tpu.enqueue_indirect_dma source(%dma_start3A_72 : memref<10000x128xf32, #tpu.memory_space<hbm>>) target(%arg9 : memref<80x128xf32, #tpu.memory_space<vmem>>) offsets(%dma_start3A_69 : memref<80xi32, #tpu.memory_space<vmem>>) semaphore(%arg15 : memref<!tpu.dma_semaphore, #tpu.memory_space<semaphore_mem>>)
    %dma_start3A_73 = arith.constant 1 : i32
    %dma_start3A_74 = arith.constant 0 : i32
    %dma_start3A_75 = tpu.memref_slice %arg7[%dma_start3A_73, %dma_start3A_74] : memref<8x80xi32, #tpu.memory_space<vmem>> -> memref<1x80xi32, #tpu.memory_space<vmem>>
    %dma_start3A_76 = tpu.memref_squeeze %dma_start3A_75 : memref<1x80xi32, #tpu.memory_space<vmem>> -> memref<80xi32, #tpu.memory_space<vmem>>
    %dma_start3A_77 = arith.constant 0 : i32
    %dma_start3A_78 = arith.constant 0 : i32
    %dma_start3A_79 = tpu.memref_slice %arg2[%dma_start3A_77, %dma_start3A_78] : memref<10000x128xf32, #tpu.memory_space<hbm>> -> memref<10000x128xf32, #tpu.memory_space<hbm>>
    tpu.enqueue_indirect_dma source(%dma_start3A_79 : memref<10000x128xf32, #tpu.memory_space<hbm>>) target(%arg10 : memref<80x128xf32, #tpu.memory_space<vmem>>) offsets(%dma_start3A_76 : memref<80xi32, #tpu.memory_space<vmem>>) semaphore(%arg16 : memref<!tpu.dma_semaphore, #tpu.memory_space<semaphore_mem>>)
    %dma_start3A_80 = arith.constant 2 : i32
    %dma_start3A_81 = arith.constant 0 : i32
    %dma_start3A_82 = tpu.memref_slice %arg7[%dma_start3A_80, %dma_start3A_81] : memref<8x80xi32, #tpu.memory_space<vmem>> -> memref<1x80xi32, #tpu.memory_space<vmem>>
    %dma_start3A_83 = tpu.memref_squeeze %dma_start3A_82 : memref<1x80xi32, #tpu.memory_space<vmem>> -> memref<80xi32, #tpu.memory_space<vmem>>
    %dma_start3A_84 = arith.constant 0 : i32
    %dma_start3A_85 = arith.constant 0 : i32
    %dma_start3A_86 = tpu.memref_slice %arg2[%dma_start3A_84, %dma_start3A_85] : memref<10000x128xf32, #tpu.memory_space<hbm>> -> memref<10000x128xf32, #tpu.memory_space<hbm>>
    tpu.enqueue_indirect_dma source(%dma_start3A_86 : memref<10000x128xf32, #tpu.memory_space<hbm>>) target(%arg11 : memref<80x128xf32, #tpu.memory_space<vmem>>) offsets(%dma_start3A_83 : memref<80xi32, #tpu.memory_space<vmem>>) semaphore(%arg17 : memref<!tpu.dma_semaphore, #tpu.memory_space<semaphore_mem>>)
    %dma_start3A_87 = arith.constant 3 : i32
    %dma_start3A_88 = arith.constant 0 : i32
    %dma_start3A_89 = tpu.memref_slice %arg7[%dma_start3A_87, %dma_start3A_88] : memref<8x80xi32, #tpu.memory_space<vmem>> -> memref<1x80xi32, #tpu.memory_space<vmem>>
    %dma_start3A_90 = tpu.memref_squeeze %dma_start3A_89 : memref<1x80xi32, #tpu.memory_space<vmem>> -> memref<80xi32, #tpu.memory_space<vmem>>
    %dma_start3A_91 = arith.constant 0 : i32
    %dma_start3A_92 = arith.constant 0 : i32
    %dma_start3A_93 = tpu.memref_slice %arg2[%dma_start3A_91, %dma_start3A_92] : memref<10000x128xf32, #tpu.memory_space<hbm>> -> memref<10000x128xf32, #tpu.memory_space<hbm>>
    tpu.enqueue_indirect_dma source(%dma_start3A_93 : memref<10000x128xf32, #tpu.memory_space<hbm>>) target(%arg12 : memref<80x128xf32, #tpu.memory_space<vmem>>) offsets(%dma_start3A_90 : memref<80xi32, #tpu.memory_space<vmem>>) semaphore(%arg18 : memref<!tpu.dma_semaphore, #tpu.memory_space<semaphore_mem>>)
    %dma_wait3A_94 = arith.constant 0 : i32
    %dma_wait3A_95 = arith.constant 0 : i32
    %dma_wait3A_96 = tpu.memref_slice %arg7[%dma_wait3A_94, %dma_wait3A_95] : memref<8x80xi32, #tpu.memory_space<vmem>> -> memref<1x80xi32, #tpu.memory_space<vmem>>
    %dma_wait3A_97 = tpu.memref_squeeze %dma_wait3A_96 : memref<1x80xi32, #tpu.memory_space<vmem>> -> memref<80xi32, #tpu.memory_space<vmem>>
    %dma_wait3A_98 = arith.constant 0 : i32
    %dma_wait3A_99 = arith.constant 0 : i32
    %dma_wait3A_100 = tpu.memref_slice %arg2[%dma_wait3A_98, %dma_wait3A_99] : memref<10000x128xf32, #tpu.memory_space<hbm>> -> memref<10000x128xf32, #tpu.memory_space<hbm>>
    tpu.wait_indirect_dma semaphore(%arg15 : memref<!tpu.dma_semaphore, #tpu.memory_space<semaphore_mem>>) src(%dma_wait3A_100 : memref<10000x128xf32, #tpu.memory_space<hbm>>) dst(%arg9 : memref<80x128xf32, #tpu.memory_space<vmem>>)
    %run_scoped3A = arith.constant 0 : i32
    "tpu.region"() ({
      %run_scoped3A_145 = tpu.sem_alloc : memref<!tpu.dma_semaphore, #tpu.memory_space<semaphore_mem>>
      %dma_start3A_146 = arith.constant 0 : i32
      %dma_start3A_147 = tpu.memref_slice %arg8[%run_scoped3A, %dma_start3A_146] : memref<8x80xi32, #tpu.memory_space<vmem>> -> memref<1x80xi32, #tpu.memory_space<vmem>>
      %dma_start3A_148 = tpu.memref_squeeze %dma_start3A_147 : memref<1x80xi32, #tpu.memory_space<vmem>> -> memref<80xi32, #tpu.memory_space<vmem>>
      %dma_start3A_149 = arith.constant 0 : i32
      %dma_start3A_150 = arith.constant 0 : i32
      %dma_start3A_151 = tpu.memref_slice %arg6[%dma_start3A_149, %dma_start3A_150] : memref<10240x128xf32, #tpu.memory_space<vmem_shared>> -> memref<10240x128xf32, #tpu.memory_space<vmem_shared>>
      tpu.enqueue_indirect_dma source(%arg9 : memref<80x128xf32, #tpu.memory_space<vmem>>) target(%dma_start3A_151 : memref<10240x128xf32, #tpu.memory_space<vmem_shared>>) offsets(%dma_start3A_148 : memref<80xi32, #tpu.memory_space<vmem>>) semaphore(%run_scoped3A_145 : memref<!tpu.dma_semaphore, #tpu.memory_space<semaphore_mem>>) {add = true}
      %dma_wait3A_152 = arith.constant 0 : i32
      %dma_wait3A_153 = tpu.memref_slice %arg8[%run_scoped3A, %dma_wait3A_152] : memref<8x80xi32, #tpu.memory_space<vmem>> -> memref<1x80xi32, #tpu.memory_space<vmem>>
      %dma_wait3A_154 = tpu.memref_squeeze %dma_wait3A_153 : memref<1x80xi32, #tpu.memory_space<vmem>> -> memref<80xi32, #tpu.memory_space<vmem>>
      %dma_wait3A_155 = arith.constant 0 : i32
      %dma_wait3A_156 = arith.constant 0 : i32
      %dma_wait3A_157 = tpu.memref_slice %arg6[%dma_wait3A_155, %dma_wait3A_156] : memref<10240x128xf32, #tpu.memory_space<vmem_shared>> -> memref<10240x128xf32, #tpu.memory_space<vmem_shared>>
      tpu.wait_indirect_dma semaphore(%run_scoped3A_145 : memref<!tpu.dma_semaphore, #tpu.memory_space<semaphore_mem>>) src(%arg9 : memref<80x128xf32, #tpu.memory_space<vmem>>) dst(%dma_wait3A_157 : memref<10240x128xf32, #tpu.memory_space<vmem_shared>>)
      tpu.yield
    }) : () -> ()
    %dma_start3A_101 = arith.constant 4 : i32
    %dma_start3A_102 = arith.constant 0 : i32
    %dma_start3A_103 = tpu.memref_slice %arg7[%dma_start3A_101, %dma_start3A_102] : memref<8x80xi32, #tpu.memory_space<vmem>> -> memref<1x80xi32, #tpu.memory_space<vmem>>
    %dma_start3A_104 = tpu.memref_squeeze %dma_start3A_103 : memref<1x80xi32, #tpu.memory_space<vmem>> -> memref<80xi32, #tpu.memory_space<vmem>>
    %dma_start3A_105 = arith.constant 0 : i32
    %dma_start3A_106 = arith.constant 0 : i32
    %dma_start3A_107 = tpu.memref_slice %arg2[%dma_start3A_105, %dma_start3A_106] : memref<10000x128xf32, #tpu.memory_space<hbm>> -> memref<10000x128xf32, #tpu.memory_space<hbm>>
    tpu.enqueue_indirect_dma source(%dma_start3A_107 : memref<10000x128xf32, #tpu.memory_space<hbm>>) target(%arg9 : memref<80x128xf32, #tpu.memory_space<vmem>>) offsets(%dma_start3A_104 : memref<80xi32, #tpu.memory_space<vmem>>) semaphore(%arg15 : memref<!tpu.dma_semaphore, #tpu.memory_space<semaphore_mem>>)
    %dma_wait3A_108 = arith.constant 1 : i32
    %dma_wait3A_109 = arith.constant 0 : i32
    %dma_wait3A_110 = tpu.memref_slice %arg7[%dma_wait3A_108, %dma_wait3A_109] : memref<8x80xi32, #tpu.memory_space<vmem>> -> memref<1x80xi32, #tpu.memory_space<vmem>>
    %dma_wait3A_111 = tpu.memref_squeeze %dma_wait3A_110 : memref<1x80xi32, #tpu.memory_space<vmem>> -> memref<80xi32, #tpu.memory_space<vmem>>
    %dma_wait3A_112 = arith.constant 0 : i32
    %dma_wait3A_113 = arith.constant 0 : i32
    %dma_wait3A_114 = tpu.memref_slice %arg2[%dma_wait3A_112, %dma_wait3A_113] : memref<10000x128xf32, #tpu.memory_space<hbm>> -> memref<10000x128xf32, #tpu.memory_space<hbm>>
    tpu.wait_indirect_dma semaphore(%arg16 : memref<!tpu.dma_semaphore, #tpu.memory_space<semaphore_mem>>) src(%dma_wait3A_114 : memref<10000x128xf32, #tpu.memory_space<hbm>>) dst(%arg10 : memref<80x128xf32, #tpu.memory_space<vmem>>)
    %run_scoped3A_115 = arith.constant 1 : i32
    "tpu.region"() ({
      %run_scoped3A_145 = tpu.sem_alloc : memref<!tpu.dma_semaphore, #tpu.memory_space<semaphore_mem>>
      %dma_start3A_146 = arith.constant 0 : i32
      %dma_start3A_147 = tpu.memref_slice %arg8[%run_scoped3A_115, %dma_start3A_146] : memref<8x80xi32, #tpu.memory_space<vmem>> -> memref<1x80xi32, #tpu.memory_space<vmem>>
      %dma_start3A_148 = tpu.memref_squeeze %dma_start3A_147 : memref<1x80xi32, #tpu.memory_space<vmem>> -> memref<80xi32, #tpu.memory_space<vmem>>
      %dma_start3A_149 = arith.constant 0 : i32
      %dma_start3A_150 = arith.constant 0 : i32
      %dma_start3A_151 = tpu.memref_slice %arg6[%dma_start3A_149, %dma_start3A_150] : memref<10240x128xf32, #tpu.memory_space<vmem_shared>> -> memref<10240x128xf32, #tpu.memory_space<vmem_shared>>
      tpu.enqueue_indirect_dma source(%arg10 : memref<80x128xf32, #tpu.memory_space<vmem>>) target(%dma_start3A_151 : memref<10240x128xf32, #tpu.memory_space<vmem_shared>>) offsets(%dma_start3A_148 : memref<80xi32, #tpu.memory_space<vmem>>) semaphore(%run_scoped3A_145 : memref<!tpu.dma_semaphore, #tpu.memory_space<semaphore_mem>>) {add = true}
      %dma_wait3A_152 = arith.constant 0 : i32
      %dma_wait3A_153 = tpu.memref_slice %arg8[%run_scoped3A_115, %dma_wait3A_152] : memref<8x80xi32, #tpu.memory_space<vmem>> -> memref<1x80xi32, #tpu.memory_space<vmem>>
      %dma_wait3A_154 = tpu.memref_squeeze %dma_wait3A_153 : memref<1x80xi32, #tpu.memory_space<vmem>> -> memref<80xi32, #tpu.memory_space<vmem>>
      %dma_wait3A_155 = arith.constant 0 : i32
      %dma_wait3A_156 = arith.constant 0 : i32
      %dma_wait3A_157 = tpu.memref_slice %arg6[%dma_wait3A_155, %dma_wait3A_156] : memref<10240x128xf32, #tpu.memory_space<vmem_shared>> -> memref<10240x128xf32, #tpu.memory_space<vmem_shared>>
      tpu.wait_indirect_dma semaphore(%run_scoped3A_145 : memref<!tpu.dma_semaphore, #tpu.memory_space<semaphore_mem>>) src(%arg10 : memref<80x128xf32, #tpu.memory_space<vmem>>) dst(%dma_wait3A_157 : memref<10240x128xf32, #tpu.memory_space<vmem_shared>>)
      tpu.yield
    }) : () -> ()
    %dma_wait3A_116 = arith.constant 2 : i32
    %dma_wait3A_117 = arith.constant 0 : i32
    %dma_wait3A_118 = tpu.memref_slice %arg7[%dma_wait3A_116, %dma_wait3A_117] : memref<8x80xi32, #tpu.memory_space<vmem>> -> memref<1x80xi32, #tpu.memory_space<vmem>>
    %dma_wait3A_119 = tpu.memref_squeeze %dma_wait3A_118 : memref<1x80xi32, #tpu.memory_space<vmem>> -> memref<80xi32, #tpu.memory_space<vmem>>
    %dma_wait3A_120 = arith.constant 0 : i32
    %dma_wait3A_121 = arith.constant 0 : i32
    %dma_wait3A_122 = tpu.memref_slice %arg2[%dma_wait3A_120, %dma_wait3A_121] : memref<10000x128xf32, #tpu.memory_space<hbm>> -> memref<10000x128xf32, #tpu.memory_space<hbm>>
    tpu.wait_indirect_dma semaphore(%arg17 : memref<!tpu.dma_semaphore, #tpu.memory_space<semaphore_mem>>) src(%dma_wait3A_122 : memref<10000x128xf32, #tpu.memory_space<hbm>>) dst(%arg11 : memref<80x128xf32, #tpu.memory_space<vmem>>)
    %run_scoped3A_123 = arith.constant 2 : i32
    "tpu.region"() ({
      %run_scoped3A_145 = tpu.sem_alloc : memref<!tpu.dma_semaphore, #tpu.memory_space<semaphore_mem>>
      %dma_start3A_146 = arith.constant 0 : i32
      %dma_start3A_147 = tpu.memref_slice %arg8[%run_scoped3A_123, %dma_start3A_146] : memref<8x80xi32, #tpu.memory_space<vmem>> -> memref<1x80xi32, #tpu.memory_space<vmem>>
      %dma_start3A_148 = tpu.memref_squeeze %dma_start3A_147 : memref<1x80xi32, #tpu.memory_space<vmem>> -> memref<80xi32, #tpu.memory_space<vmem>>
      %dma_start3A_149 = arith.constant 0 : i32
      %dma_start3A_150 = arith.constant 0 : i32
      %dma_start3A_151 = tpu.memref_slice %arg6[%dma_start3A_149, %dma_start3A_150] : memref<10240x128xf32, #tpu.memory_space<vmem_shared>> -> memref<10240x128xf32, #tpu.memory_space<vmem_shared>>
      tpu.enqueue_indirect_dma source(%arg11 : memref<80x128xf32, #tpu.memory_space<vmem>>) target(%dma_start3A_151 : memref<10240x128xf32, #tpu.memory_space<vmem_shared>>) offsets(%dma_start3A_148 : memref<80xi32, #tpu.memory_space<vmem>>) semaphore(%run_scoped3A_145 : memref<!tpu.dma_semaphore, #tpu.memory_space<semaphore_mem>>) {add = true}
      %dma_wait3A_152 = arith.constant 0 : i32
      %dma_wait3A_153 = tpu.memref_slice %arg8[%run_scoped3A_123, %dma_wait3A_152] : memref<8x80xi32, #tpu.memory_space<vmem>> -> memref<1x80xi32, #tpu.memory_space<vmem>>
      %dma_wait3A_154 = tpu.memref_squeeze %dma_wait3A_153 : memref<1x80xi32, #tpu.memory_space<vmem>> -> memref<80xi32, #tpu.memory_space<vmem>>
      %dma_wait3A_155 = arith.constant 0 : i32
      %dma_wait3A_156 = arith.constant 0 : i32
      %dma_wait3A_157 = tpu.memref_slice %arg6[%dma_wait3A_155, %dma_wait3A_156] : memref<10240x128xf32, #tpu.memory_space<vmem_shared>> -> memref<10240x128xf32, #tpu.memory_space<vmem_shared>>
      tpu.wait_indirect_dma semaphore(%run_scoped3A_145 : memref<!tpu.dma_semaphore, #tpu.memory_space<semaphore_mem>>) src(%arg11 : memref<80x128xf32, #tpu.memory_space<vmem>>) dst(%dma_wait3A_157 : memref<10240x128xf32, #tpu.memory_space<vmem_shared>>)
      tpu.yield
    }) : () -> ()
    %dma_wait3A_124 = arith.constant 3 : i32
    %dma_wait3A_125 = arith.constant 0 : i32
    %dma_wait3A_126 = tpu.memref_slice %arg7[%dma_wait3A_124, %dma_wait3A_125] : memref<8x80xi32, #tpu.memory_space<vmem>> -> memref<1x80xi32, #tpu.memory_space<vmem>>
    %dma_wait3A_127 = tpu.memref_squeeze %dma_wait3A_126 : memref<1x80xi32, #tpu.memory_space<vmem>> -> memref<80xi32, #tpu.memory_space<vmem>>
    %dma_wait3A_128 = arith.constant 0 : i32
    %dma_wait3A_129 = arith.constant 0 : i32
    %dma_wait3A_130 = tpu.memref_slice %arg2[%dma_wait3A_128, %dma_wait3A_129] : memref<10000x128xf32, #tpu.memory_space<hbm>> -> memref<10000x128xf32, #tpu.memory_space<hbm>>
    tpu.wait_indirect_dma semaphore(%arg18 : memref<!tpu.dma_semaphore, #tpu.memory_space<semaphore_mem>>) src(%dma_wait3A_130 : memref<10000x128xf32, #tpu.memory_space<hbm>>) dst(%arg12 : memref<80x128xf32, #tpu.memory_space<vmem>>)
    %run_scoped3A_131 = arith.constant 3 : i32
    "tpu.region"() ({
      %run_scoped3A_145 = tpu.sem_alloc : memref<!tpu.dma_semaphore, #tpu.memory_space<semaphore_mem>>
      %dma_start3A_146 = arith.constant 0 : i32
      %dma_start3A_147 = tpu.memref_slice %arg8[%run_scoped3A_131, %dma_start3A_146] : memref<8x80xi32, #tpu.memory_space<vmem>> -> memref<1x80xi32, #tpu.memory_space<vmem>>
      %dma_start3A_148 = tpu.memref_squeeze %dma_start3A_147 : memref<1x80xi32, #tpu.memory_space<vmem>> -> memref<80xi32, #tpu.memory_space<vmem>>
      %dma_start3A_149 = arith.constant 0 : i32
      %dma_start3A_150 = arith.constant 0 : i32
      %dma_start3A_151 = tpu.memref_slice %arg6[%dma_start3A_149, %dma_start3A_150] : memref<10240x128xf32, #tpu.memory_space<vmem_shared>> -> memref<10240x128xf32, #tpu.memory_space<vmem_shared>>
      tpu.enqueue_indirect_dma source(%arg12 : memref<80x128xf32, #tpu.memory_space<vmem>>) target(%dma_start3A_151 : memref<10240x128xf32, #tpu.memory_space<vmem_shared>>) offsets(%dma_start3A_148 : memref<80xi32, #tpu.memory_space<vmem>>) semaphore(%run_scoped3A_145 : memref<!tpu.dma_semaphore, #tpu.memory_space<semaphore_mem>>) {add = true}
      %dma_wait3A_152 = arith.constant 0 : i32
      %dma_wait3A_153 = tpu.memref_slice %arg8[%run_scoped3A_131, %dma_wait3A_152] : memref<8x80xi32, #tpu.memory_space<vmem>> -> memref<1x80xi32, #tpu.memory_space<vmem>>
      %dma_wait3A_154 = tpu.memref_squeeze %dma_wait3A_153 : memref<1x80xi32, #tpu.memory_space<vmem>> -> memref<80xi32, #tpu.memory_space<vmem>>
      %dma_wait3A_155 = arith.constant 0 : i32
      %dma_wait3A_156 = arith.constant 0 : i32
      %dma_wait3A_157 = tpu.memref_slice %arg6[%dma_wait3A_155, %dma_wait3A_156] : memref<10240x128xf32, #tpu.memory_space<vmem_shared>> -> memref<10240x128xf32, #tpu.memory_space<vmem_shared>>
      tpu.wait_indirect_dma semaphore(%run_scoped3A_145 : memref<!tpu.dma_semaphore, #tpu.memory_space<semaphore_mem>>) src(%arg12 : memref<80x128xf32, #tpu.memory_space<vmem>>) dst(%dma_wait3A_157 : memref<10240x128xf32, #tpu.memory_space<vmem_shared>>)
      tpu.yield
    }) : () -> ()
    %dma_wait3A_132 = arith.constant 4 : i32
    %dma_wait3A_133 = arith.constant 0 : i32
    %dma_wait3A_134 = tpu.memref_slice %arg7[%dma_wait3A_132, %dma_wait3A_133] : memref<8x80xi32, #tpu.memory_space<vmem>> -> memref<1x80xi32, #tpu.memory_space<vmem>>
    %dma_wait3A_135 = tpu.memref_squeeze %dma_wait3A_134 : memref<1x80xi32, #tpu.memory_space<vmem>> -> memref<80xi32, #tpu.memory_space<vmem>>
    %dma_wait3A_136 = arith.constant 0 : i32
    %dma_wait3A_137 = arith.constant 0 : i32
    %dma_wait3A_138 = tpu.memref_slice %arg2[%dma_wait3A_136, %dma_wait3A_137] : memref<10000x128xf32, #tpu.memory_space<hbm>> -> memref<10000x128xf32, #tpu.memory_space<hbm>>
    tpu.wait_indirect_dma semaphore(%arg15 : memref<!tpu.dma_semaphore, #tpu.memory_space<semaphore_mem>>) src(%dma_wait3A_138 : memref<10000x128xf32, #tpu.memory_space<hbm>>) dst(%arg9 : memref<80x128xf32, #tpu.memory_space<vmem>>)
    %run_scoped3A_139 = arith.constant 4 : i32
    "tpu.region"() ({
      %run_scoped3A_145 = tpu.sem_alloc : memref<!tpu.dma_semaphore, #tpu.memory_space<semaphore_mem>>
      %dma_start3A_146 = arith.constant 0 : i32
      %dma_start3A_147 = tpu.memref_slice %arg8[%run_scoped3A_139, %dma_start3A_146] : memref<8x80xi32, #tpu.memory_space<vmem>> -> memref<1x80xi32, #tpu.memory_space<vmem>>
      %dma_start3A_148 = tpu.memref_squeeze %dma_start3A_147 : memref<1x80xi32, #tpu.memory_space<vmem>> -> memref<80xi32, #tpu.memory_space<vmem>>
      %dma_start3A_149 = arith.constant 0 : i32
      %dma_start3A_150 = arith.constant 0 : i32
      %dma_start3A_151 = tpu.memref_slice %arg6[%dma_start3A_149, %dma_start3A_150] : memref<10240x128xf32, #tpu.memory_space<vmem_shared>> -> memref<10240x128xf32, #tpu.memory_space<vmem_shared>>
      tpu.enqueue_indirect_dma source(%arg9 : memref<80x128xf32, #tpu.memory_space<vmem>>) target(%dma_start3A_151 : memref<10240x128xf32, #tpu.memory_space<vmem_shared>>) offsets(%dma_start3A_148 : memref<80xi32, #tpu.memory_space<vmem>>) semaphore(%run_scoped3A_145 : memref<!tpu.dma_semaphore, #tpu.memory_space<semaphore_mem>>) {add = true}
      %dma_wait3A_152 = arith.constant 0 : i32
      %dma_wait3A_153 = tpu.memref_slice %arg8[%run_scoped3A_139, %dma_wait3A_152] : memref<8x80xi32, #tpu.memory_space<vmem>> -> memref<1x80xi32, #tpu.memory_space<vmem>>
      %dma_wait3A_154 = tpu.memref_squeeze %dma_wait3A_153 : memref<1x80xi32, #tpu.memory_space<vmem>> -> memref<80xi32, #tpu.memory_space<vmem>>
      %dma_wait3A_155 = arith.constant 0 : i32
      %dma_wait3A_156 = arith.constant 0 : i32
      %dma_wait3A_157 = tpu.memref_slice %arg6[%dma_wait3A_155, %dma_wait3A_156] : memref<10240x128xf32, #tpu.memory_space<vmem_shared>> -> memref<10240x128xf32, #tpu.memory_space<vmem_shared>>
      tpu.wait_indirect_dma semaphore(%run_scoped3A_145 : memref<!tpu.dma_semaphore, #tpu.memory_space<semaphore_mem>>) src(%arg9 : memref<80x128xf32, #tpu.memory_space<vmem>>) dst(%dma_wait3A_157 : memref<10240x128xf32, #tpu.memory_space<vmem_shared>>)
      tpu.yield
    }) : () -> ()
    %barrier3A_140 = arith.constant 0 : index
    tpu.barrier barrier_id(%barrier3A_140)
    %mul3A_141 = arith.constant 640 : i32
    %mul3A_142 = arith.muli %arg1, %mul3A_141 : i32
    %mul3A_143 = arith.constant 640 : i32
    %mul3A_144 = arith.muli %arg1, %mul3A_143 : i32
    "tpu.region"() ({
      %run_scoped3A_145 = tpu.sem_alloc : memref<!tpu.dma_semaphore, #tpu.memory_space<semaphore_mem>>
      %dma_start3A_146 = arith.constant 0 : i32
      %dma_start3A_147 = tpu.memref_slice %arg5[%arg0, %mul3A_144, %dma_start3A_146] : memref<2x10240x128xf32, #tpu.memory_space<hbm>> -> memref<1x640x128xf32, #tpu.memory_space<hbm>>
      %dma_start3A_148 = tpu.memref_squeeze %dma_start3A_147 : memref<1x640x128xf32, #tpu.memory_space<hbm>> -> memref<640x128xf32, #tpu.memory_space<hbm>>
      %dma_start3A_149 = arith.constant 0 : i32
      %dma_start3A_150 = tpu.memref_slice %arg6[%mul3A_142, %dma_start3A_149] : memref<10240x128xf32, #tpu.memory_space<vmem_shared>> -> memref<640x128xf32, #tpu.memory_space<vmem_shared>>
      tpu.enqueue_dma source(%dma_start3A_150 : memref<640x128xf32, #tpu.memory_space<vmem_shared>>) target(%dma_start3A_148 : memref<640x128xf32, #tpu.memory_space<hbm>>) target_semaphore(%run_scoped3A_145 : memref<!tpu.dma_semaphore, #tpu.memory_space<semaphore_mem>>)
      %dma_wait3A_151 = arith.constant 0 : i32
      %dma_wait3A_152 = tpu.memref_slice %arg5[%arg0, %mul3A_144, %dma_wait3A_151] : memref<2x10240x128xf32, #tpu.memory_space<hbm>> -> memref<1x640x128xf32, #tpu.memory_space<hbm>>
      %dma_wait3A_153 = tpu.memref_squeeze %dma_wait3A_152 : memref<1x640x128xf32, #tpu.memory_space<hbm>> -> memref<640x128xf32, #tpu.memory_space<hbm>>
      %dma_wait3A_154 = arith.constant 0 : i32
      %dma_wait3A_155 = tpu.memref_slice %arg6[%mul3A_142, %dma_wait3A_154] : memref<10240x128xf32, #tpu.memory_space<vmem_shared>> -> memref<640x128xf32, #tpu.memory_space<vmem_shared>>
      tpu.wait_dma2 semaphore(%run_scoped3A_145 : memref<!tpu.dma_semaphore, #tpu.memory_space<semaphore_mem>>) src(%dma_wait3A_155 : memref<640x128xf32, #tpu.memory_space<vmem_shared>>) dst(%dma_wait3A_153 : memref<640x128xf32, #tpu.memory_space<hbm>>)
      tpu.yield
    }) : () -> ()
    return
  }
}

#map = affine_map<(d0, d1) -> (0, 0)>
#map1 = affine_map<(d0, d1) -> (0, 0, 0, 0)>
#map2 = affine_map<(d0, d1) -> (0, 0, 0)>
module attributes {stable_mosaic.version = 14 : i64} {
  func.func @_segsum_kernel(%arg0: i32, %arg1: i32, %arg2: memref<10000x128xf32, #tpu.memory_space<hbm>>, %arg3: memref<2x32x125x80xi32, #tpu.memory_space<hbm>>, %arg4: memref<640x128xf32, #tpu.memory_space<hbm>>, %arg5: memref<2x10240x128xf32, #tpu.memory_space<hbm>>, %arg6: memref<10240x128xf32, #tpu.memory_space<vmem_shared>>, %arg7: memref<8x80xi32, #tpu.memory_space<vmem>>, %arg8: memref<8x80xi32, #tpu.memory_space<vmem>>, %arg9: memref<80x128xf32, #tpu.memory_space<vmem>>, %arg10: memref<80x128xf32, #tpu.memory_space<vmem>>, %arg11: memref<80x128xf32, #tpu.memory_space<vmem>>, %arg12: memref<80x128xf32, #tpu.memory_space<vmem>>, %arg13: memref<!tpu.dma_semaphore, #tpu.memory_space<semaphore_mem>>, %arg14: memref<!tpu.dma_semaphore, #tpu.memory_space<semaphore_mem>>, %arg15: memref<!tpu.dma_semaphore, #tpu.memory_space<semaphore_mem>>, %arg16: memref<!tpu.dma_semaphore, #tpu.memory_space<semaphore_mem>>, %arg17: memref<!tpu.dma_semaphore, #tpu.memory_space<semaphore_mem>>, %arg18: memref<!tpu.dma_semaphore, #tpu.memory_space<semaphore_mem>>) attributes {dimension_semantics = [#tpu.dimension_semantics<core_parallel>, #tpu.dimension_semantics<subcore_parallel>], iteration_bounds = array<i64: 2, 16>, scalar_prefetch = 0 : i64, scratch_operands = 13 : i64, tpu.core_type = #tpu.core_type<sc_vector_subcore>, window_params = [{transform_indices = #map}, {transform_indices = #map1}, {transform_indices = #map}, {transform_indices = #map2}]} {
    %mul3A = arith.constant 640 : i32
    %mul3A_0 = arith.muli %arg1, %mul3A : i32
    "tpu.region"() ({
      %run_scoped3A_145 = tpu.sem_alloc : memref<!tpu.dma_semaphore, #tpu.memory_space<semaphore_mem>>
      %dma_start3A_146 = arith.constant 0 : i32
      %dma_start3A_147 = tpu.memref_slice %arg6[%mul3A_0, %dma_start3A_146] : memref<10240x128xf32, #tpu.memory_space<vmem_shared>> -> memref<640x128xf32, #tpu.memory_space<vmem_shared>>
      tpu.enqueue_dma source(%arg4 : memref<640x128xf32, #tpu.memory_space<hbm>>) target(%dma_start3A_147 : memref<640x128xf32, #tpu.memory_space<vmem_shared>>) target_semaphore(%run_scoped3A_145 : memref<!tpu.dma_semaphore, #tpu.memory_space<semaphore_mem>>)
      %dma_wait3A_148 = arith.constant 0 : i32
      %dma_wait3A_149 = tpu.memref_slice %arg6[%mul3A_0, %dma_wait3A_148] : memref<10240x128xf32, #tpu.memory_space<vmem_shared>> -> memref<640x128xf32, #tpu.memory_space<vmem_shared>>
      tpu.wait_dma2 semaphore(%run_scoped3A_145 : memref<!tpu.dma_semaphore, #tpu.memory_space<semaphore_mem>>) src(%arg4 : memref<640x128xf32, #tpu.memory_space<hbm>>) dst(%dma_wait3A_149 : memref<640x128xf32, #tpu.memory_space<vmem_shared>>)
      tpu.yield
    }) : () -> ()
    %mul3A_1 = arith.constant 16 : i32
    %mul3A_2 = arith.muli %arg0, %mul3A_1 : i32
    %add3A = arith.addi %mul3A_2, %arg1 : i32
    %barrier3A = arith.constant 0 : index
    tpu.barrier barrier_id(%barrier3A)
    %scan3A = arith.constant 0 : i32
    %scan3A_3 = arith.constant 0 : i32
    %scan3A_4 = arith.constant 15 : i32
    %scan3A_5 = arith.addi %scan3A_3, %scan3A_4 : i32
    %scan3A_6 = arith.constant 1 : i32
    scf.for %scan3A_145 = %scan3A_3 to %scan3A_5 step %scan3A_6  : i32 {
      %mul3A_146 = arith.constant 8 : i32
      %mul3A_147 = arith.muli %scan3A_145, %mul3A_146 : i32
      %dma_start3A_148 = arith.constant 0 : i32
      %dma_start3A_149 = arith.constant 0 : i32
      %dma_start3A_150 = tpu.memref_slice %arg3[%dma_start3A_148, %add3A, %mul3A_147, %dma_start3A_149] : memref<2x32x125x80xi32, #tpu.memory_space<hbm>> -> memref<1x1x8x80xi32, #tpu.memory_space<hbm>>
      %dma_start3A_151 = tpu.memref_squeeze %dma_start3A_150 : memref<1x1x8x80xi32, #tpu.memory_space<hbm>> -> memref<8x80xi32, #tpu.memory_space<hbm>>
      %dma_start3A_152 = arith.constant 0 : i32
      %dma_start3A_153 = tpu.memref_slice %arg3[%dma_start3A_148, %add3A, %mul3A_147, %dma_start3A_152] : memref<2x32x125x80xi32, #tpu.memory_space<hbm>> -> memref<1x1x8x80xi32, #tpu.memory_space<hbm>>
      %dma_start3A_154 = tpu.memref_squeeze %dma_start3A_153 : memref<1x1x8x80xi32, #tpu.memory_space<hbm>> -> memref<8x80xi32, #tpu.memory_space<hbm>>
      tpu.enqueue_dma source(%dma_start3A_154 : memref<8x80xi32, #tpu.memory_space<hbm>>) target(%arg7 : memref<8x80xi32, #tpu.memory_space<vmem>>) target_semaphore(%arg13 : memref<!tpu.dma_semaphore, #tpu.memory_space<semaphore_mem>>)
      %dma_start3A_155 = arith.constant 1 : i32
      %dma_start3A_156 = arith.constant 0 : i32
      %dma_start3A_157 = tpu.memref_slice %arg3[%dma_start3A_155, %add3A, %mul3A_147, %dma_start3A_156] : memref<2x32x125x80xi32, #tpu.memory_space<hbm>> -> memref<1x1x8x80xi32, #tpu.memory_space<hbm>>
      %dma_start3A_158 = tpu.memref_squeeze %dma_start3A_157 : memref<1x1x8x80xi32, #tpu.memory_space<hbm>> -> memref<8x80xi32, #tpu.memory_space<hbm>>
      %dma_start3A_159 = arith.constant 0 : i32
      %dma_start3A_160 = tpu.memref_slice %arg3[%dma_start3A_155, %add3A, %mul3A_147, %dma_start3A_159] : memref<2x32x125x80xi32, #tpu.memory_space<hbm>> -> memref<1x1x8x80xi32, #tpu.memory_space<hbm>>
      %dma_start3A_161 = tpu.memref_squeeze %dma_start3A_160 : memref<1x1x8x80xi32, #tpu.memory_space<hbm>> -> memref<8x80xi32, #tpu.memory_space<hbm>>
      tpu.enqueue_dma source(%dma_start3A_161 : memref<8x80xi32, #tpu.memory_space<hbm>>) target(%arg8 : memref<8x80xi32, #tpu.memory_space<vmem>>) target_semaphore(%arg14 : memref<!tpu.dma_semaphore, #tpu.memory_space<semaphore_mem>>)
      %dma_wait3A_162 = arith.constant 0 : i32
      %dma_wait3A_163 = arith.constant 0 : i32
      %dma_wait3A_164 = tpu.memref_slice %arg3[%dma_wait3A_162, %add3A, %mul3A_147, %dma_wait3A_163] : memref<2x32x125x80xi32, #tpu.memory_space<hbm>> -> memref<1x1x8x80xi32, #tpu.memory_space<hbm>>
      %dma_wait3A_165 = tpu.memref_squeeze %dma_wait3A_164 : memref<1x1x8x80xi32, #tpu.memory_space<hbm>> -> memref<8x80xi32, #tpu.memory_space<hbm>>
      %dma_wait3A_166 = arith.constant 0 : i32
      %dma_wait3A_167 = tpu.memref_slice %arg3[%dma_wait3A_162, %add3A, %mul3A_147, %dma_wait3A_166] : memref<2x32x125x80xi32, #tpu.memory_space<hbm>> -> memref<1x1x8x80xi32, #tpu.memory_space<hbm>>
      %dma_wait3A_168 = tpu.memref_squeeze %dma_wait3A_167 : memref<1x1x8x80xi32, #tpu.memory_space<hbm>> -> memref<8x80xi32, #tpu.memory_space<hbm>>
      tpu.wait_dma2 semaphore(%arg13 : memref<!tpu.dma_semaphore, #tpu.memory_space<semaphore_mem>>) src(%dma_wait3A_168 : memref<8x80xi32, #tpu.memory_space<hbm>>) dst(%arg7 : memref<8x80xi32, #tpu.memory_space<vmem>>)
      %dma_wait3A_169 = arith.constant 1 : i32
      %dma_wait3A_170 = arith.constant 0 : i32
      %dma_wait3A_171 = tpu.memref_slice %arg3[%dma_wait3A_169, %add3A, %mul3A_147, %dma_wait3A_170] : memref<2x32x125x80xi32, #tpu.memory_space<hbm>> -> memref<1x1x8x80xi32, #tpu.memory_space<hbm>>
      %dma_wait3A_172 = tpu.memref_squeeze %dma_wait3A_171 : memref<1x1x8x80xi32, #tpu.memory_space<hbm>> -> memref<8x80xi32, #tpu.memory_space<hbm>>
      %dma_wait3A_173 = arith.constant 0 : i32
      %dma_wait3A_174 = tpu.memref_slice %arg3[%dma_wait3A_169, %add3A, %mul3A_147, %dma_wait3A_173] : memref<2x32x125x80xi32, #tpu.memory_space<hbm>> -> memref<1x1x8x80xi32, #tpu.memory_space<hbm>>
      %dma_wait3A_175 = tpu.memref_squeeze %dma_wait3A_174 : memref<1x1x8x80xi32, #tpu.memory_space<hbm>> -> memref<8x80xi32, #tpu.memory_space<hbm>>
      tpu.wait_dma2 semaphore(%arg14 : memref<!tpu.dma_semaphore, #tpu.memory_space<semaphore_mem>>) src(%dma_wait3A_175 : memref<8x80xi32, #tpu.memory_space<hbm>>) dst(%arg8 : memref<8x80xi32, #tpu.memory_space<vmem>>)
      %dma_start3A_176 = arith.constant 0 : i32
      %dma_start3A_177 = arith.constant 0 : i32
      %dma_start3A_178 = tpu.memref_slice %arg7[%dma_start3A_176, %dma_start3A_177] : memref<8x80xi32, #tpu.memory_space<vmem>> -> memref<1x80xi32, #tpu.memory_space<vmem>>
      %dma_start3A_179 = tpu.memref_squeeze %dma_start3A_178 : memref<1x80xi32, #tpu.memory_space<vmem>> -> memref<80xi32, #tpu.memory_space<vmem>>
      %dma_start3A_180 = arith.constant 0 : i32
      %dma_start3A_181 = arith.constant 0 : i32
      %dma_start3A_182 = tpu.memref_slice %arg2[%dma_start3A_180, %dma_start3A_181] : memref<10000x128xf32, #tpu.memory_space<hbm>> -> memref<10000x128xf32, #tpu.memory_space<hbm>>
      tpu.enqueue_indirect_dma source(%dma_start3A_182 : memref<10000x128xf32, #tpu.memory_space<hbm>>) target(%arg9 : memref<80x128xf32, #tpu.memory_space<vmem>>) offsets(%dma_start3A_179 : memref<80xi32, #tpu.memory_space<vmem>>) semaphore(%arg15 : memref<!tpu.dma_semaphore, #tpu.memory_space<semaphore_mem>>)
      %dma_start3A_183 = arith.constant 1 : i32
      %dma_start3A_184 = arith.constant 0 : i32
      %dma_start3A_185 = tpu.memref_slice %arg7[%dma_start3A_183, %dma_start3A_184] : memref<8x80xi32, #tpu.memory_space<vmem>> -> memref<1x80xi32, #tpu.memory_space<vmem>>
      %dma_start3A_186 = tpu.memref_squeeze %dma_start3A_185 : memref<1x80xi32, #tpu.memory_space<vmem>> -> memref<80xi32, #tpu.memory_space<vmem>>
      %dma_start3A_187 = arith.constant 0 : i32
      %dma_start3A_188 = arith.constant 0 : i32
      %dma_start3A_189 = tpu.memref_slice %arg2[%dma_start3A_187, %dma_start3A_188] : memref<10000x128xf32, #tpu.memory_space<hbm>> -> memref<10000x128xf32, #tpu.memory_space<hbm>>
      tpu.enqueue_indirect_dma source(%dma_start3A_189 : memref<10000x128xf32, #tpu.memory_space<hbm>>) target(%arg10 : memref<80x128xf32, #tpu.memory_space<vmem>>) offsets(%dma_start3A_186 : memref<80xi32, #tpu.memory_space<vmem>>) semaphore(%arg16 : memref<!tpu.dma_semaphore, #tpu.memory_space<semaphore_mem>>)
      %dma_start3A_190 = arith.constant 2 : i32
      %dma_start3A_191 = arith.constant 0 : i32
      %dma_start3A_192 = tpu.memref_slice %arg7[%dma_start3A_190, %dma_start3A_191] : memref<8x80xi32, #tpu.memory_space<vmem>> -> memref<1x80xi32, #tpu.memory_space<vmem>>
      %dma_start3A_193 = tpu.memref_squeeze %dma_start3A_192 : memref<1x80xi32, #tpu.memory_space<vmem>> -> memref<80xi32, #tpu.memory_space<vmem>>
      %dma_start3A_194 = arith.constant 0 : i32
      %dma_start3A_195 = arith.constant 0 : i32
      %dma_start3A_196 = tpu.memref_slice %arg2[%dma_start3A_194, %dma_start3A_195] : memref<10000x128xf32, #tpu.memory_space<hbm>> -> memref<10000x128xf32, #tpu.memory_space<hbm>>
      tpu.enqueue_indirect_dma source(%dma_start3A_196 : memref<10000x128xf32, #tpu.memory_space<hbm>>) target(%arg11 : memref<80x128xf32, #tpu.memory_space<vmem>>) offsets(%dma_start3A_193 : memref<80xi32, #tpu.memory_space<vmem>>) semaphore(%arg17 : memref<!tpu.dma_semaphore, #tpu.memory_space<semaphore_mem>>)
      %dma_start3A_197 = arith.constant 3 : i32
      %dma_start3A_198 = arith.constant 0 : i32
      %dma_start3A_199 = tpu.memref_slice %arg7[%dma_start3A_197, %dma_start3A_198] : memref<8x80xi32, #tpu.memory_space<vmem>> -> memref<1x80xi32, #tpu.memory_space<vmem>>
      %dma_start3A_200 = tpu.memref_squeeze %dma_start3A_199 : memref<1x80xi32, #tpu.memory_space<vmem>> -> memref<80xi32, #tpu.memory_space<vmem>>
      %dma_start3A_201 = arith.constant 0 : i32
      %dma_start3A_202 = arith.constant 0 : i32
      %dma_start3A_203 = tpu.memref_slice %arg2[%dma_start3A_201, %dma_start3A_202] : memref<10000x128xf32, #tpu.memory_space<hbm>> -> memref<10000x128xf32, #tpu.memory_space<hbm>>
      tpu.enqueue_indirect_dma source(%dma_start3A_203 : memref<10000x128xf32, #tpu.memory_space<hbm>>) target(%arg12 : memref<80x128xf32, #tpu.memory_space<vmem>>) offsets(%dma_start3A_200 : memref<80xi32, #tpu.memory_space<vmem>>) semaphore(%arg18 : memref<!tpu.dma_semaphore, #tpu.memory_space<semaphore_mem>>)
      %dma_wait3A_204 = arith.constant 0 : i32
      %dma_wait3A_205 = arith.constant 0 : i32
      %dma_wait3A_206 = tpu.memref_slice %arg7[%dma_wait3A_204, %dma_wait3A_205] : memref<8x80xi32, #tpu.memory_space<vmem>> -> memref<1x80xi32, #tpu.memory_space<vmem>>
      %dma_wait3A_207 = tpu.memref_squeeze %dma_wait3A_206 : memref<1x80xi32, #tpu.memory_space<vmem>> -> memref<80xi32, #tpu.memory_space<vmem>>
      %dma_wait3A_208 = arith.constant 0 : i32
      %dma_wait3A_209 = arith.constant 0 : i32
      %dma_wait3A_210 = tpu.memref_slice %arg2[%dma_wait3A_208, %dma_wait3A_209] : memref<10000x128xf32, #tpu.memory_space<hbm>> -> memref<10000x128xf32, #tpu.memory_space<hbm>>
      tpu.wait_indirect_dma semaphore(%arg15 : memref<!tpu.dma_semaphore, #tpu.memory_space<semaphore_mem>>) src(%dma_wait3A_210 : memref<10000x128xf32, #tpu.memory_space<hbm>>) dst(%arg9 : memref<80x128xf32, #tpu.memory_space<vmem>>)
      %run_scoped3A_211 = arith.constant 0 : i32
      "tpu.region"() ({
        %run_scoped3A_296 = tpu.sem_alloc : memref<!tpu.dma_semaphore, #tpu.memory_space<semaphore_mem>>
        %dma_start3A_297 = arith.constant 0 : i32
        %dma_start3A_298 = tpu.memref_slice %arg8[%run_scoped3A_211, %dma_start3A_297] : memref<8x80xi32, #tpu.memory_space<vmem>> -> memref<1x80xi32, #tpu.memory_space<vmem>>
        %dma_start3A_299 = tpu.memref_squeeze %dma_start3A_298 : memref<1x80xi32, #tpu.memory_space<vmem>> -> memref<80xi32, #tpu.memory_space<vmem>>
        %dma_start3A_300 = arith.constant 0 : i32
        %dma_start3A_301 = arith.constant 0 : i32
        %dma_start3A_302 = tpu.memref_slice %arg6[%dma_start3A_300, %dma_start3A_301] : memref<10240x128xf32, #tpu.memory_space<vmem_shared>> -> memref<10240x128xf32, #tpu.memory_space<vmem_shared>>
        tpu.enqueue_indirect_dma source(%arg9 : memref<80x128xf32, #tpu.memory_space<vmem>>) target(%dma_start3A_302 : memref<10240x128xf32, #tpu.memory_space<vmem_shared>>) offsets(%dma_start3A_299 : memref<80xi32, #tpu.memory_space<vmem>>) semaphore(%run_scoped3A_296 : memref<!tpu.dma_semaphore, #tpu.memory_space<semaphore_mem>>) {add = true}
        %dma_wait3A_303 = arith.constant 0 : i32
        %dma_wait3A_304 = tpu.memref_slice %arg8[%run_scoped3A_211, %dma_wait3A_303] : memref<8x80xi32, #tpu.memory_space<vmem>> -> memref<1x80xi32, #tpu.memory_space<vmem>>
        %dma_wait3A_305 = tpu.memref_squeeze %dma_wait3A_304 : memref<1x80xi32, #tpu.memory_space<vmem>> -> memref<80xi32, #tpu.memory_space<vmem>>
        %dma_wait3A_306 = arith.constant 0 : i32
        %dma_wait3A_307 = arith.constant 0 : i32
        %dma_wait3A_308 = tpu.memref_slice %arg6[%dma_wait3A_306, %dma_wait3A_307] : memref<10240x128xf32, #tpu.memory_space<vmem_shared>> -> memref<10240x128xf32, #tpu.memory_space<vmem_shared>>
        tpu.wait_indirect_dma semaphore(%run_scoped3A_296 : memref<!tpu.dma_semaphore, #tpu.memory_space<semaphore_mem>>) src(%arg9 : memref<80x128xf32, #tpu.memory_space<vmem>>) dst(%dma_wait3A_308 : memref<10240x128xf32, #tpu.memory_space<vmem_shared>>)
        tpu.yield
      }) : () -> ()
      %dma_wait3A_212 = arith.constant 1 : i32
      %dma_wait3A_213 = arith.constant 0 : i32
      %dma_wait3A_214 = tpu.memref_slice %arg7[%dma_wait3A_212, %dma_wait3A_213] : memref<8x80xi32, #tpu.memory_space<vmem>> -> memref<1x80xi32, #tpu.memory_space<vmem>>
      %dma_wait3A_215 = tpu.memref_squeeze %dma_wait3A_214 : memref<1x80xi32, #tpu.memory_space<vmem>> -> memref<80xi32, #tpu.memory_space<vmem>>
      %dma_wait3A_216 = arith.constant 0 : i32
      %dma_wait3A_217 = arith.constant 0 : i32
      %dma_wait3A_218 = tpu.memref_slice %arg2[%dma_wait3A_216, %dma_wait3A_217] : memref<10000x128xf32, #tpu.memory_space<hbm>> -> memref<10000x128xf32, #tpu.memory_space<hbm>>
      tpu.wait_indirect_dma semaphore(%arg16 : memref<!tpu.dma_semaphore, #tpu.memory_space<semaphore_mem>>) src(%dma_wait3A_218 : memref<10000x128xf32, #tpu.memory_space<hbm>>) dst(%arg10 : memref<80x128xf32, #tpu.memory_space<vmem>>)
      %run_scoped3A_219 = arith.constant 1 : i32
      "tpu.region"() ({
        %run_scoped3A_296 = tpu.sem_alloc : memref<!tpu.dma_semaphore, #tpu.memory_space<semaphore_mem>>
        %dma_start3A_297 = arith.constant 0 : i32
        %dma_start3A_298 = tpu.memref_slice %arg8[%run_scoped3A_219, %dma_start3A_297] : memref<8x80xi32, #tpu.memory_space<vmem>> -> memref<1x80xi32, #tpu.memory_space<vmem>>
        %dma_start3A_299 = tpu.memref_squeeze %dma_start3A_298 : memref<1x80xi32, #tpu.memory_space<vmem>> -> memref<80xi32, #tpu.memory_space<vmem>>
        %dma_start3A_300 = arith.constant 0 : i32
        %dma_start3A_301 = arith.constant 0 : i32
        %dma_start3A_302 = tpu.memref_slice %arg6[%dma_start3A_300, %dma_start3A_301] : memref<10240x128xf32, #tpu.memory_space<vmem_shared>> -> memref<10240x128xf32, #tpu.memory_space<vmem_shared>>
        tpu.enqueue_indirect_dma source(%arg10 : memref<80x128xf32, #tpu.memory_space<vmem>>) target(%dma_start3A_302 : memref<10240x128xf32, #tpu.memory_space<vmem_shared>>) offsets(%dma_start3A_299 : memref<80xi32, #tpu.memory_space<vmem>>) semaphore(%run_scoped3A_296 : memref<!tpu.dma_semaphore, #tpu.memory_space<semaphore_mem>>) {add = true}
        %dma_wait3A_303 = arith.constant 0 : i32
        %dma_wait3A_304 = tpu.memref_slice %arg8[%run_scoped3A_219, %dma_wait3A_303] : memref<8x80xi32, #tpu.memory_space<vmem>> -> memref<1x80xi32, #tpu.memory_space<vmem>>
        %dma_wait3A_305 = tpu.memref_squeeze %dma_wait3A_304 : memref<1x80xi32, #tpu.memory_space<vmem>> -> memref<80xi32, #tpu.memory_space<vmem>>
        %dma_wait3A_306 = arith.constant 0 : i32
        %dma_wait3A_307 = arith.constant 0 : i32
        %dma_wait3A_308 = tpu.memref_slice %arg6[%dma_wait3A_306, %dma_wait3A_307] : memref<10240x128xf32, #tpu.memory_space<vmem_shared>> -> memref<10240x128xf32, #tpu.memory_space<vmem_shared>>
        tpu.wait_indirect_dma semaphore(%run_scoped3A_296 : memref<!tpu.dma_semaphore, #tpu.memory_space<semaphore_mem>>) src(%arg10 : memref<80x128xf32, #tpu.memory_space<vmem>>) dst(%dma_wait3A_308 : memref<10240x128xf32, #tpu.memory_space<vmem_shared>>)
        tpu.yield
      }) : () -> ()
      %dma_wait3A_220 = arith.constant 2 : i32
      %dma_wait3A_221 = arith.constant 0 : i32
      %dma_wait3A_222 = tpu.memref_slice %arg7[%dma_wait3A_220, %dma_wait3A_221] : memref<8x80xi32, #tpu.memory_space<vmem>> -> memref<1x80xi32, #tpu.memory_space<vmem>>
      %dma_wait3A_223 = tpu.memref_squeeze %dma_wait3A_222 : memref<1x80xi32, #tpu.memory_space<vmem>> -> memref<80xi32, #tpu.memory_space<vmem>>
      %dma_wait3A_224 = arith.constant 0 : i32
      %dma_wait3A_225 = arith.constant 0 : i32
      %dma_wait3A_226 = tpu.memref_slice %arg2[%dma_wait3A_224, %dma_wait3A_225] : memref<10000x128xf32, #tpu.memory_space<hbm>> -> memref<10000x128xf32, #tpu.memory_space<hbm>>
      tpu.wait_indirect_dma semaphore(%arg17 : memref<!tpu.dma_semaphore, #tpu.memory_space<semaphore_mem>>) src(%dma_wait3A_226 : memref<10000x128xf32, #tpu.memory_space<hbm>>) dst(%arg11 : memref<80x128xf32, #tpu.memory_space<vmem>>)
      %run_scoped3A_227 = arith.constant 2 : i32
      "tpu.region"() ({
        %run_scoped3A_296 = tpu.sem_alloc : memref<!tpu.dma_semaphore, #tpu.memory_space<semaphore_mem>>
        %dma_start3A_297 = arith.constant 0 : i32
        %dma_start3A_298 = tpu.memref_slice %arg8[%run_scoped3A_227, %dma_start3A_297] : memref<8x80xi32, #tpu.memory_space<vmem>> -> memref<1x80xi32, #tpu.memory_space<vmem>>
        %dma_start3A_299 = tpu.memref_squeeze %dma_start3A_298 : memref<1x80xi32, #tpu.memory_space<vmem>> -> memref<80xi32, #tpu.memory_space<vmem>>
        %dma_start3A_300 = arith.constant 0 : i32
        %dma_start3A_301 = arith.constant 0 : i32
        %dma_start3A_302 = tpu.memref_slice %arg6[%dma_start3A_300, %dma_start3A_301] : memref<10240x128xf32, #tpu.memory_space<vmem_shared>> -> memref<10240x128xf32, #tpu.memory_space<vmem_shared>>
        tpu.enqueue_indirect_dma source(%arg11 : memref<80x128xf32, #tpu.memory_space<vmem>>) target(%dma_start3A_302 : memref<10240x128xf32, #tpu.memory_space<vmem_shared>>) offsets(%dma_start3A_299 : memref<80xi32, #tpu.memory_space<vmem>>) semaphore(%run_scoped3A_296 : memref<!tpu.dma_semaphore, #tpu.memory_space<semaphore_mem>>) {add = true}
        %dma_wait3A_303 = arith.constant 0 : i32
        %dma_wait3A_304 = tpu.memref_slice %arg8[%run_scoped3A_227, %dma_wait3A_303] : memref<8x80xi32, #tpu.memory_space<vmem>> -> memref<1x80xi32, #tpu.memory_space<vmem>>
        %dma_wait3A_305 = tpu.memref_squeeze %dma_wait3A_304 : memref<1x80xi32, #tpu.memory_space<vmem>> -> memref<80xi32, #tpu.memory_space<vmem>>
        %dma_wait3A_306 = arith.constant 0 : i32
        %dma_wait3A_307 = arith.constant 0 : i32
        %dma_wait3A_308 = tpu.memref_slice %arg6[%dma_wait3A_306, %dma_wait3A_307] : memref<10240x128xf32, #tpu.memory_space<vmem_shared>> -> memref<10240x128xf32, #tpu.memory_space<vmem_shared>>
        tpu.wait_indirect_dma semaphore(%run_scoped3A_296 : memref<!tpu.dma_semaphore, #tpu.memory_space<semaphore_mem>>) src(%arg11 : memref<80x128xf32, #tpu.memory_space<vmem>>) dst(%dma_wait3A_308 : memref<10240x128xf32, #tpu.memory_space<vmem_shared>>)
        tpu.yield
      }) : () -> ()
      %dma_wait3A_228 = arith.constant 3 : i32
      %dma_wait3A_229 = arith.constant 0 : i32
      %dma_wait3A_230 = tpu.memref_slice %arg7[%dma_wait3A_228, %dma_wait3A_229] : memref<8x80xi32, #tpu.memory_space<vmem>> -> memref<1x80xi32, #tpu.memory_space<vmem>>
      %dma_wait3A_231 = tpu.memref_squeeze %dma_wait3A_230 : memref<1x80xi32, #tpu.memory_space<vmem>> -> memref<80xi32, #tpu.memory_space<vmem>>
      %dma_wait3A_232 = arith.constant 0 : i32
      %dma_wait3A_233 = arith.constant 0 : i32
      %dma_wait3A_234 = tpu.memref_slice %arg2[%dma_wait3A_232, %dma_wait3A_233] : memref<10000x128xf32, #tpu.memory_space<hbm>> -> memref<10000x128xf32, #tpu.memory_space<hbm>>
      tpu.wait_indirect_dma semaphore(%arg18 : memref<!tpu.dma_semaphore, #tpu.memory_space<semaphore_mem>>) src(%dma_wait3A_234 : memref<10000x128xf32, #tpu.memory_space<hbm>>) dst(%arg12 : memref<80x128xf32, #tpu.memory_space<vmem>>)
      %run_scoped3A_235 = arith.constant 3 : i32
      "tpu.region"() ({
        %run_scoped3A_296 = tpu.sem_alloc : memref<!tpu.dma_semaphore, #tpu.memory_space<semaphore_mem>>
        %dma_start3A_297 = arith.constant 0 : i32
        %dma_start3A_298 = tpu.memref_slice %arg8[%run_scoped3A_235, %dma_start3A_297] : memref<8x80xi32, #tpu.memory_space<vmem>> -> memref<1x80xi32, #tpu.memory_space<vmem>>
        %dma_start3A_299 = tpu.memref_squeeze %dma_start3A_298 : memref<1x80xi32, #tpu.memory_space<vmem>> -> memref<80xi32, #tpu.memory_space<vmem>>
        %dma_start3A_300 = arith.constant 0 : i32
        %dma_start3A_301 = arith.constant 0 : i32
        %dma_start3A_302 = tpu.memref_slice %arg6[%dma_start3A_300, %dma_start3A_301] : memref<10240x128xf32, #tpu.memory_space<vmem_shared>> -> memref<10240x128xf32, #tpu.memory_space<vmem_shared>>
        tpu.enqueue_indirect_dma source(%arg12 : memref<80x128xf32, #tpu.memory_space<vmem>>) target(%dma_start3A_302 : memref<10240x128xf32, #tpu.memory_space<vmem_shared>>) offsets(%dma_start3A_299 : memref<80xi32, #tpu.memory_space<vmem>>) semaphore(%run_scoped3A_296 : memref<!tpu.dma_semaphore, #tpu.memory_space<semaphore_mem>>) {add = true}
        %dma_wait3A_303 = arith.constant 0 : i32
        %dma_wait3A_304 = tpu.memref_slice %arg8[%run_scoped3A_235, %dma_wait3A_303] : memref<8x80xi32, #tpu.memory_space<vmem>> -> memref<1x80xi32, #tpu.memory_space<vmem>>
        %dma_wait3A_305 = tpu.memref_squeeze %dma_wait3A_304 : memref<1x80xi32, #tpu.memory_space<vmem>> -> memref<80xi32, #tpu.memory_space<vmem>>
        %dma_wait3A_306 = arith.constant 0 : i32
        %dma_wait3A_307 = arith.constant 0 : i32
        %dma_wait3A_308 = tpu.memref_slice %arg6[%dma_wait3A_306, %dma_wait3A_307] : memref<10240x128xf32, #tpu.memory_space<vmem_shared>> -> memref<10240x128xf32, #tpu.memory_space<vmem_shared>>
        tpu.wait_indirect_dma semaphore(%run_scoped3A_296 : memref<!tpu.dma_semaphore, #tpu.memory_space<semaphore_mem>>) src(%arg12 : memref<80x128xf32, #tpu.memory_space<vmem>>) dst(%dma_wait3A_308 : memref<10240x128xf32, #tpu.memory_space<vmem_shared>>)
        tpu.yield
      }) : () -> ()
      %dma_start3A_236 = arith.constant 4 : i32
      %dma_start3A_237 = arith.constant 0 : i32
      %dma_start3A_238 = tpu.memref_slice %arg7[%dma_start3A_236, %dma_start3A_237] : memref<8x80xi32, #tpu.memory_space<vmem>> -> memref<1x80xi32, #tpu.memory_space<vmem>>
      %dma_start3A_239 = tpu.memref_squeeze %dma_start3A_238 : memref<1x80xi32, #tpu.memory_space<vmem>> -> memref<80xi32, #tpu.memory_space<vmem>>
      %dma_start3A_240 = arith.constant 0 : i32
      %dma_start3A_241 = arith.constant 0 : i32
      %dma_start3A_242 = tpu.memref_slice %arg2[%dma_start3A_240, %dma_start3A_241] : memref<10000x128xf32, #tpu.memory_space<hbm>> -> memref<10000x128xf32, #tpu.memory_space<hbm>>
      tpu.enqueue_indirect_dma source(%dma_start3A_242 : memref<10000x128xf32, #tpu.memory_space<hbm>>) target(%arg9 : memref<80x128xf32, #tpu.memory_space<vmem>>) offsets(%dma_start3A_239 : memref<80xi32, #tpu.memory_space<vmem>>) semaphore(%arg15 : memref<!tpu.dma_semaphore, #tpu.memory_space<semaphore_mem>>)
      %dma_start3A_243 = arith.constant 5 : i32
      %dma_start3A_244 = arith.constant 0 : i32
      %dma_start3A_245 = tpu.memref_slice %arg7[%dma_start3A_243, %dma_start3A_244] : memref<8x80xi32, #tpu.memory_space<vmem>> -> memref<1x80xi32, #tpu.memory_space<vmem>>
      %dma_start3A_246 = tpu.memref_squeeze %dma_start3A_245 : memref<1x80xi32, #tpu.memory_space<vmem>> -> memref<80xi32, #tpu.memory_space<vmem>>
      %dma_start3A_247 = arith.constant 0 : i32
      %dma_start3A_248 = arith.constant 0 : i32
      %dma_start3A_249 = tpu.memref_slice %arg2[%dma_start3A_247, %dma_start3A_248] : memref<10000x128xf32, #tpu.memory_space<hbm>> -> memref<10000x128xf32, #tpu.memory_space<hbm>>
      tpu.enqueue_indirect_dma source(%dma_start3A_249 : memref<10000x128xf32, #tpu.memory_space<hbm>>) target(%arg10 : memref<80x128xf32, #tpu.memory_space<vmem>>) offsets(%dma_start3A_246 : memref<80xi32, #tpu.memory_space<vmem>>) semaphore(%arg16 : memref<!tpu.dma_semaphore, #tpu.memory_space<semaphore_mem>>)
      %dma_start3A_250 = arith.constant 6 : i32
      %dma_start3A_251 = arith.constant 0 : i32
      %dma_start3A_252 = tpu.memref_slice %arg7[%dma_start3A_250, %dma_start3A_251] : memref<8x80xi32, #tpu.memory_space<vmem>> -> memref<1x80xi32, #tpu.memory_space<vmem>>
      %dma_start3A_253 = tpu.memref_squeeze %dma_start3A_252 : memref<1x80xi32, #tpu.memory_space<vmem>> -> memref<80xi32, #tpu.memory_space<vmem>>
      %dma_start3A_254 = arith.constant 0 : i32
      %dma_start3A_255 = arith.constant 0 : i32
      %dma_start3A_256 = tpu.memref_slice %arg2[%dma_start3A_254, %dma_start3A_255] : memref<10000x128xf32, #tpu.memory_space<hbm>> -> memref<10000x128xf32, #tpu.memory_space<hbm>>
      tpu.enqueue_indirect_dma source(%dma_start3A_256 : memref<10000x128xf32, #tpu.memory_space<hbm>>) target(%arg11 : memref<80x128xf32, #tpu.memory_space<vmem>>) offsets(%dma_start3A_253 : memref<80xi32, #tpu.memory_space<vmem>>) semaphore(%arg17 : memref<!tpu.dma_semaphore, #tpu.memory_space<semaphore_mem>>)
      %dma_start3A_257 = arith.constant 7 : i32
      %dma_start3A_258 = arith.constant 0 : i32
      %dma_start3A_259 = tpu.memref_slice %arg7[%dma_start3A_257, %dma_start3A_258] : memref<8x80xi32, #tpu.memory_space<vmem>> -> memref<1x80xi32, #tpu.memory_space<vmem>>
      %dma_start3A_260 = tpu.memref_squeeze %dma_start3A_259 : memref<1x80xi32, #tpu.memory_space<vmem>> -> memref<80xi32, #tpu.memory_space<vmem>>
      %dma_start3A_261 = arith.constant 0 : i32
      %dma_start3A_262 = arith.constant 0 : i32
      %dma_start3A_263 = tpu.memref_slice %arg2[%dma_start3A_261, %dma_start3A_262] : memref<10000x128xf32, #tpu.memory_space<hbm>> -> memref<10000x128xf32, #tpu.memory_space<hbm>>
      tpu.enqueue_indirect_dma source(%dma_start3A_263 : memref<10000x128xf32, #tpu.memory_space<hbm>>) target(%arg12 : memref<80x128xf32, #tpu.memory_space<vmem>>) offsets(%dma_start3A_260 : memref<80xi32, #tpu.memory_space<vmem>>) semaphore(%arg18 : memref<!tpu.dma_semaphore, #tpu.memory_space<semaphore_mem>>)
      %dma_wait3A_264 = arith.constant 4 : i32
      %dma_wait3A_265 = arith.constant 0 : i32
      %dma_wait3A_266 = tpu.memref_slice %arg7[%dma_wait3A_264, %dma_wait3A_265] : memref<8x80xi32, #tpu.memory_space<vmem>> -> memref<1x80xi32, #tpu.memory_space<vmem>>
      %dma_wait3A_267 = tpu.memref_squeeze %dma_wait3A_266 : memref<1x80xi32, #tpu.memory_space<vmem>> -> memref<80xi32, #tpu.memory_space<vmem>>
      %dma_wait3A_268 = arith.constant 0 : i32
      %dma_wait3A_269 = arith.constant 0 : i32
      %dma_wait3A_270 = tpu.memref_slice %arg2[%dma_wait3A_268, %dma_wait3A_269] : memref<10000x128xf32, #tpu.memory_space<hbm>> -> memref<10000x128xf32, #tpu.memory_space<hbm>>
      tpu.wait_indirect_dma semaphore(%arg15 : memref<!tpu.dma_semaphore, #tpu.memory_space<semaphore_mem>>) src(%dma_wait3A_270 : memref<10000x128xf32, #tpu.memory_space<hbm>>) dst(%arg9 : memref<80x128xf32, #tpu.memory_space<vmem>>)
      %run_scoped3A_271 = arith.constant 4 : i32
      "tpu.region"() ({
        %run_scoped3A_296 = tpu.sem_alloc : memref<!tpu.dma_semaphore, #tpu.memory_space<semaphore_mem>>
        %dma_start3A_297 = arith.constant 0 : i32
        %dma_start3A_298 = tpu.memref_slice %arg8[%run_scoped3A_271, %dma_start3A_297] : memref<8x80xi32, #tpu.memory_space<vmem>> -> memref<1x80xi32, #tpu.memory_space<vmem>>
        %dma_start3A_299 = tpu.memref_squeeze %dma_start3A_298 : memref<1x80xi32, #tpu.memory_space<vmem>> -> memref<80xi32, #tpu.memory_space<vmem>>
        %dma_start3A_300 = arith.constant 0 : i32
        %dma_start3A_301 = arith.constant 0 : i32
        %dma_start3A_302 = tpu.memref_slice %arg6[%dma_start3A_300, %dma_start3A_301] : memref<10240x128xf32, #tpu.memory_space<vmem_shared>> -> memref<10240x128xf32, #tpu.memory_space<vmem_shared>>
        tpu.enqueue_indirect_dma source(%arg9 : memref<80x128xf32, #tpu.memory_space<vmem>>) target(%dma_start3A_302 : memref<10240x128xf32, #tpu.memory_space<vmem_shared>>) offsets(%dma_start3A_299 : memref<80xi32, #tpu.memory_space<vmem>>) semaphore(%run_scoped3A_296 : memref<!tpu.dma_semaphore, #tpu.memory_space<semaphore_mem>>) {add = true}
        %dma_wait3A_303 = arith.constant 0 : i32
        %dma_wait3A_304 = tpu.memref_slice %arg8[%run_scoped3A_271, %dma_wait3A_303] : memref<8x80xi32, #tpu.memory_space<vmem>> -> memref<1x80xi32, #tpu.memory_space<vmem>>
        %dma_wait3A_305 = tpu.memref_squeeze %dma_wait3A_304 : memref<1x80xi32, #tpu.memory_space<vmem>> -> memref<80xi32, #tpu.memory_space<vmem>>
        %dma_wait3A_306 = arith.constant 0 : i32
        %dma_wait3A_307 = arith.constant 0 : i32
        %dma_wait3A_308 = tpu.memref_slice %arg6[%dma_wait3A_306, %dma_wait3A_307] : memref<10240x128xf32, #tpu.memory_space<vmem_shared>> -> memref<10240x128xf32, #tpu.memory_space<vmem_shared>>
        tpu.wait_indirect_dma semaphore(%run_scoped3A_296 : memref<!tpu.dma_semaphore, #tpu.memory_space<semaphore_mem>>) src(%arg9 : memref<80x128xf32, #tpu.memory_space<vmem>>) dst(%dma_wait3A_308 : memref<10240x128xf32, #tpu.memory_space<vmem_shared>>)
        tpu.yield
      }) : () -> ()
      %dma_wait3A_272 = arith.constant 5 : i32
      %dma_wait3A_273 = arith.constant 0 : i32
      %dma_wait3A_274 = tpu.memref_slice %arg7[%dma_wait3A_272, %dma_wait3A_273] : memref<8x80xi32, #tpu.memory_space<vmem>> -> memref<1x80xi32, #tpu.memory_space<vmem>>
      %dma_wait3A_275 = tpu.memref_squeeze %dma_wait3A_274 : memref<1x80xi32, #tpu.memory_space<vmem>> -> memref<80xi32, #tpu.memory_space<vmem>>
      %dma_wait3A_276 = arith.constant 0 : i32
      %dma_wait3A_277 = arith.constant 0 : i32
      %dma_wait3A_278 = tpu.memref_slice %arg2[%dma_wait3A_276, %dma_wait3A_277] : memref<10000x128xf32, #tpu.memory_space<hbm>> -> memref<10000x128xf32, #tpu.memory_space<hbm>>
      tpu.wait_indirect_dma semaphore(%arg16 : memref<!tpu.dma_semaphore, #tpu.memory_space<semaphore_mem>>) src(%dma_wait3A_278 : memref<10000x128xf32, #tpu.memory_space<hbm>>) dst(%arg10 : memref<80x128xf32, #tpu.memory_space<vmem>>)
      %run_scoped3A_279 = arith.constant 5 : i32
      "tpu.region"() ({
        %run_scoped3A_296 = tpu.sem_alloc : memref<!tpu.dma_semaphore, #tpu.memory_space<semaphore_mem>>
        %dma_start3A_297 = arith.constant 0 : i32
        %dma_start3A_298 = tpu.memref_slice %arg8[%run_scoped3A_279, %dma_start3A_297] : memref<8x80xi32, #tpu.memory_space<vmem>> -> memref<1x80xi32, #tpu.memory_space<vmem>>
        %dma_start3A_299 = tpu.memref_squeeze %dma_start3A_298 : memref<1x80xi32, #tpu.memory_space<vmem>> -> memref<80xi32, #tpu.memory_space<vmem>>
        %dma_start3A_300 = arith.constant 0 : i32
        %dma_start3A_301 = arith.constant 0 : i32
        %dma_start3A_302 = tpu.memref_slice %arg6[%dma_start3A_300, %dma_start3A_301] : memref<10240x128xf32, #tpu.memory_space<vmem_shared>> -> memref<10240x128xf32, #tpu.memory_space<vmem_shared>>
        tpu.enqueue_indirect_dma source(%arg10 : memref<80x128xf32, #tpu.memory_space<vmem>>) target(%dma_start3A_302 : memref<10240x128xf32, #tpu.memory_space<vmem_shared>>) offsets(%dma_start3A_299 : memref<80xi32, #tpu.memory_space<vmem>>) semaphore(%run_scoped3A_296 : memref<!tpu.dma_semaphore, #tpu.memory_space<semaphore_mem>>) {add = true}
        %dma_wait3A_303 = arith.constant 0 : i32
        %dma_wait3A_304 = tpu.memref_slice %arg8[%run_scoped3A_279, %dma_wait3A_303] : memref<8x80xi32, #tpu.memory_space<vmem>> -> memref<1x80xi32, #tpu.memory_space<vmem>>
        %dma_wait3A_305 = tpu.memref_squeeze %dma_wait3A_304 : memref<1x80xi32, #tpu.memory_space<vmem>> -> memref<80xi32, #tpu.memory_space<vmem>>
        %dma_wait3A_306 = arith.constant 0 : i32
        %dma_wait3A_307 = arith.constant 0 : i32
        %dma_wait3A_308 = tpu.memref_slice %arg6[%dma_wait3A_306, %dma_wait3A_307] : memref<10240x128xf32, #tpu.memory_space<vmem_shared>> -> memref<10240x128xf32, #tpu.memory_space<vmem_shared>>
        tpu.wait_indirect_dma semaphore(%run_scoped3A_296 : memref<!tpu.dma_semaphore, #tpu.memory_space<semaphore_mem>>) src(%arg10 : memref<80x128xf32, #tpu.memory_space<vmem>>) dst(%dma_wait3A_308 : memref<10240x128xf32, #tpu.memory_space<vmem_shared>>)
        tpu.yield
      }) : () -> ()
      %dma_wait3A_280 = arith.constant 6 : i32
      %dma_wait3A_281 = arith.constant 0 : i32
      %dma_wait3A_282 = tpu.memref_slice %arg7[%dma_wait3A_280, %dma_wait3A_281] : memref<8x80xi32, #tpu.memory_space<vmem>> -> memref<1x80xi32, #tpu.memory_space<vmem>>
      %dma_wait3A_283 = tpu.memref_squeeze %dma_wait3A_282 : memref<1x80xi32, #tpu.memory_space<vmem>> -> memref<80xi32, #tpu.memory_space<vmem>>
      %dma_wait3A_284 = arith.constant 0 : i32
      %dma_wait3A_285 = arith.constant 0 : i32
      %dma_wait3A_286 = tpu.memref_slice %arg2[%dma_wait3A_284, %dma_wait3A_285] : memref<10000x128xf32, #tpu.memory_space<hbm>> -> memref<10000x128xf32, #tpu.memory_space<hbm>>
      tpu.wait_indirect_dma semaphore(%arg17 : memref<!tpu.dma_semaphore, #tpu.memory_space<semaphore_mem>>) src(%dma_wait3A_286 : memref<10000x128xf32, #tpu.memory_space<hbm>>) dst(%arg11 : memref<80x128xf32, #tpu.memory_space<vmem>>)
      %run_scoped3A_287 = arith.constant 6 : i32
      "tpu.region"() ({
        %run_scoped3A_296 = tpu.sem_alloc : memref<!tpu.dma_semaphore, #tpu.memory_space<semaphore_mem>>
        %dma_start3A_297 = arith.constant 0 : i32
        %dma_start3A_298 = tpu.memref_slice %arg8[%run_scoped3A_287, %dma_start3A_297] : memref<8x80xi32, #tpu.memory_space<vmem>> -> memref<1x80xi32, #tpu.memory_space<vmem>>
        %dma_start3A_299 = tpu.memref_squeeze %dma_start3A_298 : memref<1x80xi32, #tpu.memory_space<vmem>> -> memref<80xi32, #tpu.memory_space<vmem>>
        %dma_start3A_300 = arith.constant 0 : i32
        %dma_start3A_301 = arith.constant 0 : i32
        %dma_start3A_302 = tpu.memref_slice %arg6[%dma_start3A_300, %dma_start3A_301] : memref<10240x128xf32, #tpu.memory_space<vmem_shared>> -> memref<10240x128xf32, #tpu.memory_space<vmem_shared>>
        tpu.enqueue_indirect_dma source(%arg11 : memref<80x128xf32, #tpu.memory_space<vmem>>) target(%dma_start3A_302 : memref<10240x128xf32, #tpu.memory_space<vmem_shared>>) offsets(%dma_start3A_299 : memref<80xi32, #tpu.memory_space<vmem>>) semaphore(%run_scoped3A_296 : memref<!tpu.dma_semaphore, #tpu.memory_space<semaphore_mem>>) {add = true}
        %dma_wait3A_303 = arith.constant 0 : i32
        %dma_wait3A_304 = tpu.memref_slice %arg8[%run_scoped3A_287, %dma_wait3A_303] : memref<8x80xi32, #tpu.memory_space<vmem>> -> memref<1x80xi32, #tpu.memory_space<vmem>>
        %dma_wait3A_305 = tpu.memref_squeeze %dma_wait3A_304 : memref<1x80xi32, #tpu.memory_space<vmem>> -> memref<80xi32, #tpu.memory_space<vmem>>
        %dma_wait3A_306 = arith.constant 0 : i32
        %dma_wait3A_307 = arith.constant 0 : i32
        %dma_wait3A_308 = tpu.memref_slice %arg6[%dma_wait3A_306, %dma_wait3A_307] : memref<10240x128xf32, #tpu.memory_space<vmem_shared>> -> memref<10240x128xf32, #tpu.memory_space<vmem_shared>>
        tpu.wait_indirect_dma semaphore(%run_scoped3A_296 : memref<!tpu.dma_semaphore, #tpu.memory_space<semaphore_mem>>) src(%arg11 : memref<80x128xf32, #tpu.memory_space<vmem>>) dst(%dma_wait3A_308 : memref<10240x128xf32, #tpu.memory_space<vmem_shared>>)
        tpu.yield
      }) : () -> ()
      %dma_wait3A_288 = arith.constant 7 : i32
      %dma_wait3A_289 = arith.constant 0 : i32
      %dma_wait3A_290 = tpu.memref_slice %arg7[%dma_wait3A_288, %dma_wait3A_289] : memref<8x80xi32, #tpu.memory_space<vmem>> -> memref<1x80xi32, #tpu.memory_space<vmem>>
      %dma_wait3A_291 = tpu.memref_squeeze %dma_wait3A_290 : memref<1x80xi32, #tpu.memory_space<vmem>> -> memref<80xi32, #tpu.memory_space<vmem>>
      %dma_wait3A_292 = arith.constant 0 : i32
      %dma_wait3A_293 = arith.constant 0 : i32
      %dma_wait3A_294 = tpu.memref_slice %arg2[%dma_wait3A_292, %dma_wait3A_293] : memref<10000x128xf32, #tpu.memory_space<hbm>> -> memref<10000x128xf32, #tpu.memory_space<hbm>>
      tpu.wait_indirect_dma semaphore(%arg18 : memref<!tpu.dma_semaphore, #tpu.memory_space<semaphore_mem>>) src(%dma_wait3A_294 : memref<10000x128xf32, #tpu.memory_space<hbm>>) dst(%arg12 : memref<80x128xf32, #tpu.memory_space<vmem>>)
      %run_scoped3A_295 = arith.constant 7 : i32
      "tpu.region"() ({
        %run_scoped3A_296 = tpu.sem_alloc : memref<!tpu.dma_semaphore, #tpu.memory_space<semaphore_mem>>
        %dma_start3A_297 = arith.constant 0 : i32
        %dma_start3A_298 = tpu.memref_slice %arg8[%run_scoped3A_295, %dma_start3A_297] : memref<8x80xi32, #tpu.memory_space<vmem>> -> memref<1x80xi32, #tpu.memory_space<vmem>>
        %dma_start3A_299 = tpu.memref_squeeze %dma_start3A_298 : memref<1x80xi32, #tpu.memory_space<vmem>> -> memref<80xi32, #tpu.memory_space<vmem>>
        %dma_start3A_300 = arith.constant 0 : i32
        %dma_start3A_301 = arith.constant 0 : i32
        %dma_start3A_302 = tpu.memref_slice %arg6[%dma_start3A_300, %dma_start3A_301] : memref<10240x128xf32, #tpu.memory_space<vmem_shared>> -> memref<10240x128xf32, #tpu.memory_space<vmem_shared>>
        tpu.enqueue_indirect_dma source(%arg12 : memref<80x128xf32, #tpu.memory_space<vmem>>) target(%dma_start3A_302 : memref<10240x128xf32, #tpu.memory_space<vmem_shared>>) offsets(%dma_start3A_299 : memref<80xi32, #tpu.memory_space<vmem>>) semaphore(%run_scoped3A_296 : memref<!tpu.dma_semaphore, #tpu.memory_space<semaphore_mem>>) {add = true}
        %dma_wait3A_303 = arith.constant 0 : i32
        %dma_wait3A_304 = tpu.memref_slice %arg8[%run_scoped3A_295, %dma_wait3A_303] : memref<8x80xi32, #tpu.memory_space<vmem>> -> memref<1x80xi32, #tpu.memory_space<vmem>>
        %dma_wait3A_305 = tpu.memref_squeeze %dma_wait3A_304 : memref<1x80xi32, #tpu.memory_space<vmem>> -> memref<80xi32, #tpu.memory_space<vmem>>
        %dma_wait3A_306 = arith.constant 0 : i32
        %dma_wait3A_307 = arith.constant 0 : i32
        %dma_wait3A_308 = tpu.memref_slice %arg6[%dma_wait3A_306, %dma_wait3A_307] : memref<10240x128xf32, #tpu.memory_space<vmem_shared>> -> memref<10240x128xf32, #tpu.memory_space<vmem_shared>>
        tpu.wait_indirect_dma semaphore(%run_scoped3A_296 : memref<!tpu.dma_semaphore, #tpu.memory_space<semaphore_mem>>) src(%arg12 : memref<80x128xf32, #tpu.memory_space<vmem>>) dst(%dma_wait3A_308 : memref<10240x128xf32, #tpu.memory_space<vmem_shared>>)
        tpu.yield
      }) : () -> ()
    }
    %scan3A_7 = arith.constant 15 : i32
    %dma_start3A = arith.constant 0 : i32
    %dma_start3A_8 = arith.constant 0 : i32
    %dma_start3A_9 = arith.constant 0 : i32
    %dma_start3A_10 = tpu.memref_slice %arg7[%dma_start3A_8, %dma_start3A_9] : memref<8x80xi32, #tpu.memory_space<vmem>> -> memref<5x80xi32, #tpu.memory_space<vmem>>
    %dma_start3A_11 = arith.constant 120 : i32
    %dma_start3A_12 = arith.constant 0 : i32
    %dma_start3A_13 = tpu.memref_slice %arg3[%dma_start3A, %add3A, %dma_start3A_11, %dma_start3A_12] : memref<2x32x125x80xi32, #tpu.memory_space<hbm>> -> memref<1x1x5x80xi32, #tpu.memory_space<hbm>>
    %dma_start3A_14 = tpu.memref_squeeze %dma_start3A_13 : memref<1x1x5x80xi32, #tpu.memory_space<hbm>> -> memref<5x80xi32, #tpu.memory_space<hbm>>
    %dma_start3A_15 = arith.constant 0 : i32
    %dma_start3A_16 = arith.constant 0 : i32
    %dma_start3A_17 = tpu.memref_slice %arg7[%dma_start3A_15, %dma_start3A_16] : memref<8x80xi32, #tpu.memory_space<vmem>> -> memref<5x80xi32, #tpu.memory_space<vmem>>
    %dma_start3A_18 = arith.constant 120 : i32
    %dma_start3A_19 = arith.constant 0 : i32
    %dma_start3A_20 = tpu.memref_slice %arg3[%dma_start3A, %add3A, %dma_start3A_18, %dma_start3A_19] : memref<2x32x125x80xi32, #tpu.memory_space<hbm>> -> memref<1x1x5x80xi32, #tpu.memory_space<hbm>>
    %dma_start3A_21 = tpu.memref_squeeze %dma_start3A_20 : memref<1x1x5x80xi32, #tpu.memory_space<hbm>> -> memref<5x80xi32, #tpu.memory_space<hbm>>
    tpu.enqueue_dma source(%dma_start3A_21 : memref<5x80xi32, #tpu.memory_space<hbm>>) target(%dma_start3A_17 : memref<5x80xi32, #tpu.memory_space<vmem>>) target_semaphore(%arg13 : memref<!tpu.dma_semaphore, #tpu.memory_space<semaphore_mem>>)
    %dma_wait3A = arith.constant 0 : i32
    %dma_wait3A_22 = arith.constant 0 : i32
    %dma_wait3A_23 = arith.constant 0 : i32
    %dma_wait3A_24 = tpu.memref_slice %arg7[%dma_wait3A_22, %dma_wait3A_23] : memref<8x80xi32, #tpu.memory_space<vmem>> -> memref<5x80xi32, #tpu.memory_space<vmem>>
    %dma_wait3A_25 = arith.constant 120 : i32
    %dma_wait3A_26 = arith.constant 0 : i32
    %dma_wait3A_27 = tpu.memref_slice %arg3[%dma_wait3A, %add3A, %dma_wait3A_25, %dma_wait3A_26] : memref<2x32x125x80xi32, #tpu.memory_space<hbm>> -> memref<1x1x5x80xi32, #tpu.memory_space<hbm>>
    %dma_wait3A_28 = tpu.memref_squeeze %dma_wait3A_27 : memref<1x1x5x80xi32, #tpu.memory_space<hbm>> -> memref<5x80xi32, #tpu.memory_space<hbm>>
    %dma_wait3A_29 = arith.constant 0 : i32
    %dma_wait3A_30 = arith.constant 0 : i32
    %dma_wait3A_31 = tpu.memref_slice %arg7[%dma_wait3A_29, %dma_wait3A_30] : memref<8x80xi32, #tpu.memory_space<vmem>> -> memref<5x80xi32, #tpu.memory_space<vmem>>
    %dma_wait3A_32 = arith.constant 120 : i32
    %dma_wait3A_33 = arith.constant 0 : i32
    %dma_wait3A_34 = tpu.memref_slice %arg3[%dma_wait3A, %add3A, %dma_wait3A_32, %dma_wait3A_33] : memref<2x32x125x80xi32, #tpu.memory_space<hbm>> -> memref<1x1x5x80xi32, #tpu.memory_space<hbm>>
    %dma_wait3A_35 = tpu.memref_squeeze %dma_wait3A_34 : memref<1x1x5x80xi32, #tpu.memory_space<hbm>> -> memref<5x80xi32, #tpu.memory_space<hbm>>
    tpu.wait_dma2 semaphore(%arg13 : memref<!tpu.dma_semaphore, #tpu.memory_space<semaphore_mem>>) src(%dma_wait3A_35 : memref<5x80xi32, #tpu.memory_space<hbm>>) dst(%dma_wait3A_31 : memref<5x80xi32, #tpu.memory_space<vmem>>)
    %dma_start3A_36 = arith.constant 1 : i32
    %dma_start3A_37 = arith.constant 0 : i32
    %dma_start3A_38 = arith.constant 0 : i32
    %dma_start3A_39 = tpu.memref_slice %arg8[%dma_start3A_37, %dma_start3A_38] : memref<8x80xi32, #tpu.memory_space<vmem>> -> memref<5x80xi32, #tpu.memory_space<vmem>>
    %dma_start3A_40 = arith.constant 120 : i32
    %dma_start3A_41 = arith.constant 0 : i32
    %dma_start3A_42 = tpu.memref_slice %arg3[%dma_start3A_36, %add3A, %dma_start3A_40, %dma_start3A_41] : memref<2x32x125x80xi32, #tpu.memory_space<hbm>> -> memref<1x1x5x80xi32, #tpu.memory_space<hbm>>
    %dma_start3A_43 = tpu.memref_squeeze %dma_start3A_42 : memref<1x1x5x80xi32, #tpu.memory_space<hbm>> -> memref<5x80xi32, #tpu.memory_space<hbm>>
    %dma_start3A_44 = arith.constant 0 : i32
    %dma_start3A_45 = arith.constant 0 : i32
    %dma_start3A_46 = tpu.memref_slice %arg8[%dma_start3A_44, %dma_start3A_45] : memref<8x80xi32, #tpu.memory_space<vmem>> -> memref<5x80xi32, #tpu.memory_space<vmem>>
    %dma_start3A_47 = arith.constant 120 : i32
    %dma_start3A_48 = arith.constant 0 : i32
    %dma_start3A_49 = tpu.memref_slice %arg3[%dma_start3A_36, %add3A, %dma_start3A_47, %dma_start3A_48] : memref<2x32x125x80xi32, #tpu.memory_space<hbm>> -> memref<1x1x5x80xi32, #tpu.memory_space<hbm>>
    %dma_start3A_50 = tpu.memref_squeeze %dma_start3A_49 : memref<1x1x5x80xi32, #tpu.memory_space<hbm>> -> memref<5x80xi32, #tpu.memory_space<hbm>>
    tpu.enqueue_dma source(%dma_start3A_50 : memref<5x80xi32, #tpu.memory_space<hbm>>) target(%dma_start3A_46 : memref<5x80xi32, #tpu.memory_space<vmem>>) target_semaphore(%arg14 : memref<!tpu.dma_semaphore, #tpu.memory_space<semaphore_mem>>)
    %dma_wait3A_51 = arith.constant 1 : i32
    %dma_wait3A_52 = arith.constant 0 : i32
    %dma_wait3A_53 = arith.constant 0 : i32
    %dma_wait3A_54 = tpu.memref_slice %arg8[%dma_wait3A_52, %dma_wait3A_53] : memref<8x80xi32, #tpu.memory_space<vmem>> -> memref<5x80xi32, #tpu.memory_space<vmem>>
    %dma_wait3A_55 = arith.constant 120 : i32
    %dma_wait3A_56 = arith.constant 0 : i32
    %dma_wait3A_57 = tpu.memref_slice %arg3[%dma_wait3A_51, %add3A, %dma_wait3A_55, %dma_wait3A_56] : memref<2x32x125x80xi32, #tpu.memory_space<hbm>> -> memref<1x1x5x80xi32, #tpu.memory_space<hbm>>
    %dma_wait3A_58 = tpu.memref_squeeze %dma_wait3A_57 : memref<1x1x5x80xi32, #tpu.memory_space<hbm>> -> memref<5x80xi32, #tpu.memory_space<hbm>>
    %dma_wait3A_59 = arith.constant 0 : i32
    %dma_wait3A_60 = arith.constant 0 : i32
    %dma_wait3A_61 = tpu.memref_slice %arg8[%dma_wait3A_59, %dma_wait3A_60] : memref<8x80xi32, #tpu.memory_space<vmem>> -> memref<5x80xi32, #tpu.memory_space<vmem>>
    %dma_wait3A_62 = arith.constant 120 : i32
    %dma_wait3A_63 = arith.constant 0 : i32
    %dma_wait3A_64 = tpu.memref_slice %arg3[%dma_wait3A_51, %add3A, %dma_wait3A_62, %dma_wait3A_63] : memref<2x32x125x80xi32, #tpu.memory_space<hbm>> -> memref<1x1x5x80xi32, #tpu.memory_space<hbm>>
    %dma_wait3A_65 = tpu.memref_squeeze %dma_wait3A_64 : memref<1x1x5x80xi32, #tpu.memory_space<hbm>> -> memref<5x80xi32, #tpu.memory_space<hbm>>
    tpu.wait_dma2 semaphore(%arg14 : memref<!tpu.dma_semaphore, #tpu.memory_space<semaphore_mem>>) src(%dma_wait3A_65 : memref<5x80xi32, #tpu.memory_space<hbm>>) dst(%dma_wait3A_61 : memref<5x80xi32, #tpu.memory_space<vmem>>)
    %dma_start3A_66 = arith.constant 0 : i32
    %dma_start3A_67 = arith.constant 0 : i32
    %dma_start3A_68 = tpu.memref_slice %arg7[%dma_start3A_66, %dma_start3A_67] : memref<8x80xi32, #tpu.memory_space<vmem>> -> memref<1x80xi32, #tpu.memory_space<vmem>>
    %dma_start3A_69 = tpu.memref_squeeze %dma_start3A_68 : memref<1x80xi32, #tpu.memory_space<vmem>> -> memref<80xi32, #tpu.memory_space<vmem>>
    %dma_start3A_70 = arith.constant 0 : i32
    %dma_start3A_71 = arith.constant 0 : i32
    %dma_start3A_72 = tpu.memref_slice %arg2[%dma_start3A_70, %dma_start3A_71] : memref<10000x128xf32, #tpu.memory_space<hbm>> -> memref<10000x128xf32, #tpu.memory_space<hbm>>
    tpu.enqueue_indirect_dma source(%dma_start3A_72 : memref<10000x128xf32, #tpu.memory_space<hbm>>) target(%arg9 : memref<80x128xf32, #tpu.memory_space<vmem>>) offsets(%dma_start3A_69 : memref<80xi32, #tpu.memory_space<vmem>>) semaphore(%arg15 : memref<!tpu.dma_semaphore, #tpu.memory_space<semaphore_mem>>)
    %dma_start3A_73 = arith.constant 1 : i32
    %dma_start3A_74 = arith.constant 0 : i32
    %dma_start3A_75 = tpu.memref_slice %arg7[%dma_start3A_73, %dma_start3A_74] : memref<8x80xi32, #tpu.memory_space<vmem>> -> memref<1x80xi32, #tpu.memory_space<vmem>>
    %dma_start3A_76 = tpu.memref_squeeze %dma_start3A_75 : memref<1x80xi32, #tpu.memory_space<vmem>> -> memref<80xi32, #tpu.memory_space<vmem>>
    %dma_start3A_77 = arith.constant 0 : i32
    %dma_start3A_78 = arith.constant 0 : i32
    %dma_start3A_79 = tpu.memref_slice %arg2[%dma_start3A_77, %dma_start3A_78] : memref<10000x128xf32, #tpu.memory_space<hbm>> -> memref<10000x128xf32, #tpu.memory_space<hbm>>
    tpu.enqueue_indirect_dma source(%dma_start3A_79 : memref<10000x128xf32, #tpu.memory_space<hbm>>) target(%arg10 : memref<80x128xf32, #tpu.memory_space<vmem>>) offsets(%dma_start3A_76 : memref<80xi32, #tpu.memory_space<vmem>>) semaphore(%arg16 : memref<!tpu.dma_semaphore, #tpu.memory_space<semaphore_mem>>)
    %dma_start3A_80 = arith.constant 2 : i32
    %dma_start3A_81 = arith.constant 0 : i32
    %dma_start3A_82 = tpu.memref_slice %arg7[%dma_start3A_80, %dma_start3A_81] : memref<8x80xi32, #tpu.memory_space<vmem>> -> memref<1x80xi32, #tpu.memory_space<vmem>>
    %dma_start3A_83 = tpu.memref_squeeze %dma_start3A_82 : memref<1x80xi32, #tpu.memory_space<vmem>> -> memref<80xi32, #tpu.memory_space<vmem>>
    %dma_start3A_84 = arith.constant 0 : i32
    %dma_start3A_85 = arith.constant 0 : i32
    %dma_start3A_86 = tpu.memref_slice %arg2[%dma_start3A_84, %dma_start3A_85] : memref<10000x128xf32, #tpu.memory_space<hbm>> -> memref<10000x128xf32, #tpu.memory_space<hbm>>
    tpu.enqueue_indirect_dma source(%dma_start3A_86 : memref<10000x128xf32, #tpu.memory_space<hbm>>) target(%arg11 : memref<80x128xf32, #tpu.memory_space<vmem>>) offsets(%dma_start3A_83 : memref<80xi32, #tpu.memory_space<vmem>>) semaphore(%arg17 : memref<!tpu.dma_semaphore, #tpu.memory_space<semaphore_mem>>)
    %dma_start3A_87 = arith.constant 3 : i32
    %dma_start3A_88 = arith.constant 0 : i32
    %dma_start3A_89 = tpu.memref_slice %arg7[%dma_start3A_87, %dma_start3A_88] : memref<8x80xi32, #tpu.memory_space<vmem>> -> memref<1x80xi32, #tpu.memory_space<vmem>>
    %dma_start3A_90 = tpu.memref_squeeze %dma_start3A_89 : memref<1x80xi32, #tpu.memory_space<vmem>> -> memref<80xi32, #tpu.memory_space<vmem>>
    %dma_start3A_91 = arith.constant 0 : i32
    %dma_start3A_92 = arith.constant 0 : i32
    %dma_start3A_93 = tpu.memref_slice %arg2[%dma_start3A_91, %dma_start3A_92] : memref<10000x128xf32, #tpu.memory_space<hbm>> -> memref<10000x128xf32, #tpu.memory_space<hbm>>
    tpu.enqueue_indirect_dma source(%dma_start3A_93 : memref<10000x128xf32, #tpu.memory_space<hbm>>) target(%arg12 : memref<80x128xf32, #tpu.memory_space<vmem>>) offsets(%dma_start3A_90 : memref<80xi32, #tpu.memory_space<vmem>>) semaphore(%arg18 : memref<!tpu.dma_semaphore, #tpu.memory_space<semaphore_mem>>)
    %dma_wait3A_94 = arith.constant 0 : i32
    %dma_wait3A_95 = arith.constant 0 : i32
    %dma_wait3A_96 = tpu.memref_slice %arg7[%dma_wait3A_94, %dma_wait3A_95] : memref<8x80xi32, #tpu.memory_space<vmem>> -> memref<1x80xi32, #tpu.memory_space<vmem>>
    %dma_wait3A_97 = tpu.memref_squeeze %dma_wait3A_96 : memref<1x80xi32, #tpu.memory_space<vmem>> -> memref<80xi32, #tpu.memory_space<vmem>>
    %dma_wait3A_98 = arith.constant 0 : i32
    %dma_wait3A_99 = arith.constant 0 : i32
    %dma_wait3A_100 = tpu.memref_slice %arg2[%dma_wait3A_98, %dma_wait3A_99] : memref<10000x128xf32, #tpu.memory_space<hbm>> -> memref<10000x128xf32, #tpu.memory_space<hbm>>
    tpu.wait_indirect_dma semaphore(%arg15 : memref<!tpu.dma_semaphore, #tpu.memory_space<semaphore_mem>>) src(%dma_wait3A_100 : memref<10000x128xf32, #tpu.memory_space<hbm>>) dst(%arg9 : memref<80x128xf32, #tpu.memory_space<vmem>>)
    %run_scoped3A = arith.constant 0 : i32
    "tpu.region"() ({
      %run_scoped3A_145 = tpu.sem_alloc : memref<!tpu.dma_semaphore, #tpu.memory_space<semaphore_mem>>
      %dma_start3A_146 = arith.constant 0 : i32
      %dma_start3A_147 = tpu.memref_slice %arg8[%run_scoped3A, %dma_start3A_146] : memref<8x80xi32, #tpu.memory_space<vmem>> -> memref<1x80xi32, #tpu.memory_space<vmem>>
      %dma_start3A_148 = tpu.memref_squeeze %dma_start3A_147 : memref<1x80xi32, #tpu.memory_space<vmem>> -> memref<80xi32, #tpu.memory_space<vmem>>
      %dma_start3A_149 = arith.constant 0 : i32
      %dma_start3A_150 = arith.constant 0 : i32
      %dma_start3A_151 = tpu.memref_slice %arg6[%dma_start3A_149, %dma_start3A_150] : memref<10240x128xf32, #tpu.memory_space<vmem_shared>> -> memref<10240x128xf32, #tpu.memory_space<vmem_shared>>
      tpu.enqueue_indirect_dma source(%arg9 : memref<80x128xf32, #tpu.memory_space<vmem>>) target(%dma_start3A_151 : memref<10240x128xf32, #tpu.memory_space<vmem_shared>>) offsets(%dma_start3A_148 : memref<80xi32, #tpu.memory_space<vmem>>) semaphore(%run_scoped3A_145 : memref<!tpu.dma_semaphore, #tpu.memory_space<semaphore_mem>>) {add = true}
      %dma_wait3A_152 = arith.constant 0 : i32
      %dma_wait3A_153 = tpu.memref_slice %arg8[%run_scoped3A, %dma_wait3A_152] : memref<8x80xi32, #tpu.memory_space<vmem>> -> memref<1x80xi32, #tpu.memory_space<vmem>>
      %dma_wait3A_154 = tpu.memref_squeeze %dma_wait3A_153 : memref<1x80xi32, #tpu.memory_space<vmem>> -> memref<80xi32, #tpu.memory_space<vmem>>
      %dma_wait3A_155 = arith.constant 0 : i32
      %dma_wait3A_156 = arith.constant 0 : i32
      %dma_wait3A_157 = tpu.memref_slice %arg6[%dma_wait3A_155, %dma_wait3A_156] : memref<10240x128xf32, #tpu.memory_space<vmem_shared>> -> memref<10240x128xf32, #tpu.memory_space<vmem_shared>>
      tpu.wait_indirect_dma semaphore(%run_scoped3A_145 : memref<!tpu.dma_semaphore, #tpu.memory_space<semaphore_mem>>) src(%arg9 : memref<80x128xf32, #tpu.memory_space<vmem>>) dst(%dma_wait3A_157 : memref<10240x128xf32, #tpu.memory_space<vmem_shared>>)
      tpu.yield
    }) : () -> ()
    %dma_start3A_101 = arith.constant 4 : i32
    %dma_start3A_102 = arith.constant 0 : i32
    %dma_start3A_103 = tpu.memref_slice %arg7[%dma_start3A_101, %dma_start3A_102] : memref<8x80xi32, #tpu.memory_space<vmem>> -> memref<1x80xi32, #tpu.memory_space<vmem>>
    %dma_start3A_104 = tpu.memref_squeeze %dma_start3A_103 : memref<1x80xi32, #tpu.memory_space<vmem>> -> memref<80xi32, #tpu.memory_space<vmem>>
    %dma_start3A_105 = arith.constant 0 : i32
    %dma_start3A_106 = arith.constant 0 : i32
    %dma_start3A_107 = tpu.memref_slice %arg2[%dma_start3A_105, %dma_start3A_106] : memref<10000x128xf32, #tpu.memory_space<hbm>> -> memref<10000x128xf32, #tpu.memory_space<hbm>>
    tpu.enqueue_indirect_dma source(%dma_start3A_107 : memref<10000x128xf32, #tpu.memory_space<hbm>>) target(%arg9 : memref<80x128xf32, #tpu.memory_space<vmem>>) offsets(%dma_start3A_104 : memref<80xi32, #tpu.memory_space<vmem>>) semaphore(%arg15 : memref<!tpu.dma_semaphore, #tpu.memory_space<semaphore_mem>>)
    %dma_wait3A_108 = arith.constant 1 : i32
    %dma_wait3A_109 = arith.constant 0 : i32
    %dma_wait3A_110 = tpu.memref_slice %arg7[%dma_wait3A_108, %dma_wait3A_109] : memref<8x80xi32, #tpu.memory_space<vmem>> -> memref<1x80xi32, #tpu.memory_space<vmem>>
    %dma_wait3A_111 = tpu.memref_squeeze %dma_wait3A_110 : memref<1x80xi32, #tpu.memory_space<vmem>> -> memref<80xi32, #tpu.memory_space<vmem>>
    %dma_wait3A_112 = arith.constant 0 : i32
    %dma_wait3A_113 = arith.constant 0 : i32
    %dma_wait3A_114 = tpu.memref_slice %arg2[%dma_wait3A_112, %dma_wait3A_113] : memref<10000x128xf32, #tpu.memory_space<hbm>> -> memref<10000x128xf32, #tpu.memory_space<hbm>>
    tpu.wait_indirect_dma semaphore(%arg16 : memref<!tpu.dma_semaphore, #tpu.memory_space<semaphore_mem>>) src(%dma_wait3A_114 : memref<10000x128xf32, #tpu.memory_space<hbm>>) dst(%arg10 : memref<80x128xf32, #tpu.memory_space<vmem>>)
    %run_scoped3A_115 = arith.constant 1 : i32
    "tpu.region"() ({
      %run_scoped3A_145 = tpu.sem_alloc : memref<!tpu.dma_semaphore, #tpu.memory_space<semaphore_mem>>
      %dma_start3A_146 = arith.constant 0 : i32
      %dma_start3A_147 = tpu.memref_slice %arg8[%run_scoped3A_115, %dma_start3A_146] : memref<8x80xi32, #tpu.memory_space<vmem>> -> memref<1x80xi32, #tpu.memory_space<vmem>>
      %dma_start3A_148 = tpu.memref_squeeze %dma_start3A_147 : memref<1x80xi32, #tpu.memory_space<vmem>> -> memref<80xi32, #tpu.memory_space<vmem>>
      %dma_start3A_149 = arith.constant 0 : i32
      %dma_start3A_150 = arith.constant 0 : i32
      %dma_start3A_151 = tpu.memref_slice %arg6[%dma_start3A_149, %dma_start3A_150] : memref<10240x128xf32, #tpu.memory_space<vmem_shared>> -> memref<10240x128xf32, #tpu.memory_space<vmem_shared>>
      tpu.enqueue_indirect_dma source(%arg10 : memref<80x128xf32, #tpu.memory_space<vmem>>) target(%dma_start3A_151 : memref<10240x128xf32, #tpu.memory_space<vmem_shared>>) offsets(%dma_start3A_148 : memref<80xi32, #tpu.memory_space<vmem>>) semaphore(%run_scoped3A_145 : memref<!tpu.dma_semaphore, #tpu.memory_space<semaphore_mem>>) {add = true}
      %dma_wait3A_152 = arith.constant 0 : i32
      %dma_wait3A_153 = tpu.memref_slice %arg8[%run_scoped3A_115, %dma_wait3A_152] : memref<8x80xi32, #tpu.memory_space<vmem>> -> memref<1x80xi32, #tpu.memory_space<vmem>>
      %dma_wait3A_154 = tpu.memref_squeeze %dma_wait3A_153 : memref<1x80xi32, #tpu.memory_space<vmem>> -> memref<80xi32, #tpu.memory_space<vmem>>
      %dma_wait3A_155 = arith.constant 0 : i32
      %dma_wait3A_156 = arith.constant 0 : i32
      %dma_wait3A_157 = tpu.memref_slice %arg6[%dma_wait3A_155, %dma_wait3A_156] : memref<10240x128xf32, #tpu.memory_space<vmem_shared>> -> memref<10240x128xf32, #tpu.memory_space<vmem_shared>>
      tpu.wait_indirect_dma semaphore(%run_scoped3A_145 : memref<!tpu.dma_semaphore, #tpu.memory_space<semaphore_mem>>) src(%arg10 : memref<80x128xf32, #tpu.memory_space<vmem>>) dst(%dma_wait3A_157 : memref<10240x128xf32, #tpu.memory_space<vmem_shared>>)
      tpu.yield
    }) : () -> ()
    %dma_wait3A_116 = arith.constant 2 : i32
    %dma_wait3A_117 = arith.constant 0 : i32
    %dma_wait3A_118 = tpu.memref_slice %arg7[%dma_wait3A_116, %dma_wait3A_117] : memref<8x80xi32, #tpu.memory_space<vmem>> -> memref<1x80xi32, #tpu.memory_space<vmem>>
    %dma_wait3A_119 = tpu.memref_squeeze %dma_wait3A_118 : memref<1x80xi32, #tpu.memory_space<vmem>> -> memref<80xi32, #tpu.memory_space<vmem>>
    %dma_wait3A_120 = arith.constant 0 : i32
    %dma_wait3A_121 = arith.constant 0 : i32
    %dma_wait3A_122 = tpu.memref_slice %arg2[%dma_wait3A_120, %dma_wait3A_121] : memref<10000x128xf32, #tpu.memory_space<hbm>> -> memref<10000x128xf32, #tpu.memory_space<hbm>>
    tpu.wait_indirect_dma semaphore(%arg17 : memref<!tpu.dma_semaphore, #tpu.memory_space<semaphore_mem>>) src(%dma_wait3A_122 : memref<10000x128xf32, #tpu.memory_space<hbm>>) dst(%arg11 : memref<80x128xf32, #tpu.memory_space<vmem>>)
    %run_scoped3A_123 = arith.constant 2 : i32
    "tpu.region"() ({
      %run_scoped3A_145 = tpu.sem_alloc : memref<!tpu.dma_semaphore, #tpu.memory_space<semaphore_mem>>
      %dma_start3A_146 = arith.constant 0 : i32
      %dma_start3A_147 = tpu.memref_slice %arg8[%run_scoped3A_123, %dma_start3A_146] : memref<8x80xi32, #tpu.memory_space<vmem>> -> memref<1x80xi32, #tpu.memory_space<vmem>>
      %dma_start3A_148 = tpu.memref_squeeze %dma_start3A_147 : memref<1x80xi32, #tpu.memory_space<vmem>> -> memref<80xi32, #tpu.memory_space<vmem>>
      %dma_start3A_149 = arith.constant 0 : i32
      %dma_start3A_150 = arith.constant 0 : i32
      %dma_start3A_151 = tpu.memref_slice %arg6[%dma_start3A_149, %dma_start3A_150] : memref<10240x128xf32, #tpu.memory_space<vmem_shared>> -> memref<10240x128xf32, #tpu.memory_space<vmem_shared>>
      tpu.enqueue_indirect_dma source(%arg11 : memref<80x128xf32, #tpu.memory_space<vmem>>) target(%dma_start3A_151 : memref<10240x128xf32, #tpu.memory_space<vmem_shared>>) offsets(%dma_start3A_148 : memref<80xi32, #tpu.memory_space<vmem>>) semaphore(%run_scoped3A_145 : memref<!tpu.dma_semaphore, #tpu.memory_space<semaphore_mem>>) {add = true}
      %dma_wait3A_152 = arith.constant 0 : i32
      %dma_wait3A_153 = tpu.memref_slice %arg8[%run_scoped3A_123, %dma_wait3A_152] : memref<8x80xi32, #tpu.memory_space<vmem>> -> memref<1x80xi32, #tpu.memory_space<vmem>>
      %dma_wait3A_154 = tpu.memref_squeeze %dma_wait3A_153 : memref<1x80xi32, #tpu.memory_space<vmem>> -> memref<80xi32, #tpu.memory_space<vmem>>
      %dma_wait3A_155 = arith.constant 0 : i32
      %dma_wait3A_156 = arith.constant 0 : i32
      %dma_wait3A_157 = tpu.memref_slice %arg6[%dma_wait3A_155, %dma_wait3A_156] : memref<10240x128xf32, #tpu.memory_space<vmem_shared>> -> memref<10240x128xf32, #tpu.memory_space<vmem_shared>>
      tpu.wait_indirect_dma semaphore(%run_scoped3A_145 : memref<!tpu.dma_semaphore, #tpu.memory_space<semaphore_mem>>) src(%arg11 : memref<80x128xf32, #tpu.memory_space<vmem>>) dst(%dma_wait3A_157 : memref<10240x128xf32, #tpu.memory_space<vmem_shared>>)
      tpu.yield
    }) : () -> ()
    %dma_wait3A_124 = arith.constant 3 : i32
    %dma_wait3A_125 = arith.constant 0 : i32
    %dma_wait3A_126 = tpu.memref_slice %arg7[%dma_wait3A_124, %dma_wait3A_125] : memref<8x80xi32, #tpu.memory_space<vmem>> -> memref<1x80xi32, #tpu.memory_space<vmem>>
    %dma_wait3A_127 = tpu.memref_squeeze %dma_wait3A_126 : memref<1x80xi32, #tpu.memory_space<vmem>> -> memref<80xi32, #tpu.memory_space<vmem>>
    %dma_wait3A_128 = arith.constant 0 : i32
    %dma_wait3A_129 = arith.constant 0 : i32
    %dma_wait3A_130 = tpu.memref_slice %arg2[%dma_wait3A_128, %dma_wait3A_129] : memref<10000x128xf32, #tpu.memory_space<hbm>> -> memref<10000x128xf32, #tpu.memory_space<hbm>>
    tpu.wait_indirect_dma semaphore(%arg18 : memref<!tpu.dma_semaphore, #tpu.memory_space<semaphore_mem>>) src(%dma_wait3A_130 : memref<10000x128xf32, #tpu.memory_space<hbm>>) dst(%arg12 : memref<80x128xf32, #tpu.memory_space<vmem>>)
    %run_scoped3A_131 = arith.constant 3 : i32
    "tpu.region"() ({
      %run_scoped3A_145 = tpu.sem_alloc : memref<!tpu.dma_semaphore, #tpu.memory_space<semaphore_mem>>
      %dma_start3A_146 = arith.constant 0 : i32
      %dma_start3A_147 = tpu.memref_slice %arg8[%run_scoped3A_131, %dma_start3A_146] : memref<8x80xi32, #tpu.memory_space<vmem>> -> memref<1x80xi32, #tpu.memory_space<vmem>>
      %dma_start3A_148 = tpu.memref_squeeze %dma_start3A_147 : memref<1x80xi32, #tpu.memory_space<vmem>> -> memref<80xi32, #tpu.memory_space<vmem>>
      %dma_start3A_149 = arith.constant 0 : i32
      %dma_start3A_150 = arith.constant 0 : i32
      %dma_start3A_151 = tpu.memref_slice %arg6[%dma_start3A_149, %dma_start3A_150] : memref<10240x128xf32, #tpu.memory_space<vmem_shared>> -> memref<10240x128xf32, #tpu.memory_space<vmem_shared>>
      tpu.enqueue_indirect_dma source(%arg12 : memref<80x128xf32, #tpu.memory_space<vmem>>) target(%dma_start3A_151 : memref<10240x128xf32, #tpu.memory_space<vmem_shared>>) offsets(%dma_start3A_148 : memref<80xi32, #tpu.memory_space<vmem>>) semaphore(%run_scoped3A_145 : memref<!tpu.dma_semaphore, #tpu.memory_space<semaphore_mem>>) {add = true}
      %dma_wait3A_152 = arith.constant 0 : i32
      %dma_wait3A_153 = tpu.memref_slice %arg8[%run_scoped3A_131, %dma_wait3A_152] : memref<8x80xi32, #tpu.memory_space<vmem>> -> memref<1x80xi32, #tpu.memory_space<vmem>>
      %dma_wait3A_154 = tpu.memref_squeeze %dma_wait3A_153 : memref<1x80xi32, #tpu.memory_space<vmem>> -> memref<80xi32, #tpu.memory_space<vmem>>
      %dma_wait3A_155 = arith.constant 0 : i32
      %dma_wait3A_156 = arith.constant 0 : i32
      %dma_wait3A_157 = tpu.memref_slice %arg6[%dma_wait3A_155, %dma_wait3A_156] : memref<10240x128xf32, #tpu.memory_space<vmem_shared>> -> memref<10240x128xf32, #tpu.memory_space<vmem_shared>>
      tpu.wait_indirect_dma semaphore(%run_scoped3A_145 : memref<!tpu.dma_semaphore, #tpu.memory_space<semaphore_mem>>) src(%arg12 : memref<80x128xf32, #tpu.memory_space<vmem>>) dst(%dma_wait3A_157 : memref<10240x128xf32, #tpu.memory_space<vmem_shared>>)
      tpu.yield
    }) : () -> ()
    %dma_wait3A_132 = arith.constant 4 : i32
    %dma_wait3A_133 = arith.constant 0 : i32
    %dma_wait3A_134 = tpu.memref_slice %arg7[%dma_wait3A_132, %dma_wait3A_133] : memref<8x80xi32, #tpu.memory_space<vmem>> -> memref<1x80xi32, #tpu.memory_space<vmem>>
    %dma_wait3A_135 = tpu.memref_squeeze %dma_wait3A_134 : memref<1x80xi32, #tpu.memory_space<vmem>> -> memref<80xi32, #tpu.memory_space<vmem>>
    %dma_wait3A_136 = arith.constant 0 : i32
    %dma_wait3A_137 = arith.constant 0 : i32
    %dma_wait3A_138 = tpu.memref_slice %arg2[%dma_wait3A_136, %dma_wait3A_137] : memref<10000x128xf32, #tpu.memory_space<hbm>> -> memref<10000x128xf32, #tpu.memory_space<hbm>>
    tpu.wait_indirect_dma semaphore(%arg15 : memref<!tpu.dma_semaphore, #tpu.memory_space<semaphore_mem>>) src(%dma_wait3A_138 : memref<10000x128xf32, #tpu.memory_space<hbm>>) dst(%arg9 : memref<80x128xf32, #tpu.memory_space<vmem>>)
    %run_scoped3A_139 = arith.constant 4 : i32
    "tpu.region"() ({
      %run_scoped3A_145 = tpu.sem_alloc : memref<!tpu.dma_semaphore, #tpu.memory_space<semaphore_mem>>
      %dma_start3A_146 = arith.constant 0 : i32
      %dma_start3A_147 = tpu.memref_slice %arg8[%run_scoped3A_139, %dma_start3A_146] : memref<8x80xi32, #tpu.memory_space<vmem>> -> memref<1x80xi32, #tpu.memory_space<vmem>>
      %dma_start3A_148 = tpu.memref_squeeze %dma_start3A_147 : memref<1x80xi32, #tpu.memory_space<vmem>> -> memref<80xi32, #tpu.memory_space<vmem>>
      %dma_start3A_149 = arith.constant 0 : i32
      %dma_start3A_150 = arith.constant 0 : i32
      %dma_start3A_151 = tpu.memref_slice %arg6[%dma_start3A_149, %dma_start3A_150] : memref<10240x128xf32, #tpu.memory_space<vmem_shared>> -> memref<10240x128xf32, #tpu.memory_space<vmem_shared>>
      tpu.enqueue_indirect_dma source(%arg9 : memref<80x128xf32, #tpu.memory_space<vmem>>) target(%dma_start3A_151 : memref<10240x128xf32, #tpu.memory_space<vmem_shared>>) offsets(%dma_start3A_148 : memref<80xi32, #tpu.memory_space<vmem>>) semaphore(%run_scoped3A_145 : memref<!tpu.dma_semaphore, #tpu.memory_space<semaphore_mem>>) {add = true}
      %dma_wait3A_152 = arith.constant 0 : i32
      %dma_wait3A_153 = tpu.memref_slice %arg8[%run_scoped3A_139, %dma_wait3A_152] : memref<8x80xi32, #tpu.memory_space<vmem>> -> memref<1x80xi32, #tpu.memory_space<vmem>>
      %dma_wait3A_154 = tpu.memref_squeeze %dma_wait3A_153 : memref<1x80xi32, #tpu.memory_space<vmem>> -> memref<80xi32, #tpu.memory_space<vmem>>
      %dma_wait3A_155 = arith.constant 0 : i32
      %dma_wait3A_156 = arith.constant 0 : i32
      %dma_wait3A_157 = tpu.memref_slice %arg6[%dma_wait3A_155, %dma_wait3A_156] : memref<10240x128xf32, #tpu.memory_space<vmem_shared>> -> memref<10240x128xf32, #tpu.memory_space<vmem_shared>>
      tpu.wait_indirect_dma semaphore(%run_scoped3A_145 : memref<!tpu.dma_semaphore, #tpu.memory_space<semaphore_mem>>) src(%arg9 : memref<80x128xf32, #tpu.memory_space<vmem>>) dst(%dma_wait3A_157 : memref<10240x128xf32, #tpu.memory_space<vmem_shared>>)
      tpu.yield
    }) : () -> ()
    %barrier3A_140 = arith.constant 0 : index
    tpu.barrier barrier_id(%barrier3A_140)
    %mul3A_141 = arith.constant 640 : i32
    %mul3A_142 = arith.muli %arg1, %mul3A_141 : i32
    %mul3A_143 = arith.constant 640 : i32
    %mul3A_144 = arith.muli %arg1, %mul3A_143 : i32
    "tpu.region"() ({
      %run_scoped3A_145 = tpu.sem_alloc : memref<!tpu.dma_semaphore, #tpu.memory_space<semaphore_mem>>
      %dma_start3A_146 = arith.constant 0 : i32
      %dma_start3A_147 = tpu.memref_slice %arg5[%arg0, %mul3A_144, %dma_start3A_146] : memref<2x10240x128xf32, #tpu.memory_space<hbm>> -> memref<1x640x128xf32, #tpu.memory_space<hbm>>
      %dma_start3A_148 = tpu.memref_squeeze %dma_start3A_147 : memref<1x640x128xf32, #tpu.memory_space<hbm>> -> memref<640x128xf32, #tpu.memory_space<hbm>>
      %dma_start3A_149 = arith.constant 0 : i32
      %dma_start3A_150 = tpu.memref_slice %arg6[%mul3A_142, %dma_start3A_149] : memref<10240x128xf32, #tpu.memory_space<vmem_shared>> -> memref<640x128xf32, #tpu.memory_space<vmem_shared>>
      tpu.enqueue_dma source(%dma_start3A_150 : memref<640x128xf32, #tpu.memory_space<vmem_shared>>) target(%dma_start3A_148 : memref<640x128xf32, #tpu.memory_space<hbm>>) target_semaphore(%run_scoped3A_145 : memref<!tpu.dma_semaphore, #tpu.memory_space<semaphore_mem>>)
      %dma_wait3A_151 = arith.constant 0 : i32
      %dma_wait3A_152 = tpu.memref_slice %arg5[%arg0, %mul3A_144, %dma_wait3A_151] : memref<2x10240x128xf32, #tpu.memory_space<hbm>> -> memref<1x640x128xf32, #tpu.memory_space<hbm>>
      %dma_wait3A_153 = tpu.memref_squeeze %dma_wait3A_152 : memref<1x640x128xf32, #tpu.memory_space<hbm>> -> memref<640x128xf32, #tpu.memory_space<hbm>>
      %dma_wait3A_154 = arith.constant 0 : i32
      %dma_wait3A_155 = tpu.memref_slice %arg6[%mul3A_142, %dma_wait3A_154] : memref<10240x128xf32, #tpu.memory_space<vmem_shared>> -> memref<640x128xf32, #tpu.memory_space<vmem_shared>>
      tpu.wait_dma2 semaphore(%run_scoped3A_145 : memref<!tpu.dma_semaphore, #tpu.memory_space<semaphore_mem>>) src(%dma_wait3A_155 : memref<640x128xf32, #tpu.memory_space<vmem_shared>>) dst(%dma_wait3A_153 : memref<640x128xf32, #tpu.memory_space<hbm>>)
      tpu.yield
    }) : () -> ()
    return
  }
}

module attributes {stable_mosaic.version = 14 : i64} {
  func.func @_root_body(%arg0: i32, %arg1: memref<2000x128xf32, #tpu.memory_space<vmem>>, %arg2: memref<128x128xf32, #tpu.memory_space<vmem>>, %arg3: memref<1x128xf32, #tpu.memory_space<vmem>>, %arg4: memref<2000x128xf32, #tpu.memory_space<vmem>>) attributes {dimension_semantics = [#tpu.dimension_semantics<arbitrary>], iteration_bounds = array<i64: 5>, scalar_prefetch = 0 : i64, scratch_operands = 0 : i64, tpu.core_type = #tpu.core_type<tc>, window_params = [{transform_indices = @transform_0, window_bounds = array<i64: 2000, 128>}, {pipeline_mode = #tpu.pipeline_mode<synchronous>, transform_indices = @transform_1, window_bounds = array<i64: 128, 128>}, {pipeline_mode = #tpu.pipeline_mode<synchronous>, transform_indices = @transform_2, window_bounds = array<i64: 1, 128>}, {transform_indices = @transform_3, window_bounds = array<i64: 2000, 128>}]} {
    %get3A = arith.constant 0 : index
    %get3A_0 = arith.constant 0 : index
    %get3A_1 = vector.load %arg1[%get3A, %get3A_0] : memref<2000x128xf32, #tpu.memory_space<vmem>>, vector<2000x128xf32>
    %get3A_2 = arith.constant 0 : index
    %get3A_3 = arith.constant 0 : index
    %get3A_4 = vector.load %arg2[%get3A_2, %get3A_3] : memref<128x128xf32, #tpu.memory_space<vmem>>, vector<128x128xf32>
    %dot_general3A = arith.constant dense<0.000000e+00> : vector<2000x128xf32>
    %dot_general3A_5 = tpu.matmul %get3A_1, %get3A_4, %dot_general3A {dimension_numbers = #tpu.dot_dimension_numbers<[1], [1], [0], [0], [0, 0, 1, 0], [], []>, transpose_lhs_hint = false} : vector<2000x128xf32>, vector<128x128xf32>, vector<2000x128xf32> -> vector<2000x128xf32>
    %get3A_6 = arith.constant 0 : index
    %get3A_7 = arith.constant 0 : index
    %get3A_8 = vector.load %arg3[%get3A_6, %get3A_7] : memref<1x128xf32, #tpu.memory_space<vmem>>, vector<1x128xf32>
    %add3A = vector.broadcast %get3A_8 : vector<1x128xf32> to vector<2000x128xf32>
    %add3A_9 = arith.addf %dot_general3A_5, %add3A : vector<2000x128xf32>
    %swap3A = arith.constant 0 : index
    %swap3A_10 = arith.constant 0 : index
    %swap3A_11 = vector.load %arg4[%swap3A, %swap3A_10] : memref<2000x128xf32, #tpu.memory_space<vmem>>, vector<2000x128xf32>
    tpu.vector_store %arg4[%swap3A, %swap3A_10], %add3A_9 {strides = array<i32>} : memref<2000x128xf32, #tpu.memory_space<vmem>>, vector<2000x128xf32>,
    return
  }
  func.func @transform_0(%arg0: i32) -> (i32, i32) {
    %c0_i32 = arith.constant 0 : i32
    %c0_i32_0 = arith.constant 0 : i32
    return %arg0, %c0_i32 : i32, i32
  }
  func.func @transform_1(%arg0: i32) -> (i32, i32) {
    %c0_i32 = arith.constant 0 : i32
    %c0_i32_0 = arith.constant 0 : i32
    %c0_i32_1 = arith.constant 0 : i32
    return %c0_i32, %c0_i32_0 : i32, i32
  }
  func.func @transform_2(%arg0: i32) -> (i32, i32) {
    %c0_i32 = arith.constant 0 : i32
    %c0_i32_0 = arith.constant 0 : i32
    %c0_i32_1 = arith.constant 0 : i32
    return %c0_i32, %c0_i32_0 : i32, i32
  }
  func.func @transform_3(%arg0: i32) -> (i32, i32) {
    %c0_i32 = arith.constant 0 : i32
    %c0_i32_0 = arith.constant 0 : i32
    return %arg0, %c0_i32 : i32, i32
  }
}

module attributes {stable_mosaic.version = 14 : i64} {
  func.func @_combine_body(%arg0: i32, %arg1: memref<2x2000x128xf32, #tpu.memory_space<vmem>>, %arg2: memref<2000x128xf32, #tpu.memory_space<vmem>>, %arg3: memref<128x128xf32, #tpu.memory_space<vmem>>, %arg4: memref<2000x128xf32, #tpu.memory_space<vmem>>) attributes {dimension_semantics = [#tpu.dimension_semantics<arbitrary>], iteration_bounds = array<i64: 5>, scalar_prefetch = 0 : i64, scratch_operands = 0 : i64, tpu.core_type = #tpu.core_type<tc>, window_params = [{transform_indices = @transform_0, window_bounds = array<i64: 2, 2000, 128>}, {transform_indices = @transform_1, window_bounds = array<i64: 2000, 128>}, {pipeline_mode = #tpu.pipeline_mode<synchronous>, transform_indices = @transform_2, window_bounds = array<i64: 128, 128>}, {transform_indices = @transform_3, window_bounds = array<i64: 2000, 128>}]} {
    %get3A = arith.constant 0 : index
    %get3A_0 = arith.constant 0 : index
    %get3A_1 = arith.constant 0 : index
    %get3A_2 = vector.load %arg1[%get3A, %get3A_0, %get3A_1] : memref<2x2000x128xf32, #tpu.memory_space<vmem>>, vector<1x2000x128xf32>
    %get3A_3 = vector.shape_cast %get3A_2 : vector<1x2000x128xf32> to vector<2000x128xf32>
    %get3A_4 = arith.constant 1 : index
    %get3A_5 = arith.constant 0 : index
    %get3A_6 = arith.constant 0 : index
    %get3A_7 = vector.load %arg1[%get3A_4, %get3A_5, %get3A_6] : memref<2x2000x128xf32, #tpu.memory_space<vmem>>, vector<1x2000x128xf32>
    %get3A_8 = vector.shape_cast %get3A_7 : vector<1x2000x128xf32> to vector<2000x128xf32>
    %add3A = arith.addf %get3A_3, %get3A_8 : vector<2000x128xf32>
    %get3A_9 = arith.constant 0 : index
    %get3A_10 = arith.constant 0 : index
    %get3A_11 = vector.load %arg3[%get3A_9, %get3A_10] : memref<128x128xf32, #tpu.memory_space<vmem>>, vector<128x128xf32>
    %dot_general3A = arith.constant dense<0.000000e+00> : vector<2000x128xf32>
    %dot_general3A_12 = tpu.matmul %add3A, %get3A_11, %dot_general3A {dimension_numbers = #tpu.dot_dimension_numbers<[1], [1], [0], [0], [0, 0, 1, 0], [], []>, transpose_lhs_hint = false} : vector<2000x128xf32>, vector<128x128xf32>, vector<2000x128xf32> -> vector<2000x128xf32>
    %get3A_13 = arith.constant 0 : index
    %get3A_14 = arith.constant 0 : index
    %get3A_15 = vector.load %arg2[%get3A_13, %get3A_14] : memref<2000x128xf32, #tpu.memory_space<vmem>>, vector<2000x128xf32>
    %add3A_16 = arith.addf %dot_general3A_12, %get3A_15 : vector<2000x128xf32>
    %max3A = arith.constant 0.000000e+00 : f32
    %max3A_17 = vector.broadcast %max3A : f32 to vector<2000x128xf32>
    %max3A_18 = arith.maximumf %add3A_16, %max3A_17 : vector<2000x128xf32>
    %swap3A = arith.constant 0 : index
    %swap3A_19 = arith.constant 0 : index
    %swap3A_20 = vector.load %arg4[%swap3A, %swap3A_19] : memref<2000x128xf32, #tpu.memory_space<vmem>>, vector<2000x128xf32>
    tpu.vector_store %arg4[%swap3A, %swap3A_19], %max3A_18 {strides = array<i32>} : memref<2000x128xf32, #tpu.memory_space<vmem>>, vector<2000x128xf32>,
    return
  }
  func.func @transform_0(%arg0: i32) -> (i32, i32, i32) {
    %c0_i32 = arith.constant 0 : i32
    %c0_i32_0 = arith.constant 0 : i32
    %c0_i32_1 = arith.constant 0 : i32
    return %c0_i32, %arg0, %c0_i32_0 : i32, i32, i32
  }
  func.func @transform_1(%arg0: i32) -> (i32, i32) {
    %c0_i32 = arith.constant 0 : i32
    %c0_i32_0 = arith.constant 0 : i32
    return %arg0, %c0_i32 : i32, i32
  }
  func.func @transform_2(%arg0: i32) -> (i32, i32) {
    %c0_i32 = arith.constant 0 : i32
    %c0_i32_0 = arith.constant 0 : i32
    %c0_i32_1 = arith.constant 0 : i32
    return %c0_i32, %c0_i32_0 : i32, i32
  }
  func.func @transform_3(%arg0: i32) -> (i32, i32) {
    %c0_i32 = arith.constant 0 : i32
    %c0_i32_0 = arith.constant 0 : i32
    return %arg0, %c0_i32 : i32, i32
  }
}

module attributes {stable_mosaic.version = 14 : i64} {
  func.func @_combine_heads_body(%arg0: i32, %arg1: memref<2x2000x128xf32, #tpu.memory_space<vmem>>, %arg2: memref<2000x128xf32, #tpu.memory_space<vmem>>, %arg3: memref<128x128xf32, #tpu.memory_space<vmem>>, %arg4: memref<8x128xf32, #tpu.memory_space<vmem>>, %arg5: memref<1x8xf32, #tpu.memory_space<vmem>>, %arg6: memref<2000x2xf32, #tpu.memory_space<vmem>>, %arg7: memref<2000x1xf32, #tpu.memory_space<vmem>>) attributes {dimension_semantics = [#tpu.dimension_semantics<arbitrary>], iteration_bounds = array<i64: 5>, scalar_prefetch = 0 : i64, scratch_operands = 0 : i64, tpu.core_type = #tpu.core_type<tc>, window_params = [{transform_indices = @transform_0, window_bounds = array<i64: 2, 2000, 128>}, {transform_indices = @transform_1, window_bounds = array<i64: 2000, 128>}, {pipeline_mode = #tpu.pipeline_mode<synchronous>, transform_indices = @transform_2, window_bounds = array<i64: 128, 128>}, {pipeline_mode = #tpu.pipeline_mode<synchronous>, transform_indices = @transform_3, window_bounds = array<i64: 8, 128>}, {pipeline_mode = #tpu.pipeline_mode<synchronous>, transform_indices = @transform_4, window_bounds = array<i64: 1, 8>}, {transform_indices = @transform_5, window_bounds = array<i64: 2000, 2>}, {transform_indices = @transform_6, window_bounds = array<i64: 2000, 1>}]} {
    %get3A = arith.constant 0 : index
    %get3A_0 = arith.constant 0 : index
    %get3A_1 = arith.constant 0 : index
    %get3A_2 = vector.load %arg1[%get3A, %get3A_0, %get3A_1] : memref<2x2000x128xf32, #tpu.memory_space<vmem>>, vector<1x2000x128xf32>
    %get3A_3 = vector.shape_cast %get3A_2 : vector<1x2000x128xf32> to vector<2000x128xf32>
    %get3A_4 = arith.constant 1 : index
    %get3A_5 = arith.constant 0 : index
    %get3A_6 = arith.constant 0 : index
    %get3A_7 = vector.load %arg1[%get3A_4, %get3A_5, %get3A_6] : memref<2x2000x128xf32, #tpu.memory_space<vmem>>, vector<1x2000x128xf32>
    %get3A_8 = vector.shape_cast %get3A_7 : vector<1x2000x128xf32> to vector<2000x128xf32>
    %add3A = arith.addf %get3A_3, %get3A_8 : vector<2000x128xf32>
    %get3A_9 = arith.constant 0 : index
    %get3A_10 = arith.constant 0 : index
    %get3A_11 = vector.load %arg3[%get3A_9, %get3A_10] : memref<128x128xf32, #tpu.memory_space<vmem>>, vector<128x128xf32>
    %dot_general3A = arith.constant dense<0.000000e+00> : vector<2000x128xf32>
    %dot_general3A_12 = tpu.matmul %add3A, %get3A_11, %dot_general3A {dimension_numbers = #tpu.dot_dimension_numbers<[1], [1], [0], [0], [0, 0, 1, 0], [], []>, transpose_lhs_hint = false} : vector<2000x128xf32>, vector<128x128xf32>, vector<2000x128xf32> -> vector<2000x128xf32>
    %get3A_13 = arith.constant 0 : index
    %get3A_14 = arith.constant 0 : index
    %get3A_15 = vector.load %arg2[%get3A_13, %get3A_14] : memref<2000x128xf32, #tpu.memory_space<vmem>>, vector<2000x128xf32>
    %add3A_16 = arith.addf %dot_general3A_12, %get3A_15 : vector<2000x128xf32>
    %max3A = arith.constant 0.000000e+00 : f32
    %max3A_17 = vector.broadcast %max3A : f32 to vector<2000x128xf32>
    %max3A_18 = arith.maximumf %add3A_16, %max3A_17 : vector<2000x128xf32>
    %get3A_19 = arith.constant 0 : index
    %get3A_20 = arith.constant 0 : index
    %get3A_21 = vector.load %arg4[%get3A_19, %get3A_20] : memref<8x128xf32, #tpu.memory_space<vmem>>, vector<8x128xf32>
    %dot_general3A_22 = arith.constant dense<0.000000e+00> : vector<2000x8xf32>
    %dot_general3A_23 = tpu.matmul %max3A_18, %get3A_21, %dot_general3A_22 {dimension_numbers = #tpu.dot_dimension_numbers<[1], [1], [0], [0], [0, 0, 1, 0], [], []>, transpose_lhs_hint = false} : vector<2000x128xf32>, vector<8x128xf32>, vector<2000x8xf32> -> vector<2000x8xf32>
    %get3A_24 = arith.constant 0 : index
    %get3A_25 = arith.constant 0 : index
    %get3A_26 = vector.load %arg5[%get3A_24, %get3A_25] : memref<1x8xf32, #tpu.memory_space<vmem>>, vector<1x8xf32>
    %add3A_27 = vector.broadcast %get3A_26 : vector<1x8xf32> to vector<2000x8xf32>
    %add3A_28 = arith.addf %dot_general3A_23, %add3A_27 : vector<2000x8xf32>
    %slice3A = vector.extract_strided_slice %add3A_28 {offsets = [0, 0], sizes = [2000, 2], strides = [1, 1]} : vector<2000x8xf32> to vector<2000x2xf32>
    %swap3A = arith.constant 0 : index
    %swap3A_29 = arith.constant 0 : index
    %swap3A_30 = vector.load %arg6[%swap3A, %swap3A_29] : memref<2000x2xf32, #tpu.memory_space<vmem>>, vector<2000x2xf32>
    tpu.vector_store %arg6[%swap3A, %swap3A_29], %slice3A {strides = array<i32>} : memref<2000x2xf32, #tpu.memory_space<vmem>>, vector<2000x2xf32>,
    %slice3A_31 = vector.extract_strided_slice %add3A_28 {offsets = [0, 2], sizes = [2000, 1], strides = [1, 1]} : vector<2000x8xf32> to vector<2000x1xf32>
    %swap3A_32 = arith.constant 0 : index
    %swap3A_33 = arith.constant 0 : index
    %swap3A_34 = vector.load %arg7[%swap3A_32, %swap3A_33] : memref<2000x1xf32, #tpu.memory_space<vmem>>, vector<2000x1xf32>
    tpu.vector_store %arg7[%swap3A_32, %swap3A_33], %slice3A_31 {strides = array<i32>} : memref<2000x1xf32, #tpu.memory_space<vmem>>, vector<2000x1xf32>,
    return
  }
  func.func @transform_0(%arg0: i32) -> (i32, i32, i32) {
    %c0_i32 = arith.constant 0 : i32
    %c0_i32_0 = arith.constant 0 : i32
    %c0_i32_1 = arith.constant 0 : i32
    return %c0_i32, %arg0, %c0_i32_0 : i32, i32, i32
  }
  func.func @transform_1(%arg0: i32) -> (i32, i32) {
    %c0_i32 = arith.constant 0 : i32
    %c0_i32_0 = arith.constant 0 : i32
    return %arg0, %c0_i32 : i32, i32
  }
  func.func @transform_2(%arg0: i32) -> (i32, i32) {
    %c0_i32 = arith.constant 0 : i32
    %c0_i32_0 = arith.constant 0 : i32
    %c0_i32_1 = arith.constant 0 : i32
    return %c0_i32, %c0_i32_0 : i32, i32
  }
  func.func @transform_3(%arg0: i32) -> (i32, i32) {
    %c0_i32 = arith.constant 0 : i32
    %c0_i32_0 = arith.constant 0 : i32
    %c0_i32_1 = arith.constant 0 : i32
    return %c0_i32, %c0_i32_0 : i32, i32
  }
  func.func @transform_4(%arg0: i32) -> (i32, i32) {
    %c0_i32 = arith.constant 0 : i32
    %c0_i32_0 = arith.constant 0 : i32
    %c0_i32_1 = arith.constant 0 : i32
    return %c0_i32, %c0_i32_0 : i32, i32
  }
  func.func @transform_5(%arg0: i32) -> (i32, i32) {
    %c0_i32 = arith.constant 0 : i32
    %c0_i32_0 = arith.constant 0 : i32
    return %arg0, %c0_i32 : i32, i32
  }
  func.func @transform_6(%arg0: i32) -> (i32, i32) {
    %c0_i32 = arith.constant 0 : i32
    %c0_i32_0 = arith.constant 0 : i32
    return %arg0, %c0_i32 : i32, i32
  }
}

</mosaic_0001>

<sc_bundles>
// kernel: kernel.11.cloned.1.call-start
scs
__scs_entry_jumppad:
0x0: {  	(pc) =	sbr.rel $0x88, $3  }
0x1: {  	(tag) =	ssettag $0x0;
	lr =	simm.s32 $0x1  }
0x2: {  	[smem:$0x3F95] =	sst lr;
	_ =	strace $0xD0000000  }
0x3: {  	_ = 	snop  }
0x4: {  	_ = 	snop  }
0x5: {  	_ = 	snop  }
0x6: {  	_ = 	snop  }
0x7: {  	_ = 	snop  }
__scs_overlays_trampoline_lowered:
0x8: {  	[smem:$0x3FA4] =	sst s0  }
0x9: {  	[smem:$0x3FA5] =	sst s1  }
0xa: {  	[smem:$0x3FA6] =	sst s2  }
0xb: {  	[smem:$0x3FA7] =	sst s3  }
0xc: {  	[smem:$0x3FA8] =	sst s4  }
0xd: {  	[smem:$0x3FA9] =	sst s5  }
0xe: {  	[smem:$0x3FAA] =	sst s6  }
0xf: {  	[smem:$0x3FAB] =	sst s7  }
0x10: {  	[smem:$0x3FAC] =	sst s8  }
0x11: {  	[smem:$0x3FAD] =	sst s9;
	s0 =	simm.s32 @!p0 $0x0  }
0x12: {  	s1 =	sld [smem:$0x3F93];
	s0 =	simm.s32 @p0 $0x1  }
0x13: {  	[smem:$0x3FAE] =	sst s0;
	s0 =	simm.s32 @!p1 $0x0  }
0x14: {  	s2 =	sld [smem:$0x3F92];
	s0 =	simm.s32 @p1 $0x1  }
0x15: {  	[smem:$0x3FAF] =	sst s0;
	s0 =	simm.s32 @!p2 $0x0  }
0x16: {  	s3 =	sld [smem:$0x3FDB];
	s0 =	simm.s32 @p2 $0x1  }
0x17: {  	s4 =	simm.s32 $0x1BF5;
	[smem:$0x3FB1] =	sst s0  }
0x18: {  	s0 =	sld [smem:$0x3F94];
	_ =	swait.ge [sflag:s4], $0x0  }
0x19: {  	s7 =	sld [smem:$0x3F95]  }
0x1a: {  	s8 =	sadd.s32 $0xFFFFE003, lr  }
0x1b: {  	s9 =	sadd.s32 $0xFFFFFEF7, lr;
	s5 =	simm.s32 $0xFFFFFFFF;
	p2 =	slt.u32 s8, $0xFFFFF086  }
0x1c: {  	p1 =	slt.u32 s9, $0xF7A;
	s5 =	simm.s32 @!p2 $0x0  }
0x1d: {  	s5 =	simm.s32 @p1 $0x1;
	p0 =	seq.s32 s7, s2  }
0x1e: {  	s7 =	smul.u32 @!p0 $0xF7A, s2;
	p2 =	seq.s32 @!p0 s5, $0x0  }
0x1f: {  	s9 =	smul.u32 $0xF7A, s1;
	s8 =	simm.s32 @!p0 $0x1BF5;
	p2 =	por !p2, p0  }
0x20: {  	[sflag:s8] =	ssyncset.s32 @!p0 $0xFFFFF086;
	s6 =	sadd.s32 @!p0 s3, s7;
	s7 =	simm.s32 @!p0 $0x108  }
0x21: {  	s3 =	sadd.s32 s3, s9;
	s6 =	sadd.s32 @!p0 $0x88, s6;
	s7 =	simm.s32 @p2 $0x1082  }
0x22: {  	[simem:s7], [sflag:s8] =	dma.local @!p0 [hbm:s6], $0xF7A  }
0x23: {  	s9 =	sor.u32 $0xD0000000, s2;
	s6 =	simm.s32 $0x108;
	_ =	swait.ge @!p0 [sflag:s8], $0x0  }
0x24: {  	s3 =	sadd.s32 $0x88, s3;
	s6 =	simm.s32 @!p1 $0x1082;
	[sflag:s4] =	ssyncset.s32 $0xFFFFF086  }
0x25: {  	[simem:s6], [sflag:s4] =	dma.local [hbm:s3], $0xF7A  }
0x26: {  	[smem:$0x3F95] =	sst s1;
	(tag) =	ssettag s2;
	_ =	strace s9  }
0x27: {  	s1 =	sld [smem:$0x3FA5]  }
0x28: {  	s2 =	sld [smem:$0x3FA6]  }
0x29: {  	s4 =	sld [smem:$0x3FA8]  }
0x2a: {  	p0 =	seq.s32 s5, $0x0;
	s5 =	sld [smem:$0x3FA9]  }
0x2b: {  	s6 =	sld [smem:$0x3FAA]  }
0x2c: {  	s7 =	sld [smem:$0x3FAB]  }
0x2d: {  	s3 =	simm.s32 $0x108;
	s8 =	sld [smem:$0x3FAC]  }
0x2e: {  	s3 =	simm.s32 @!p0 $0x1082;
	s9 =	sld [smem:$0x3FAD]  }
0x2f: {  	lr =	sadd.s32 s0, s3;
	s0 =	sld [smem:$0x3FA4]  }
0x30: {  	s3 =	sld [smem:$0x3FA7]  }
0x31: {  	[smem:$0x3FB0] =	sst s10  }
0x32: {  	s10 =	sld [smem:$0x3FAE];
	_ =	sdelay $0x3  }
0x33: {  	p0 =	seq.s32 s10, $0x1;
	s10 =	sld [smem:$0x3FB0];
	_ =	sdelay $0x3  }
0x34: {  	[smem:$0x3FB0] =	sst s10  }
0x35: {  	s10 =	sld [smem:$0x3FAF];
	_ =	sdelay $0x3  }
0x36: {  	p1 =	seq.s32 s10, $0x1;
	s10 =	sld [smem:$0x3FB0];
	_ =	sdelay $0x3  }
0x37: {  	[smem:$0x3FB0] =	sst s10  }
0x38: {  	s10 =	sld [smem:$0x3FB1]  }
0x39: {  	_ = 	snop;
	(pc) =	sbr.ind lr, $3  }
0x3a: {  	_ = 	snop  }
0x3b: {  	_ = 	snop  }
0x3c: {  	p2 =	seq.s32 s10, $0x1;
	s10 =	sld [smem:$0x3FB0]  }
0x3d: {  	_ =	shalt  }
0x3e: {  	_ =	shalt  }
0x3f: {  	_ =	shalt  }
0x40: {  	_ =	shalt  }
0x41: {  	_ =	shalt  }
0x42: {  	_ =	shalt  }
0x43: {  	_ =	shalt  }
0x44: {  	_ =	shalt  }
0x45: {  	_ =	shalt  }
0x46: {  	_ =	shalt  }
0x47: {  	_ =	shalt  }
0x48: {  	_ =	shalt  }
0x49: {  	_ =	shalt  }
0x4a: {  	_ =	shalt  }
0x4b: {  	_ =	shalt  }
0x4c: {  	_ =	shalt  }
0x4d: {  	_ =	shalt  }
0x4e: {  	_ =	shalt  }
0x4f: {  	_ =	shalt  }
0x50: {  	_ =	shalt  }
0x51: {  	_ =	shalt  }
0x52: {  	_ =	shalt  }
0x53: {  	_ =	shalt  }
0x54: {  	_ =	shalt  }
0x55: {  	_ =	shalt  }
0x56: {  	_ =	shalt  }
0x57: {  	_ =	shalt  }
0x58: {  	_ =	shalt  }
0x59: {  	_ =	shalt  }
0x5a: {  	_ =	shalt  }
0x5b: {  	_ =	shalt  }
0x5c: {  	_ =	shalt  }
0x5d: {  	_ =	shalt  }
0x5e: {  	_ =	shalt  }
0x5f: {  	_ =	shalt  }
0x60: {  	_ =	shalt  }
0x61: {  	_ =	shalt  }
0x62: {  	_ =	shalt  }
0x63: {  	_ =	shalt  }
0x64: {  	_ =	shalt  }
0x65: {  	_ =	shalt  }
0x66: {  	_ =	shalt  }
0x67: {  	_ =	shalt  }
0x68: {  	_ =	shalt  }
0x69: {  	_ =	shalt  }
0x6a: {  	_ =	shalt  }
0x6b: {  	_ =	shalt  }
0x6c: {  	_ =	shalt  }
0x6d: {  	_ =	shalt  }
0x6e: {  	_ =	shalt  }
0x6f: {  	_ =	shalt  }
0x70: {  	_ =	shalt  }
0x71: {  	_ =	shalt  }
0x72: {  	_ =	shalt  }
0x73: {  	_ =	shalt  }
0x74: {  	_ =	shalt  }
0x75: {  	_ =	shalt  }
0x76: {  	_ =	shalt  }
0x77: {  	_ =	shalt  }
0x78: {  	_ =	shalt  }
0x79: {  	_ =	shalt  }
0x7a: {  	_ =	shalt  }
0x7b: {  	_ =	shalt  }
0x7c: {  	_ =	shalt  }
0x7d: {  	_ =	shalt  }
0x7e: {  	_ =	shalt  }
0x7f: {  	_ =	shalt  }
0x80: {  	_ =	shalt  }
0x81: {  	_ =	shalt  }
0x82: {  	_ =	shalt  }
0x83: {  	_ =	shalt  }
0x84: {  	_ =	shalt  }
0x85: {  	_ =	shalt  }
0x86: {  	_ =	shalt  }
0x87: {  	_ =	shalt  }
.Lfunc_end0:
.L_simem_size_0:
called_computation.1_lowered:
.L_overlay_start_0:
0x88: {  	s2 =	sld [smem:$0x3FD9]  }
0x89: {  	s3 =	sld [smem:$0x3FFE];
	_ =	sdelay $0x1  }
0x8a: {  	s1 =	srdreg.scid  }
0x8b: {  	s0 =	sand.u32 $0x1, s1  }
0x8c: {  	s16 =	sshll.u32 s0, $0xA;
	s2 =	sadd.s32 s3, s2  }
0x8d: {  	s2 =	sadd.s32 s2, s16  }
0x8e: {  	[smem:$0x3FBC] =	sst s2  }
0x8f: {  	_ = 	snop  }
0x90: {  	(tm) =	ssettm $0x1  }
0x91: {  	s17 =	sld [smem:$0x3FFB];
	_ =	sdelay $0x3  }
0x92: {  	_ =	strace s17  }
0x93: {  	s2 =	sld [smem:$0x3FFC];
	_ =	sdelay $0x3  }
0x94: {  	_ =	strace s2  }
0x95: {  	s2 =	sld [smem:$0x3FFD];
	_ =	sdelay $0x3  }
0x96: {  	_ =	strace s2  }
0x97: {  	_ =	strace $0x8FFFFFFF  }
0x98: {  	s18 =	sld [smem:$0x3FDB];
	_ =	sdelay $0x1  }
0x99: {  	s19 =	simm.s32 $_scs_section_size  }
0x9a: {  	s4 =	simm.s32 $_size__tile_overlayer_lowered;
	s5 =	simm.s32 $_tile_overlayer_lowered  }
0x9b: {  	s22 =	simm.s32 $0x1BFF;
	s21 =	sshll.u32 s5, $0x1;
	s2 =	sadd.s32 s19, s18  }
0x9c: {  	s6 =	simm.s32 $0x0;
	s20 =	sshll.u32 s4, $0x1;
	s4 =	sadd.s32 s21, s2  }
0x9d: {  	[timem:s6], [sflag:s22] =	dma.local [hbm:s4], s20  }
0x9e: {  	_ =	swait.ge [sflag:s22], s20  }
0x9f: {  	s3 =	ssub.s32 $0x0, s20;
	[sflag:s22] =	ssyncset.done $0x0  }
0xa0: {  	[sflag:s22] =	ssyncadd.s32 s3;
	_ =	sdelay $0x1  }
0xa1: {  	s23 =	simm.s32 $0x1B8B  }
0xa2: {  	_ =	swait.ge [sflag:s23], $0x1  }
0xa3: {  	[sflag:s23] =	ssyncset.done $0x0  }
0xa4: {  	s25 =	simm.s32 $0x1B8E;
	s24 =	sld [smem:$0x3FFE];
	[sflag:s23] =	ssyncadd.s32 $0xFFFFFFFF  }
0xa5: {  	s26 =	simm.s32 $execute0_lowered;
	[smem:$0x3FD2] =	sst s25  }
0xa6: {  	s4 =	sshll.u32 s26, $0x1;
	_ =	strace $0x80000049;
	[dreg:$0x1] =	wrdreg $0xFFFFFFFF  }
0xa7: {  	s28 =	simm.s32 $_size_execute0_lowered;
	s2 =	sadd.s32 s2, s4;
	[dreg:$0x0] =	wrdreg $0x0  }
0xa8: {  	s4 =	sshll.u32 s28, $0x1;
	[dreg:$0x2] =	wrdreg s2  }
0xa9: {  	[dreg:$0x3] =	wrdreg s4  }
0xaa: {  	[dreg:$0x4] =	wrdreg $0xC0  }
0xab: {  	_ =	task [dreg:s6], $0x5FFFF  }
0xac: {  	[dreg:$0x1] =	wrdreg $0xFFFFFFFF  }
0xad: {  	[dreg:$0x0] =	wrdreg $0x60  }
0xae: {  	[dreg:$0x2] =	wrdreg s24  }
0xaf: {  	[dreg:$0x3] =	wrdreg $0x0  }
0xb0: {  	[dreg:$0x4] =	wrdreg $0x9  }
0xb1: {  	_ =	task.clear_ibuf [dreg:s6], $0x5FFFF;
	_ =	strace $0x90000049  }
0xb2: {  	s29 =	simm.s32 $0x9;
	_ =	strace $0x8000004B  }
0xb3: {  	_ =	swait.ge [sflag:s29], $0x1  }
0xb4: {  	[sflag:s29] =	ssyncadd.s32 $0xFFFFFFFF  }
0xb5: {  	_ =	strace $0x9000004B  }
0xb6: {  	_ =	sfence  }
0xb7: {  	s30 =	sld [smem:$0x0];
	_ =	sdelay $0x2  }
0xb8: {  	s31 =	sshll.u32 s1, $0xD;
	s1 =	sshrl.u32 s1, $0x2  }
0xb9: {  	s3 =	sand.u32 $0x4000, s31;
	s1 =	sadd.s32 s1, s30  }
0xba: {  	s0 =	sor.u32 s3, s0;
	s1 =	sshll.u32 s1, $0x11  }
0xbb: {  	s0 =	sor.u32 s1, s0  }
0xbc: {  	s0 =	sadd.s32 $0x8F2B, s0  }
0xbd: {  	[sflag:s0] =	ssyncadd.remote.s32 $0x1  }
0xbe: {  	_ =	sfence.sel $0xFFFF  }
0xbf: {  	[dreg:$0x0] =	wrdreg $0xFFFFFFFF;
	(pc) =	sbr.abs _section_cstart, $3  }
0xc0: {  	[dreg:$0x1] =	wrdreg $0xFFFFFFFF  }
0xc1: {  	_ =	task.clear_ibuf [dreg:s6], $0x2FFFF;
	_ =	strace $0x9FFFFFFF  }
0xc2: {  	(tm) =	ssettm $0x7FFFFFFF  }
0xc3: {  	_ =	shalt  }
tec
execute0_lowered:
.L_overlay_start_1:
0x0: {  	(tag) =	ssettag $0x1  }
0x1: {  	s0 =	rddreg [dreg:$0x0];
	s1 =	srdreg.scid  }
0x2: {  	s2 =	rddreg [dreg:$0x1];
	s10 =	stileid.u32  }
0x3: {  	s3 =	simm.s32 $0x0;
	s12 =	simm.s32 $0x7;
	s13 =	simm.s32 $0x14000  }
0x4: {  	s14 =	simm.s32 $0x14400;
	s15 =	simm.s32 $0x1;
	s23 =	simm.s32 $0x14280  }
0x5: {  	s24 =	simm.s32 $0x14300;
	s25 =	simm.s32 $0x14380;
	s26 =	simm.s32 $0x14680  }
0x6: {  	s28 =	simm.s32 $0x14480;
	s29 =	simm.s32 $0x5;
	s30 =	simm.s32 $0x14500  }
0x7: {  	s31 =	simm.s32 $0x6;
	s1 =	sand.u32 $0x1, s1;
	s6 =	smul.u32 $0x14000, s10  }
0x8: {  	[smem:$0x7FF] =	sst s3;
	s4 =	sadd.s32 $0x25200, s0;
	s16 =	sadd.s32 $0x2A00, s0  }
0x9: {  	s7 =	sadd.s32 $0x22A00, s0;
	s18 =	smul.u32 $0x50000, s10;
	s9 =	sshll.u32 s10, $0xB  }
0xa: {  	s10 =	sshll.u32 s10, $0x6;
	_ =	strace $0x8000004A;
	[dreg:$0x8] =	wrdreg s7  }
0xb: {  	s5 =	smul.u32 $0x140000, s1;
	s17 =	ssub.s32 $0x2, s1;
	[dreg:$0x4] =	wrdreg s23  }
0xc: {  	s1 =	sshll.u32 s1, $0xF;
	s10 =	sor.u32 $0x1C07, s10;
	[dreg:$0x5] =	wrdreg s24  }
0xd: {  	[dreg:$0x6] =	wrdreg s25;
	s23 =	simm.s32 $0x14180;
	s24 =	simm.s32 $0x1C000  }
0xe: {  	[dreg:$0x7] =	wrdreg s26;
	s25 =	simm.s32 $0x3;
	s26 =	simm.s32 $0x4  }
0xf: {  	s8 =	sshrl.u32 s17, $0x1;
	s7 =	sshrl.u32 s18, $0x2;
	s19 =	sor.u32 s9, s1  }
0x10: {  	s1 =	sadd.s32 s1, s16;
	s18 =	simm.s32 $0x14800;
	[dreg:$0x9] =	wrdreg s10  }
0x11: {  	s5 =	sadd.s32 s6, s5;
	s7 =	sadd.s32 s7, s2;
	s21 =	sadd.s32 s9, s1  }
0x12: {  	s1 =	simm.s32 $0x14200;
	s5 =	sshrl.u32 s5, $0x3;
	[dreg:$0x3] =	wrdreg s21  }
0x13: {  	s9 =	sshrl.u32 s7, $0x3;
	s21 =	simm.s32 $0x14100;
	s7 =	simm.s32 $0x14700  }
0x14: {  	s0 =	sadd.s32 s5, s0;
	s5 =	ssub.s32 s17, s8;
	s8 =	sadd.s32 s19, s16  }
0x15: {  	s16 =	simm.s32 $0x2;
	[dreg:$0xe] =	wrdreg s9;
	s11 =	sadd.s32 $0x780, s8  }
0x16: {  	s17 =	simm.s32 $0x50;
	s20 =	sadd.s32 $0x10780, s8;
	[dreg:$0xa] =	wrdreg s11  }
0x17: {  	s19 =	simm.s32 $0x14080;
	s0 =	sadd.s32 $0x4C400, s0;
	[dreg:$0xb] =	wrdreg s20  }
0x18: {  	s22 =	smax.u32 s5, $0x1;
	s5 =	simm.s32 $0x14600;
	[dreg:$0xc] =	wrdreg s0  }
0x19: {  	s8 =	simm.s32 $0x14780;
	[dreg:$0xd] =	wrdreg s22;
	s20 =	simm.s32 $0x17000  }
0x1a: {  	s22 =	simm.s32 $0x19800;
	s0 =	simm.s32 $0x14580;
	s11 =	simm.s32 $0x0  }
.LBB2_1:
0x1b: {  	[dreg:$0xf] =	wrdreg s11  }
0x1c: {  	s6 =	rddreg [dreg:$0x8]  }
0x1d: {  	[spmem:s9], [sflag:s10] =	dma.local [hbm:s6], $0x2800  }
0x1e: {  	_ =	swait.ge [sflag:s12], $0x2800  }
0x1f: {  	[sflag:s12] =	ssyncset.done $0x0  }
0x20: {  	[sflag:s12] =	ssyncadd.s32 $0xFFFFD800  }
0x21: {  	[bflag:$0x0] =	sbarrier.arrive $0xFFFF  }
0x22: {  	s9 =	rddreg [dreg:$0x3]  }
0x23: {  	s6 =	sadd.s32 $0x0, s9  }
0x24: {  	[tilespmem:s13], [sflag:$0x1] =	stream.linear.gather [hbm4b:s6+s3], $0x400, $0x38;
	[tilespmem:$0x1E800] =	vst v63  }
0x25: {  	s6 =	sadd.s32 $0x10000, s6  }
0x26: {  	[tilespmem:s14], [sflag:$0x2] =	stream.linear.gather [hbm4b:s6+s3], $0x400, $0x38;
	[tilespmem:$0x1E800] =	vst v63  }
0x27: {  	_ =	swait.ge [sflag:s15], $0x400  }
0x28: {  	[sflag:s15] =	ssyncset.done $0x0  }
0x29: {  	[sflag:s15] =	ssyncadd.s32 $0xFFFFFC00  }
0x2a: {  	_ =	swait.ge [sflag:s16], $0x400  }
0x2b: {  	[sflag:s16] =	ssyncset.done $0x0  }
0x2c: {  	[sflag:s16] =	ssyncadd.s32 $0xFFFFFC00  }
0x2d: {  	[tilespmem:s18], [sflag:$0x3] =	stream.indirect.gather [hbm4b:s4+s17], $0x80, s13, s17, $0xb8;
	[tilespmem:$0x1E800] =	vst v63  }
0x2e: {  	_ = 	snop  }
0x2f: {  	[tilespmem:s20], [sflag:$0x4] =	stream.indirect.gather [hbm4b:s4+s17], $0x80, s19, s17, $0xb8;
	[tilespmem:$0x1E800] =	vst v63  }
0x30: {  	_ = 	snop  }
0x31: {  	[tilespmem:s22], [sflag:$0x5] =	stream.indirect.gather [hbm4b:s4+s17], $0x80, s21, s17, $0xb8;
	[tilespmem:$0x1E800] =	vst v63  }
0x32: {  	_ = 	snop  }
0x33: {  	[tilespmem:s24], [sflag:$0x6] =	stream.indirect.gather [hbm4b:s4+s17], $0x80, s23, s17, $0xb8;
	[tilespmem:$0x1E800] =	vst v63  }
0x34: {  	_ =	swait.ge [sflag:s25], $0x2800  }
0x35: {  	[sflag:s25] =	ssyncset.done $0x0  }
0x36: {  	[sflag:s25] =	ssyncadd.s32 $0xFFFFD800  }
0x37: {  	[spmem:s2] =	stream.indirect.scatter.add.f32 [tilespmem:s18], [sflag:$0x7], $0x80, s14, s17, $0xb8;
	[tilespmem:$0x1E800] =	vst v63  }
0x38: {  	_ =	swait.ge [sflag:s12], $0x2800  }
0x39: {  	[sflag:s12] =	ssyncset.done $0x0  }
0x3a: {  	[sflag:s12] =	ssyncadd.s32 $0xFFFFD800  }
0x3b: {  	_ =	swait.ge [sflag:s26], $0x2800  }
0x3c: {  	[sflag:s26] =	ssyncset.done $0x0  }
0x3d: {  	[sflag:s26] =	ssyncadd.s32 $0xFFFFD800  }
0x3e: {  	[spmem:s2] =	stream.indirect.scatter.add.f32 [tilespmem:s20], [sflag:$0x7], $0x80, s28, s17, $0xb8;
	[tilespmem:$0x1E800] =	vst v63  }
0x3f: {  	_ =	swait.ge [sflag:s12], $0x2800  }
0x40: {  	[sflag:s12] =	ssyncset.done $0x0  }
0x41: {  	[sflag:s12] =	ssyncadd.s32 $0xFFFFD800  }
0x42: {  	_ =	swait.ge [sflag:s29], $0x2800  }
0x43: {  	[sflag:s29] =	ssyncset.done $0x0  }
0x44: {  	[sflag:s29] =	ssyncadd.s32 $0xFFFFD800  }
0x45: {  	[spmem:s2] =	stream.indirect.scatter.add.f32 [tilespmem:s22], [sflag:$0x7], $0x80, s30, s17, $0xb8;
	[tilespmem:$0x1E800] =	vst v63  }
0x46: {  	_ =	swait.ge [sflag:s12], $0x2800  }
0x47: {  	[sflag:s12] =	ssyncset.done $0x0  }
0x48: {  	[sflag:s12] =	ssyncadd.s32 $0xFFFFD800  }
0x49: {  	_ =	swait.ge [sflag:s31], $0x2800  }
0x4a: {  	[sflag:s31] =	ssyncset.done $0x0  }
0x4b: {  	[sflag:s31] =	ssyncadd.s32 $0xFFFFD800  }
0x4c: {  	[spmem:s2] =	stream.indirect.scatter.add.f32 [tilespmem:s24], [sflag:$0x7], $0x80, s0, s17, $0xb8;
	[tilespmem:$0x1E800] =	vst v63  }
0x4d: {  	_ =	swait.ge [sflag:s12], $0x2800  }
0x4e: {  	[sflag:s12] =	ssyncset.done $0x0  }
0x4f: {  	[sflag:s12] =	ssyncadd.s32 $0xFFFFD800  }
0x50: {  	[tilespmem:s18], [sflag:$0x3] =	stream.indirect.gather [hbm4b:s4+s17], $0x80, s1, s17, $0xb8;
	[tilespmem:$0x1E800] =	vst v63  }
0x51: {  	s10 =	rddreg [dreg:$0x4]  }
0x52: {  	[tilespmem:s20], [sflag:$0x4] =	stream.indirect.gather [hbm4b:s4+s17], $0x80, s10, s17, $0xb8;
	[tilespmem:$0x1E800] =	vst v63  }
0x53: {  	s11 =	rddreg [dreg:$0x5]  }
0x54: {  	[tilespmem:s22], [sflag:$0x5] =	stream.indirect.gather [hbm4b:s4+s17], $0x80, s11, s17, $0xb8;
	[tilespmem:$0x1E800] =	vst v63  }
0x55: {  	s9 =	rddreg [dreg:$0x6]  }
0x56: {  	[tilespmem:s24], [sflag:$0x6] =	stream.indirect.gather [hbm4b:s4+s17], $0x80, s9, s17, $0xb8;
	[tilespmem:$0x1E800] =	vst v63  }
0x57: {  	_ =	swait.ge [sflag:s25], $0x2800  }
0x58: {  	[sflag:s25] =	ssyncset.done $0x0  }
0x59: {  	[sflag:s25] =	ssyncadd.s32 $0xFFFFD800  }
0x5a: {  	[spmem:s2] =	stream.indirect.scatter.add.f32 [tilespmem:s18], [sflag:$0x7], $0x80, s5, s17, $0xb8;
	[tilespmem:$0x1E800] =	vst v63  }
0x5b: {  	_ =	swait.ge [sflag:s12], $0x2800  }
0x5c: {  	[sflag:s12] =	ssyncset.done $0x0  }
0x5d: {  	[sflag:s12] =	ssyncadd.s32 $0xFFFFD800  }
0x5e: {  	_ =	swait.ge [sflag:s26], $0x2800  }
0x5f: {  	[sflag:s26] =	ssyncset.done $0x0  }
0x60: {  	s11 =	rddreg [dreg:$0x7];
	[sflag:s26] =	ssyncadd.s32 $0xFFFFD800  }
0x61: {  	[spmem:s2] =	stream.indirect.scatter.add.f32 [tilespmem:s20], [sflag:$0x7], $0x80, s11, s17, $0xb8;
	[tilespmem:$0x1E800] =	vst v63  }
0x62: {  	_ =	swait.ge [sflag:s12], $0x2800  }
0x63: {  	[sflag:s12] =	ssyncset.done $0x0  }
0x64: {  	[sflag:s12] =	ssyncadd.s32 $0xFFFFD800  }
0x65: {  	_ =	swait.ge [sflag:s29], $0x2800  }
0x66: {  	[sflag:s29] =	ssyncset.done $0x0  }
0x67: {  	[sflag:s29] =	ssyncadd.s32 $0xFFFFD800  }
0x68: {  	[spmem:s2] =	stream.indirect.scatter.add.f32 [tilespmem:s22], [sflag:$0x7], $0x80, s7, s17, $0xb8;
	[tilespmem:$0x1E800] =	vst v63  }
0x69: {  	_ =	swait.ge [sflag:s12], $0x2800  }
0x6a: {  	[sflag:s12] =	ssyncset.done $0x0  }
0x6b: {  	[sflag:s12] =	ssyncadd.s32 $0xFFFFD800  }
0x6c: {  	_ =	swait.ge [sflag:s31], $0x2800  }
0x6d: {  	[sflag:s31] =	ssyncset.done $0x0  }
0x6e: {  	[sflag:s31] =	ssyncadd.s32 $0xFFFFD800  }
0x6f: {  	[spmem:s2] =	stream.indirect.scatter.add.f32 [tilespmem:s24], [sflag:$0x7], $0x80, s8, s17, $0xb8;
	[tilespmem:$0x1E800] =	vst v63  }
0x70: {  	s6 =	simm.s32 $0x100;
	_ =	swait.ge [sflag:s12], $0x2800  }
0x71: {  	s10 =	simm.s32 $0x80;
	s11 =	rddreg [dreg:$0x3];
	[sflag:s12] =	ssyncset.done $0x0  }
.LBB2_2:
0x72: {  	[sflag:s12] =	ssyncadd.s32 $0xFFFFD800;
	s11 =	sadd.s32 s10, s11  }
0x73: {  	[tilespmem:s13], [sflag:$0x1] =	stream.linear.gather [hbm4b:s11+s3], $0x400, $0x38;
	[tilespmem:$0x1E800] =	vst v63  }
0x74: {  	s11 =	sadd.s32 $0x10000, s11  }
0x75: {  	[tilespmem:s14], [sflag:$0x2] =	stream.linear.gather [hbm4b:s11+s3], $0x400, $0x38;
	[tilespmem:$0x1E800] =	vst v63  }
0x76: {  	_ =	swait.ge [sflag:s15], $0x400  }
0x77: {  	[sflag:s15] =	ssyncset.done $0x0  }
0x78: {  	[sflag:s15] =	ssyncadd.s32 $0xFFFFFC00  }
0x79: {  	_ =	swait.ge [sflag:s16], $0x400  }
0x7a: {  	[sflag:s16] =	ssyncset.done $0x0  }
0x7b: {  	[sflag:s16] =	ssyncadd.s32 $0xFFFFFC00  }
0x7c: {  	[tilespmem:s18], [sflag:$0x3] =	stream.indirect.gather [hbm4b:s4+s17], $0x80, s13, s17, $0xb8;
	[tilespmem:$0x1E800] =	vst v63  }
0x7d: {  	_ = 	snop  }
0x7e: {  	[tilespmem:s20], [sflag:$0x4] =	stream.indirect.gather [hbm4b:s4+s17], $0x80, s19, s17, $0xb8;
	[tilespmem:$0x1E800] =	vst v63  }
0x7f: {  	_ = 	snop  }
0x80: {  	[tilespmem:s22], [sflag:$0x5] =	stream.indirect.gather [hbm4b:s4+s17], $0x80, s21, s17, $0xb8;
	[tilespmem:$0x1E800] =	vst v63  }
0x81: {  	_ = 	snop  }
0x82: {  	[tilespmem:s24], [sflag:$0x6] =	stream.indirect.gather [hbm4b:s4+s17], $0x80, s23, s17, $0xb8;
	[tilespmem:$0x1E800] =	vst v63  }
0x83: {  	_ =	swait.ge [sflag:s25], $0x2800  }
0x84: {  	[sflag:s25] =	ssyncset.done $0x0  }
0x85: {  	[sflag:s25] =	ssyncadd.s32 $0xFFFFD800  }
0x86: {  	[spmem:s2] =	stream.indirect.scatter.add.f32 [tilespmem:s18], [sflag:$0x7], $0x80, s14, s17, $0xb8;
	[tilespmem:$0x1E800] =	vst v63  }
0x87: {  	_ =	swait.ge [sflag:s12], $0x2800  }
0x88: {  	[sflag:s12] =	ssyncset.done $0x0  }
0x89: {  	[sflag:s12] =	ssyncadd.s32 $0xFFFFD800  }
0x8a: {  	_ =	swait.ge [sflag:s26], $0x2800  }
0x8b: {  	[sflag:s26] =	ssyncset.done $0x0  }
0x8c: {  	[sflag:s26] =	ssyncadd.s32 $0xFFFFD800  }
0x8d: {  	[spmem:s2] =	stream.indirect.scatter.add.f32 [tilespmem:s20], [sflag:$0x7], $0x80, s28, s17, $0xb8;
	[tilespmem:$0x1E800] =	vst v63  }
0x8e: {  	_ =	swait.ge [sflag:s12], $0x2800  }
0x8f: {  	[sflag:s12] =	ssyncset.done $0x0  }
0x90: {  	[sflag:s12] =	ssyncadd.s32 $0xFFFFD800  }
0x91: {  	_ =	swait.ge [sflag:s29], $0x2800  }
0x92: {  	[sflag:s29] =	ssyncset.done $0x0  }
0x93: {  	[sflag:s29] =	ssyncadd.s32 $0xFFFFD800  }
0x94: {  	[spmem:s2] =	stream.indirect.scatter.add.f32 [tilespmem:s22], [sflag:$0x7], $0x80, s30, s17, $0xb8;
	[tilespmem:$0x1E800] =	vst v63  }
0x95: {  	_ =	swait.ge [sflag:s12], $0x2800  }
0x96: {  	[sflag:s12] =	ssyncset.done $0x0  }
0x97: {  	[sflag:s12] =	ssyncadd.s32 $0xFFFFD800  }
0x98: {  	_ =	swait.ge [sflag:s31], $0x2800  }
0x99: {  	[sflag:s31] =	ssyncset.done $0x0  }
0x9a: {  	[sflag:s31] =	ssyncadd.s32 $0xFFFFD800  }
0x9b: {  	[spmem:s2] =	stream.indirect.scatter.add.f32 [tilespmem:s24], [sflag:$0x7], $0x80, s0, s17, $0xb8;
	[tilespmem:$0x1E800] =	vst v63  }
0x9c: {  	_ =	swait.ge [sflag:s12], $0x2800  }
0x9d: {  	[sflag:s12] =	ssyncset.done $0x0  }
0x9e: {  	s9 =	smov.u32 s6;
	[sflag:s12] =	ssyncadd.s32 $0xFFFFD800  }
0x9f: {  	[tilespmem:s18], [sflag:$0x3] =	stream.indirect.gather [hbm4b:s4+s17], $0x80, s1, s17, $0xb8;
	[tilespmem:$0x1E800] =	vst v63  }
0xa0: {  	s10 =	smov.u32 s9;
	s9 =	rddreg [dreg:$0x4]  }
0xa1: {  	[tilespmem:s20], [sflag:$0x4] =	stream.indirect.gather [hbm4b:s4+s17], $0x80, s9, s17, $0xb8;
	[tilespmem:$0x1E800] =	vst v63  }
0xa2: {  	s11 =	rddreg [dreg:$0x5]  }
0xa3: {  	[tilespmem:s22], [sflag:$0x5] =	stream.indirect.gather [hbm4b:s4+s17], $0x80, s11, s17, $0xb8;
	[tilespmem:$0x1E800] =	vst v63  }
0xa4: {  	s9 =	rddreg [dreg:$0x6]  }
0xa5: {  	[tilespmem:s24], [sflag:$0x6] =	stream.indirect.gather [hbm4b:s4+s17], $0x80, s9, s17, $0xb8;
	[tilespmem:$0x1E800] =	vst v63  }
0xa6: {  	_ =	swait.ge [sflag:s25], $0x2800  }
0xa7: {  	[sflag:s25] =	ssyncset.done $0x0  }
0xa8: {  	[sflag:s25] =	ssyncadd.s32 $0xFFFFD800  }
0xa9: {  	[spmem:s2] =	stream.indirect.scatter.add.f32 [tilespmem:s18], [sflag:$0x7], $0x80, s5, s17, $0xb8;
	[tilespmem:$0x1E800] =	vst v63  }
0xaa: {  	_ =	swait.ge [sflag:s12], $0x2800  }
0xab: {  	[sflag:s12] =	ssyncset.done $0x0  }
0xac: {  	[sflag:s12] =	ssyncadd.s32 $0xFFFFD800  }
0xad: {  	_ =	swait.ge [sflag:s26], $0x2800  }
0xae: {  	[sflag:s26] =	ssyncset.done $0x0  }
0xaf: {  	s11 =	rddreg [dreg:$0x7];
	[sflag:s26] =	ssyncadd.s32 $0xFFFFD800  }
0xb0: {  	[spmem:s2] =	stream.indirect.scatter.add.f32 [tilespmem:s20], [sflag:$0x7], $0x80, s11, s17, $0xb8;
	[tilespmem:$0x1E800] =	vst v63  }
0xb1: {  	_ =	swait.ge [sflag:s12], $0x2800  }
0xb2: {  	[sflag:s12] =	ssyncset.done $0x0  }
0xb3: {  	[sflag:s12] =	ssyncadd.s32 $0xFFFFD800  }
0xb4: {  	_ =	swait.ge [sflag:s29], $0x2800  }
0xb5: {  	[sflag:s29] =	ssyncset.done $0x0  }
0xb6: {  	[sflag:s29] =	ssyncadd.s32 $0xFFFFD800  }
0xb7: {  	[spmem:s2] =	stream.indirect.scatter.add.f32 [tilespmem:s22], [sflag:$0x7], $0x80, s7, s17, $0xb8;
	[tilespmem:$0x1E800] =	vst v63  }
0xb8: {  	_ =	swait.ge [sflag:s12], $0x2800  }
0xb9: {  	[sflag:s12] =	ssyncset.done $0x0  }
0xba: {  	[sflag:s12] =	ssyncadd.s32 $0xFFFFD800  }
0xbb: {  	p0 =	sne.s32 s6, $0x700;
	_ =	swait.ge [sflag:s31], $0x2800  }
.Ltmp0:
0xbc: {  	[sflag:s31] =	ssyncset.done $0x0;
	(pc) =	sbr.rel @p0 .LBB2_2-.Ltmp0, $4  }
0xbd: {  	[sflag:s31] =	ssyncadd.s32 $0xFFFFD800  }
0xbe: {  	[spmem:s2] =	stream.indirect.scatter.add.f32 [tilespmem:s24], [sflag:$0x7], $0x80, s8, s17, $0xb8;
	[tilespmem:$0x1E800] =	vst v63  }
0xbf: {  	_ =	swait.ge [sflag:s12], $0x2800  }
0xc0: {  	s6 =	sadd.s32 $0x80, s6;
	s11 =	rddreg [dreg:$0x3];
	[sflag:s12] =	ssyncset.done $0x0  }
0xc1: {  	[sflag:s12] =	ssyncadd.s32 $0xFFFFD800;
	s6 =	sadd.s32 s10, s11  }
0xc2: {  	[tilespmem:s13], [sflag:$0x1] =	stream.linear.gather [hbm4b:s6+s3], $0x400, $0x38;
	[tilespmem:$0x1E800] =	vst v63  }
0xc3: {  	s6 =	sadd.s32 $0x10000, s6  }
0xc4: {  	[tilespmem:s14], [sflag:$0x2] =	stream.linear.gather [hbm4b:s6+s3], $0x400, $0x38;
	[tilespmem:$0x1E800] =	vst v63  }
0xc5: {  	_ =	swait.ge [sflag:s15], $0x400  }
0xc6: {  	[sflag:s15] =	ssyncset.done $0x0  }
0xc7: {  	[sflag:s15] =	ssyncadd.s32 $0xFFFFFC00  }
0xc8: {  	_ =	swait.ge [sflag:s16], $0x400  }
0xc9: {  	[sflag:s16] =	ssyncset.done $0x0  }
0xca: {  	[sflag:s16] =	ssyncadd.s32 $0xFFFFFC00  }
0xcb: {  	[tilespmem:s18], [sflag:$0x3] =	stream.indirect.gather [hbm4b:s4+s17], $0x80, s13, s17, $0xb8;
	[tilespmem:$0x1E800] =	vst v63  }
0xcc: {  	_ = 	snop  }
0xcd: {  	[tilespmem:s20], [sflag:$0x4] =	stream.indirect.gather [hbm4b:s4+s17], $0x80, s19, s17, $0xb8;
	[tilespmem:$0x1E800] =	vst v63  }
0xce: {  	_ = 	snop  }
0xcf: {  	[tilespmem:s22], [sflag:$0x5] =	stream.indirect.gather [hbm4b:s4+s17], $0x80, s21, s17, $0xb8;
	[tilespmem:$0x1E800] =	vst v63  }
0xd0: {  	_ = 	snop  }
0xd1: {  	[tilespmem:s24], [sflag:$0x6] =	stream.indirect.gather [hbm4b:s4+s17], $0x80, s23, s17, $0xb8;
	[tilespmem:$0x1E800] =	vst v63  }
0xd2: {  	_ =	swait.ge [sflag:s25], $0x2800  }
0xd3: {  	[sflag:s25] =	ssyncset.done $0x0  }
0xd4: {  	[sflag:s25] =	ssyncadd.s32 $0xFFFFD800  }
0xd5: {  	[spmem:s2] =	stream.indirect.scatter.add.f32 [tilespmem:s18], [sflag:$0x7], $0x80, s14, s17, $0xb8;
	[tilespmem:$0x1E800] =	vst v63  }
0xd6: {  	_ =	swait.ge [sflag:s12], $0x2800  }
0xd7: {  	[sflag:s12] =	ssyncset.done $0x0  }
0xd8: {  	[sflag:s12] =	ssyncadd.s32 $0xFFFFD800  }
0xd9: {  	_ =	swait.ge [sflag:s26], $0x2800  }
0xda: {  	[sflag:s26] =	ssyncset.done $0x0  }
0xdb: {  	[sflag:s26] =	ssyncadd.s32 $0xFFFFD800  }
0xdc: {  	[spmem:s2] =	stream.indirect.scatter.add.f32 [tilespmem:s20], [sflag:$0x7], $0x80, s28, s17, $0xb8;
	[tilespmem:$0x1E800] =	vst v63  }
0xdd: {  	_ =	swait.ge [sflag:s12], $0x2800  }
0xde: {  	[sflag:s12] =	ssyncset.done $0x0  }
0xdf: {  	[sflag:s12] =	ssyncadd.s32 $0xFFFFD800  }
0xe0: {  	_ =	swait.ge [sflag:s29], $0x2800  }
0xe1: {  	[sflag:s29] =	ssyncset.done $0x0  }
0xe2: {  	[sflag:s29] =	ssyncadd.s32 $0xFFFFD800  }
0xe3: {  	[spmem:s2] =	stream.indirect.scatter.add.f32 [tilespmem:s22], [sflag:$0x7], $0x80, s30, s17, $0xb8;
	[tilespmem:$0x1E800] =	vst v63  }
0xe4: {  	_ =	swait.ge [sflag:s12], $0x2800  }
0xe5: {  	[sflag:s12] =	ssyncset.done $0x0  }
0xe6: {  	[sflag:s12] =	ssyncadd.s32 $0xFFFFD800  }
0xe7: {  	_ =	swait.ge [sflag:s31], $0x2800  }
0xe8: {  	[sflag:s31] =	ssyncset.done $0x0  }
0xe9: {  	[sflag:s31] =	ssyncadd.s32 $0xFFFFD800  }
0xea: {  	[spmem:s2] =	stream.indirect.scatter.add.f32 [tilespmem:s24], [sflag:$0x7], $0x80, s0, s17, $0xb8;
	[tilespmem:$0x1E800] =	vst v63  }
0xeb: {  	_ =	swait.ge [sflag:s12], $0x2800  }
0xec: {  	[sflag:s12] =	ssyncset.done $0x0  }
0xed: {  	[sflag:s12] =	ssyncadd.s32 $0xFFFFD800  }
0xee: {  	[tilespmem:s18], [sflag:$0x3] =	stream.indirect.gather [hbm4b:s4+s17], $0x80, s1, s17, $0xb8;
	[tilespmem:$0x1E800] =	vst v63  }
0xef: {  	s11 =	rddreg [dreg:$0x4]  }
0xf0: {  	[tilespmem:s20], [sflag:$0x4] =	stream.indirect.gather [hbm4b:s4+s17], $0x80, s11, s17, $0xb8;
	[tilespmem:$0x1E800] =	vst v63  }
0xf1: {  	s9 =	rddreg [dreg:$0x5]  }
0xf2: {  	[tilespmem:s22], [sflag:$0x5] =	stream.indirect.gather [hbm4b:s4+s17], $0x80, s9, s17, $0xb8;
	[tilespmem:$0x1E800] =	vst v63  }
0xf3: {  	s10 =	rddreg [dreg:$0x6]  }
0xf4: {  	[tilespmem:s24], [sflag:$0x6] =	stream.indirect.gather [hbm4b:s4+s17], $0x80, s10, s17, $0xb8;
	[tilespmem:$0x1E800] =	vst v63  }
0xf5: {  	_ =	swait.ge [sflag:s25], $0x2800  }
0xf6: {  	[sflag:s25] =	ssyncset.done $0x0  }
0xf7: {  	[sflag:s25] =	ssyncadd.s32 $0xFFFFD800  }
0xf8: {  	[spmem:s2] =	stream.indirect.scatter.add.f32 [tilespmem:s18], [sflag:$0x7], $0x80, s5, s17, $0xb8;
	[tilespmem:$0x1E800] =	vst v63  }
0xf9: {  	_ =	swait.ge [sflag:s12], $0x2800  }
0xfa: {  	[sflag:s12] =	ssyncset.done $0x0  }
0xfb: {  	[sflag:s12] =	ssyncadd.s32 $0xFFFFD800  }
0xfc: {  	_ =	swait.ge [sflag:s26], $0x2800  }
0xfd: {  	[sflag:s26] =	ssyncset.done $0x0  }
0xfe: {  	s11 =	rddreg [dreg:$0x7];
	[sflag:s26] =	ssyncadd.s32 $0xFFFFD800  }
0xff: {  	[spmem:s2] =	stream.indirect.scatter.add.f32 [tilespmem:s20], [sflag:$0x7], $0x80, s11, s17, $0xb8;
	[tilespmem:$0x1E800] =	vst v63  }
0x100: {  	_ =	swait.ge [sflag:s12], $0x2800  }
0x101: {  	[sflag:s12] =	ssyncset.done $0x0  }
0x102: {  	[sflag:s12] =	ssyncadd.s32 $0xFFFFD800  }
0x103: {  	_ =	swait.ge [sflag:s29], $0x2800  }
0x104: {  	[sflag:s29] =	ssyncset.done $0x0  }
0x105: {  	[sflag:s29] =	ssyncadd.s32 $0xFFFFD800  }
0x106: {  	[spmem:s2] =	stream.indirect.scatter.add.f32 [tilespmem:s22], [sflag:$0x7], $0x80, s7, s17, $0xb8;
	[tilespmem:$0x1E800] =	vst v63  }
0x107: {  	_ =	swait.ge [sflag:s12], $0x2800  }
0x108: {  	[sflag:s12] =	ssyncset.done $0x0  }
0x109: {  	[sflag:s12] =	ssyncadd.s32 $0xFFFFD800  }
0x10a: {  	_ =	swait.ge [sflag:s31], $0x2800  }
0x10b: {  	[sflag:s31] =	ssyncset.done $0x0  }
0x10c: {  	[sflag:s31] =	ssyncadd.s32 $0xFFFFD800  }
0x10d: {  	[spmem:s2] =	stream.indirect.scatter.add.f32 [tilespmem:s24], [sflag:$0x7], $0x80, s8, s17, $0xb8;
	[tilespmem:$0x1E800] =	vst v63  }
0x10e: {  	_ =	swait.ge [sflag:s12], $0x2800  }
0x10f: {  	[sflag:s12] =	ssyncset.done $0x0  }
0x110: {  	s9 =	rddreg [dreg:$0xa];
	[sflag:s12] =	ssyncadd.s32 $0xFFFFD800  }
0x111: {  	[tilespmem:s13], [sflag:$0x1] =	stream.linear.gather [hbm4b:s9+s3], $0x280, $0x38;
	[tilespmem:$0x1E800] =	vst v63  }
0x112: {  	_ =	swait.ge [sflag:s15], $0x280  }
0x113: {  	[sflag:s15] =	ssyncset.done $0x0  }
0x114: {  	s10 =	rddreg [dreg:$0xb];
	[sflag:s15] =	ssyncadd.s32 $0xFFFFFD80  }
0x115: {  	[tilespmem:s14], [sflag:$0x2] =	stream.linear.gather [hbm4b:s10+s3], $0x280, $0x38;
	[tilespmem:$0x1E800] =	vst v63  }
0x116: {  	_ =	swait.ge [sflag:s16], $0x280  }
0x117: {  	[sflag:s16] =	ssyncset.done $0x0  }
0x118: {  	[sflag:s16] =	ssyncadd.s32 $0xFFFFFD80  }
0x119: {  	[tilespmem:s18], [sflag:$0x3] =	stream.indirect.gather [hbm4b:s4+s17], $0x80, s13, s17, $0xb8;
	[tilespmem:$0x1E800] =	vst v63  }
0x11a: {  	_ = 	snop  }
0x11b: {  	[tilespmem:s20], [sflag:$0x4] =	stream.indirect.gather [hbm4b:s4+s17], $0x80, s19, s17, $0xb8;
	[tilespmem:$0x1E800] =	vst v63  }
0x11c: {  	_ = 	snop  }
0x11d: {  	[tilespmem:s22], [sflag:$0x5] =	stream.indirect.gather [hbm4b:s4+s17], $0x80, s21, s17, $0xb8;
	[tilespmem:$0x1E800] =	vst v63  }
0x11e: {  	_ = 	snop  }
0x11f: {  	[tilespmem:s24], [sflag:$0x6] =	stream.indirect.gather [hbm4b:s4+s17], $0x80, s23, s17, $0xb8;
	[tilespmem:$0x1E800] =	vst v63  }
0x120: {  	_ =	swait.ge [sflag:s25], $0x2800  }
0x121: {  	[sflag:s25] =	ssyncset.done $0x0  }
0x122: {  	[sflag:s25] =	ssyncadd.s32 $0xFFFFD800  }
0x123: {  	[spmem:s2] =	stream.indirect.scatter.add.f32 [tilespmem:s18], [sflag:$0x7], $0x80, s14, s17, $0xb8;
	[tilespmem:$0x1E800] =	vst v63  }
0x124: {  	_ =	swait.ge [sflag:s12], $0x2800  }
0x125: {  	[sflag:s12] =	ssyncset.done $0x0  }
0x126: {  	[sflag:s12] =	ssyncadd.s32 $0xFFFFD800  }
0x127: {  	[tilespmem:s18], [sflag:$0x3] =	stream.indirect.gather [hbm4b:s4+s17], $0x80, s1, s17, $0xb8;
	[tilespmem:$0x1E800] =	vst v63  }
0x128: {  	_ =	swait.ge [sflag:s26], $0x2800  }
0x129: {  	[sflag:s26] =	ssyncset.done $0x0  }
0x12a: {  	[sflag:s26] =	ssyncadd.s32 $0xFFFFD800  }
0x12b: {  	[spmem:s2] =	stream.indirect.scatter.add.f32 [tilespmem:s20], [sflag:$0x7], $0x80, s28, s17, $0xb8;
	[tilespmem:$0x1E800] =	vst v63  }
0x12c: {  	_ =	swait.ge [sflag:s12], $0x2800  }
0x12d: {  	[sflag:s12] =	ssyncset.done $0x0  }
0x12e: {  	[sflag:s12] =	ssyncadd.s32 $0xFFFFD800  }
0x12f: {  	_ =	swait.ge [sflag:s29], $0x2800  }
0x130: {  	[sflag:s29] =	ssyncset.done $0x0  }
0x131: {  	[sflag:s29] =	ssyncadd.s32 $0xFFFFD800  }
0x132: {  	[spmem:s2] =	stream.indirect.scatter.add.f32 [tilespmem:s22], [sflag:$0x7], $0x80, s30, s17, $0xb8;
	[tilespmem:$0x1E800] =	vst v63  }
0x133: {  	_ =	swait.ge [sflag:s12], $0x2800  }
0x134: {  	[sflag:s12] =	ssyncset.done $0x0  }
0x135: {  	[sflag:s12] =	ssyncadd.s32 $0xFFFFD800  }
0x136: {  	_ =	swait.ge [sflag:s31], $0x2800  }
0x137: {  	[sflag:s31] =	ssyncset.done $0x0  }
0x138: {  	[sflag:s31] =	ssyncadd.s32 $0xFFFFD800  }
0x139: {  	[spmem:s2] =	stream.indirect.scatter.add.f32 [tilespmem:s24], [sflag:$0x7], $0x80, s0, s17, $0xb8;
	[tilespmem:$0x1E800] =	vst v63  }
0x13a: {  	_ =	swait.ge [sflag:s12], $0x2800  }
0x13b: {  	[sflag:s12] =	ssyncset.done $0x0  }
0x13c: {  	[sflag:s12] =	ssyncadd.s32 $0xFFFFD800  }
0x13d: {  	_ =	swait.ge [sflag:s25], $0x2800  }
0x13e: {  	[sflag:s25] =	ssyncset.done $0x0  }
0x13f: {  	[sflag:s25] =	ssyncadd.s32 $0xFFFFD800  }
0x140: {  	[spmem:s2] =	stream.indirect.scatter.add.f32 [tilespmem:s18], [sflag:$0x7], $0x80, s5, s17, $0xb8;
	[tilespmem:$0x1E800] =	vst v63  }
0x141: {  	_ =	swait.ge [sflag:s12], $0x2800  }
0x142: {  	[sflag:s12] =	ssyncset.done $0x0  }
0x143: {  	[sflag:s12] =	ssyncadd.s32 $0xFFFFD800  }
0x144: {  	[bflag:$0x0] =	sbarrier.arrive $0xFFFF  }
0x145: {  	s10 =	rddreg [dreg:$0x9]  }
0x146: {  	s11 =	rddreg [dreg:$0xc]  }
0x147: {  	s9 =	rddreg [dreg:$0xe]  }
0x148: {  	[hbm:s11], [sflag:s10] =	dma.local [spmem:s9], $0x2800  }
0x149: {  	_ =	swait.ge [sflag:s12], $0x2800  }
0x14a: {  	s6 =	rddreg [dreg:$0xf]  }
0x14b: {  	s11 =	sadd.s32 $0x1, s6;
	s6 =	rddreg [dreg:$0xd]  }
0x14c: {  	p0 =	sne.s32 s11, s6  }
.Ltmp1:
0x14d: {  	_ = 	snop;
	(pc) =	sbr.rel @p0 .LBB2_1-.Ltmp1, $3  }
0x14e: {  	_ =	sdelay $0x1  }
0x14f: {  	[sflag:s12] =	ssyncset.done $0x0  }
0x150: {  	[sflag:s12] =	ssyncadd.s32 $0xFFFFD800  }
0x151: {  	_ =	sfence.sel $0x180000  }
0x152: {  	[bflag:$0x0] =	sbarrier.arrive $0xFFFF  }
0x153: {  	_ =	strace $0x9000004A  }
0x154: {  	s0 =	stileid.u32;
	[bflag:$0x2] =	sbarrier.arrive $0xFFFF  }
0x155: {  	p0 =	sne.s32 s0, $0x0;
	s0 =	rddreg [dreg:$0x2]  }
0x156: {  	s0 =	sadd.s32 @!p0 $0x100000, s0  }
0x157: {  	[sflag:s0] =	ssyncadd.tile.s32 @!p0 $0x1;
	_ =	shalt  }
.Lfunc_end2:
_tile_overlayer_lowered:
.L_overlay_start_2:
0x158: {  	(tag) =	ssettag $0x2  }
0x159: {  	s0 =	rddreg [dreg:$0x0];
	s2 =	stileid.u32  }
0x15a: {  	s1 =	rddreg [dreg:$0x1];
	p0 =	sne.s32 s2, $0x0  }
0x15b: {  	s3 =	rddreg [dreg:$0x2];
	[bflag:$0x3] =	sbarrier.arrive $0xFFFF;
	s2 =	simm.s32 @!p0 $0x1C07  }
0x15c: {  	[timem:s3], [sflag:s2] =	dma.local @!p0 [hbm:s0], s1  }
0x15d: {  	s0 =	simm.s32 @!p0 $0x7  }
0x15e: {  	_ =	swait.ge @!p0 [sflag:s0], s1  }
0x15f: {  	s1 =	ssub.s32 @!p0 $0x0, s1;
	[sflag:s0] =	ssyncset.done @!p0 $0x0  }
0x160: {  	[sflag:s0] =	ssyncadd.s32 @!p0 s1  }
0x161: {  	[bflag:$0x3] =	sbarrier.arrive $0xFFFF  }
0x162: {  	_ =	shalt  }

// kernel: kernel.8.cloned.1.call-start
scs
__scs_entry_jumppad:
0x0: {  	(pc) =	sbr.rel $0x88, $3  }
0x1: {  	(tag) =	ssettag $0x0;
	lr =	simm.s32 $0x1  }
0x2: {  	[smem:$0x3F95] =	sst lr;
	_ =	strace $0xD0000000  }
0x3: {  	_ = 	snop  }
0x4: {  	_ = 	snop  }
0x5: {  	_ = 	snop  }
0x6: {  	_ = 	snop  }
0x7: {  	_ = 	snop  }
__scs_overlays_trampoline_lowered:
0x8: {  	[smem:$0x3FA4] =	sst s0  }
0x9: {  	[smem:$0x3FA5] =	sst s1  }
0xa: {  	[smem:$0x3FA6] =	sst s2  }
0xb: {  	[smem:$0x3FA7] =	sst s3  }
0xc: {  	[smem:$0x3FA8] =	sst s4  }
0xd: {  	[smem:$0x3FA9] =	sst s5  }
0xe: {  	[smem:$0x3FAA] =	sst s6  }
0xf: {  	[smem:$0x3FAB] =	sst s7  }
0x10: {  	[smem:$0x3FAC] =	sst s8  }
0x11: {  	[smem:$0x3FAD] =	sst s9;
	s0 =	simm.s32 @!p0 $0x0  }
0x12: {  	s1 =	sld [smem:$0x3F93];
	s0 =	simm.s32 @p0 $0x1  }
0x13: {  	[smem:$0x3FAE] =	sst s0;
	s0 =	simm.s32 @!p1 $0x0  }
0x14: {  	s2 =	sld [smem:$0x3F92];
	s0 =	simm.s32 @p1 $0x1  }
0x15: {  	[smem:$0x3FAF] =	sst s0;
	s0 =	simm.s32 @!p2 $0x0  }
0x16: {  	s3 =	sld [smem:$0x3FDB];
	s0 =	simm.s32 @p2 $0x1  }
0x17: {  	s4 =	simm.s32 $0x1BF5;
	[smem:$0x3FB1] =	sst s0  }
0x18: {  	s0 =	sld [smem:$0x3F94];
	_ =	swait.ge [sflag:s4], $0x0  }
0x19: {  	s7 =	sld [smem:$0x3F95]  }
0x1a: {  	s8 =	sadd.s32 $0xFFFFE003, lr  }
0x1b: {  	s9 =	sadd.s32 $0xFFFFFEF7, lr;
	s5 =	simm.s32 $0xFFFFFFFF;
	p2 =	slt.u32 s8, $0xFFFFF086  }
0x1c: {  	p1 =	slt.u32 s9, $0xF7A;
	s5 =	simm.s32 @!p2 $0x0  }
0x1d: {  	s5 =	simm.s32 @p1 $0x1;
	p0 =	seq.s32 s7, s2  }
0x1e: {  	s7 =	smul.u32 @!p0 $0xF7A, s2;
	p2 =	seq.s32 @!p0 s5, $0x0  }
0x1f: {  	s9 =	smul.u32 $0xF7A, s1;
	s8 =	simm.s32 @!p0 $0x1BF5;
	p2 =	por !p2, p0  }
0x20: {  	[sflag:s8] =	ssyncset.s32 @!p0 $0xFFFFF086;
	s6 =	sadd.s32 @!p0 s3, s7;
	s7 =	simm.s32 @!p0 $0x108  }
0x21: {  	s3 =	sadd.s32 s3, s9;
	s6 =	sadd.s32 @!p0 $0x88, s6;
	s7 =	simm.s32 @p2 $0x1082  }
0x22: {  	[simem:s7], [sflag:s8] =	dma.local @!p0 [hbm:s6], $0xF7A  }
0x23: {  	s9 =	sor.u32 $0xD0000000, s2;
	s6 =	simm.s32 $0x108;
	_ =	swait.ge @!p0 [sflag:s8], $0x0  }
0x24: {  	s3 =	sadd.s32 $0x88, s3;
	s6 =	simm.s32 @!p1 $0x1082;
	[sflag:s4] =	ssyncset.s32 $0xFFFFF086  }
0x25: {  	[simem:s6], [sflag:s4] =	dma.local [hbm:s3], $0xF7A  }
0x26: {  	[smem:$0x3F95] =	sst s1;
	(tag) =	ssettag s2;
	_ =	strace s9  }
0x27: {  	s1 =	sld [smem:$0x3FA5]  }
0x28: {  	s2 =	sld [smem:$0x3FA6]  }
0x29: {  	s4 =	sld [smem:$0x3FA8]  }
0x2a: {  	p0 =	seq.s32 s5, $0x0;
	s5 =	sld [smem:$0x3FA9]  }
0x2b: {  	s6 =	sld [smem:$0x3FAA]  }
0x2c: {  	s7 =	sld [smem:$0x3FAB]  }
0x2d: {  	s3 =	simm.s32 $0x108;
	s8 =	sld [smem:$0x3FAC]  }
0x2e: {  	s3 =	simm.s32 @!p0 $0x1082;
	s9 =	sld [smem:$0x3FAD]  }
0x2f: {  	lr =	sadd.s32 s0, s3;
	s0 =	sld [smem:$0x3FA4]  }
0x30: {  	s3 =	sld [smem:$0x3FA7]  }
0x31: {  	[smem:$0x3FB0] =	sst s10  }
0x32: {  	s10 =	sld [smem:$0x3FAE];
	_ =	sdelay $0x3  }
0x33: {  	p0 =	seq.s32 s10, $0x1;
	s10 =	sld [smem:$0x3FB0];
	_ =	sdelay $0x3  }
0x34: {  	[smem:$0x3FB0] =	sst s10  }
0x35: {  	s10 =	sld [smem:$0x3FAF];
	_ =	sdelay $0x3  }
0x36: {  	p1 =	seq.s32 s10, $0x1;
	s10 =	sld [smem:$0x3FB0];
	_ =	sdelay $0x3  }
0x37: {  	[smem:$0x3FB0] =	sst s10  }
0x38: {  	s10 =	sld [smem:$0x3FB1]  }
0x39: {  	_ = 	snop;
	(pc) =	sbr.ind lr, $3  }
0x3a: {  	_ = 	snop  }
0x3b: {  	_ = 	snop  }
0x3c: {  	p2 =	seq.s32 s10, $0x1;
	s10 =	sld [smem:$0x3FB0]  }
0x3d: {  	_ =	shalt  }
0x3e: {  	_ =	shalt  }
0x3f: {  	_ =	shalt  }
0x40: {  	_ =	shalt  }
0x41: {  	_ =	shalt  }
0x42: {  	_ =	shalt  }
0x43: {  	_ =	shalt  }
0x44: {  	_ =	shalt  }
0x45: {  	_ =	shalt  }
0x46: {  	_ =	shalt  }
0x47: {  	_ =	shalt  }
0x48: {  	_ =	shalt  }
0x49: {  	_ =	shalt  }
0x4a: {  	_ =	shalt  }
0x4b: {  	_ =	shalt  }
0x4c: {  	_ =	shalt  }
0x4d: {  	_ =	shalt  }
0x4e: {  	_ =	shalt  }
0x4f: {  	_ =	shalt  }
0x50: {  	_ =	shalt  }
0x51: {  	_ =	shalt  }
0x52: {  	_ =	shalt  }
0x53: {  	_ =	shalt  }
0x54: {  	_ =	shalt  }
0x55: {  	_ =	shalt  }
0x56: {  	_ =	shalt  }
0x57: {  	_ =	shalt  }
0x58: {  	_ =	shalt  }
0x59: {  	_ =	shalt  }
0x5a: {  	_ =	shalt  }
0x5b: {  	_ =	shalt  }
0x5c: {  	_ =	shalt  }
0x5d: {  	_ =	shalt  }
0x5e: {  	_ =	shalt  }
0x5f: {  	_ =	shalt  }
0x60: {  	_ =	shalt  }
0x61: {  	_ =	shalt  }
0x62: {  	_ =	shalt  }
0x63: {  	_ =	shalt  }
0x64: {  	_ =	shalt  }
0x65: {  	_ =	shalt  }
0x66: {  	_ =	shalt  }
0x67: {  	_ =	shalt  }
0x68: {  	_ =	shalt  }
0x69: {  	_ =	shalt  }
0x6a: {  	_ =	shalt  }
0x6b: {  	_ =	shalt  }
0x6c: {  	_ =	shalt  }
0x6d: {  	_ =	shalt  }
0x6e: {  	_ =	shalt  }
0x6f: {  	_ =	shalt  }
0x70: {  	_ =	shalt  }
0x71: {  	_ =	shalt  }
0x72: {  	_ =	shalt  }
0x73: {  	_ =	shalt  }
0x74: {  	_ =	shalt  }
0x75: {  	_ =	shalt  }
0x76: {  	_ =	shalt  }
0x77: {  	_ =	shalt  }
0x78: {  	_ =	shalt  }
0x79: {  	_ =	shalt  }
0x7a: {  	_ =	shalt  }
0x7b: {  	_ =	shalt  }
0x7c: {  	_ =	shalt  }
0x7d: {  	_ =	shalt  }
0x7e: {  	_ =	shalt  }
0x7f: {  	_ =	shalt  }
0x80: {  	_ =	shalt  }
0x81: {  	_ =	shalt  }
0x82: {  	_ =	shalt  }
0x83: {  	_ =	shalt  }
0x84: {  	_ =	shalt  }
0x85: {  	_ =	shalt  }
0x86: {  	_ =	shalt  }
0x87: {  	_ =	shalt  }
.Lfunc_end0:
.L_simem_size_0:
called_computation_lowered:
.L_overlay_start_0:
0x88: {  	s2 =	sld [smem:$0x3FD9]  }
0x89: {  	s3 =	sld [smem:$0x3FFE];
	_ =	sdelay $0x1  }
0x8a: {  	s1 =	srdreg.scid  }
0x8b: {  	s0 =	sand.u32 $0x1, s1  }
0x8c: {  	s17 =	sshll.u32 s0, $0xA;
	s2 =	sadd.s32 s3, s2  }
0x8d: {  	s2 =	sadd.s32 s2, s17  }
0x8e: {  	[smem:$0x3FBC] =	sst s2  }
0x8f: {  	_ = 	snop  }
0x90: {  	s2 =	sld [smem:$0x3FC9];
	(tm) =	ssettm $0x1  }
0x91: {  	s18 =	sld [smem:$0x3FFB];
	_ =	sdelay $0x3  }
0x92: {  	_ =	strace s18  }
0x93: {  	s3 =	sld [smem:$0x3FFC];
	_ =	sdelay $0x3  }
0x94: {  	_ =	strace s3  }
0x95: {  	s3 =	sld [smem:$0x3FFD];
	_ =	sdelay $0x3  }
0x96: {  	_ =	strace s3  }
0x97: {  	_ =	strace $0x8FFFFFFF  }
0x98: {  	s19 =	sld [smem:$0x3FDB];
	_ =	sdelay $0x1  }
0x99: {  	s4 =	simm.s32 $_scs_section_size  }
0x9a: {  	s5 =	simm.s32 $_size__tile_overlayer_lowered;
	s6 =	simm.s32 $_tile_overlayer_lowered  }
0x9b: {  	s22 =	simm.s32 $0x1BFF;
	s21 =	sshll.u32 s6, $0x1;
	s3 =	sadd.s32 s4, s19  }
0x9c: {  	s7 =	simm.s32 $0x0;
	s20 =	sshll.u32 s5, $0x1;
	s5 =	sadd.s32 s21, s3  }
0x9d: {  	[timem:s7], [sflag:s22] =	dma.local [hbm:s5], s20  }
0x9e: {  	_ =	swait.ge [sflag:s22], s20  }
0x9f: {  	s4 =	ssub.s32 $0x0, s20;
	[sflag:s22] =	ssyncset.done $0x0  }
0xa0: {  	[sflag:s22] =	ssyncadd.s32 s4;
	_ =	sdelay $0x1  }
0xa1: {  	s23 =	simm.s32 $0x1B8B  }
0xa2: {  	_ =	swait.ge [sflag:s23], $0x1  }
0xa3: {  	[sflag:s23] =	ssyncset.done $0x0  }
0xa4: {  	s25 =	simm.s32 $0x1B8E;
	s24 =	sld [smem:$0x3FFE];
	[sflag:s23] =	ssyncadd.s32 $0xFFFFFFFF  }
0xa5: {  	s26 =	simm.s32 $execute0_lowered;
	[smem:$0x3FD2] =	sst s25  }
0xa6: {  	s5 =	sshll.u32 s26, $0x1;
	_ =	strace $0x80000046;
	[dreg:$0x1] =	wrdreg $0xFFFFFFFF  }
0xa7: {  	s28 =	simm.s32 $_size_execute0_lowered;
	s3 =	sadd.s32 s3, s5;
	[dreg:$0x0] =	wrdreg $0x0  }
0xa8: {  	s5 =	sshll.u32 s28, $0x1;
	[dreg:$0x2] =	wrdreg s3  }
0xa9: {  	[dreg:$0x3] =	wrdreg s5  }
0xaa: {  	[dreg:$0x4] =	wrdreg $0xC0  }
0xab: {  	_ =	task [dreg:s7], $0x5FFFF  }
0xac: {  	[dreg:$0x1] =	wrdreg $0xFFFFFFFF  }
0xad: {  	[dreg:$0x0] =	wrdreg $0x60  }
0xae: {  	[dreg:$0x2] =	wrdreg s2  }
0xaf: {  	[dreg:$0x3] =	wrdreg s24  }
0xb0: {  	[dreg:$0x4] =	wrdreg $0x0  }
0xb1: {  	[dreg:$0x5] =	wrdreg $0x9  }
0xb2: {  	_ =	task.clear_ibuf [dreg:s7], $0x6FFFF;
	_ =	strace $0x90000046  }
0xb3: {  	s29 =	simm.s32 $0x9;
	_ =	strace $0x80000048  }
0xb4: {  	_ =	swait.ge [sflag:s29], $0x1  }
0xb5: {  	[sflag:s29] =	ssyncadd.s32 $0xFFFFFFFF  }
0xb6: {  	_ =	strace $0x90000048  }
0xb7: {  	_ =	sfence  }
0xb8: {  	s30 =	sld [smem:$0x0];
	_ =	sdelay $0x2  }
0xb9: {  	s31 =	sshll.u32 s1, $0xD;
	s1 =	sshrl.u32 s1, $0x2  }
0xba: {  	s3 =	sand.u32 $0x4000, s31;
	s1 =	sadd.s32 s1, s30  }
0xbb: {  	s0 =	sor.u32 s3, s0;
	s1 =	sshll.u32 s1, $0x11  }
0xbc: {  	s0 =	sor.u32 s1, s0  }
0xbd: {  	s0 =	sadd.s32 $0x8F2B, s0  }
0xbe: {  	[sflag:s0] =	ssyncadd.remote.s32 $0x1  }
0xbf: {  	_ =	sfence.sel $0xFFFF  }
0xc0: {  	[dreg:$0x0] =	wrdreg $0xFFFFFFFF;
	(pc) =	sbr.abs _section_cstart, $3  }
0xc1: {  	[dreg:$0x1] =	wrdreg $0xFFFFFFFF  }
0xc2: {  	_ =	task.clear_ibuf [dreg:s7], $0x2FFFF;
	_ =	strace $0x9FFFFFFF  }
0xc3: {  	(tm) =	ssettm $0x7FFFFFFF  }
tec
execute0_lowered:
.L_overlay_start_1:
0x0: {  	(tag) =	ssettag $0x1  }
0x1: {  	s0 =	rddreg [dreg:$0x0]  }
0x2: {  	s1 =	rddreg [dreg:$0x1]  }
0x3: {  	s2 =	srdreg.scid;
	s3 =	rddreg [dreg:$0x2]  }
0x4: {  	s10 =	stileid.u32;
	s4 =	simm.s32 $0x0;
	s12 =	simm.s32 $0x7  }
0x5: {  	s13 =	simm.s32 $0x14000;
	s14 =	simm.s32 $0x14400;
	s15 =	simm.s32 $0x1  }
0x6: {  	s23 =	simm.s32 $0x14280;
	s24 =	simm.s32 $0x14300;
	s25 =	simm.s32 $0x14380  }
0x7: {  	s26 =	simm.s32 $0x14680;
	s28 =	simm.s32 $0x14480;
	s29 =	simm.s32 $0x5  }
0x8: {  	s30 =	simm.s32 $0x14500;
	s31 =	simm.s32 $0x6;
	s2 =	sand.u32 $0x1, s2  }
0x9: {  	s6 =	smul.u32 $0x14000, s10;
	[smem:$0x7FF] =	sst s4;
	s16 =	sadd.s32 $0x2A00, s1  }
0xa: {  	s7 =	sadd.s32 $0x22A00, s1;
	s18 =	smul.u32 $0x50000, s10;
	s9 =	sshll.u32 s10, $0xB  }
0xb: {  	s10 =	sshll.u32 s10, $0x6;
	_ =	strace $0x80000047;
	[dreg:$0x9] =	wrdreg s7  }
0xc: {  	s5 =	smul.u32 $0x140000, s2;
	s17 =	ssub.s32 $0x2, s2;
	[dreg:$0x5] =	wrdreg s23  }
0xd: {  	s2 =	sshll.u32 s2, $0xF;
	s10 =	sor.u32 $0x1C07, s10;
	[dreg:$0x6] =	wrdreg s24  }
0xe: {  	[dreg:$0x7] =	wrdreg s25;
	s23 =	simm.s32 $0x14180;
	s24 =	simm.s32 $0x1C000  }
0xf: {  	[dreg:$0x8] =	wrdreg s26;
	s25 =	simm.s32 $0x3;
	s26 =	simm.s32 $0x4  }
0x10: {  	s8 =	sshrl.u32 s17, $0x1;
	s7 =	sshrl.u32 s18, $0x2;
	s19 =	sor.u32 s9, s2  }
0x11: {  	s2 =	sadd.s32 s2, s16;
	s18 =	simm.s32 $0x14800;
	[dreg:$0xa] =	wrdreg s10  }
0x12: {  	s5 =	sadd.s32 s6, s5;
	s7 =	sadd.s32 s7, s3;
	s21 =	sadd.s32 s9, s2  }
0x13: {  	s2 =	simm.s32 $0x14200;
	s5 =	sshrl.u32 s5, $0x3;
	[dreg:$0x4] =	wrdreg s21  }
0x14: {  	s9 =	sshrl.u32 s7, $0x3;
	s21 =	simm.s32 $0x14100;
	s7 =	simm.s32 $0x14700  }
0x15: {  	s1 =	sadd.s32 s5, s1;
	s5 =	ssub.s32 s17, s8;
	s8 =	sadd.s32 s19, s16  }
0x16: {  	s16 =	simm.s32 $0x2;
	[dreg:$0xf] =	wrdreg s9;
	s11 =	sadd.s32 $0x780, s8  }
0x17: {  	s17 =	simm.s32 $0x50;
	s20 =	sadd.s32 $0x10780, s8;
	[dreg:$0xb] =	wrdreg s11  }
0x18: {  	s19 =	simm.s32 $0x14080;
	s1 =	sadd.s32 $0x25200, s1;
	[dreg:$0xc] =	wrdreg s20  }
0x19: {  	s22 =	smax.u32 s5, $0x1;
	s5 =	simm.s32 $0x14600;
	[dreg:$0xd] =	wrdreg s1  }
0x1a: {  	s8 =	simm.s32 $0x14780;
	[dreg:$0xe] =	wrdreg s22;
	s20 =	simm.s32 $0x17000  }
0x1b: {  	s22 =	simm.s32 $0x19800;
	s1 =	simm.s32 $0x14580;
	s11 =	simm.s32 $0x0  }
.LBB2_1:
0x1c: {  	[dreg:$0x10] =	wrdreg s11  }
0x1d: {  	s6 =	rddreg [dreg:$0x9]  }
0x1e: {  	[spmem:s9], [sflag:s10] =	dma.local [hbm:s6], $0x2800  }
0x1f: {  	_ =	swait.ge [sflag:s12], $0x2800  }
0x20: {  	[sflag:s12] =	ssyncset.done $0x0  }
0x21: {  	[sflag:s12] =	ssyncadd.s32 $0xFFFFD800  }
0x22: {  	[bflag:$0x0] =	sbarrier.arrive $0xFFFF  }
0x23: {  	s9 =	rddreg [dreg:$0x4]  }
0x24: {  	s6 =	sadd.s32 $0x0, s9  }
0x25: {  	[tilespmem:s13], [sflag:$0x1] =	stream.linear.gather [hbm4b:s6+s4], $0x400, $0x38;
	[tilespmem:$0x1E800] =	vst v63  }
0x26: {  	s6 =	sadd.s32 $0x10000, s6  }
0x27: {  	[tilespmem:s14], [sflag:$0x2] =	stream.linear.gather [hbm4b:s6+s4], $0x400, $0x38;
	[tilespmem:$0x1E800] =	vst v63  }
0x28: {  	_ =	swait.ge [sflag:s15], $0x400  }
0x29: {  	[sflag:s15] =	ssyncset.done $0x0  }
0x2a: {  	[sflag:s15] =	ssyncadd.s32 $0xFFFFFC00  }
0x2b: {  	_ =	swait.ge [sflag:s16], $0x400  }
0x2c: {  	[sflag:s16] =	ssyncset.done $0x0  }
0x2d: {  	[sflag:s16] =	ssyncadd.s32 $0xFFFFFC00  }
0x2e: {  	[tilespmem:s18], [sflag:$0x3] =	stream.indirect.gather [hbm4b:s0+s17], $0x80, s13, s17, $0xb8;
	[tilespmem:$0x1E800] =	vst v63  }
0x2f: {  	_ = 	snop  }
0x30: {  	[tilespmem:s20], [sflag:$0x4] =	stream.indirect.gather [hbm4b:s0+s17], $0x80, s19, s17, $0xb8;
	[tilespmem:$0x1E800] =	vst v63  }
0x31: {  	_ = 	snop  }
0x32: {  	[tilespmem:s22], [sflag:$0x5] =	stream.indirect.gather [hbm4b:s0+s17], $0x80, s21, s17, $0xb8;
	[tilespmem:$0x1E800] =	vst v63  }
0x33: {  	_ = 	snop  }
0x34: {  	[tilespmem:s24], [sflag:$0x6] =	stream.indirect.gather [hbm4b:s0+s17], $0x80, s23, s17, $0xb8;
	[tilespmem:$0x1E800] =	vst v63  }
0x35: {  	_ =	swait.ge [sflag:s25], $0x2800  }
0x36: {  	[sflag:s25] =	ssyncset.done $0x0  }
0x37: {  	[sflag:s25] =	ssyncadd.s32 $0xFFFFD800  }
0x38: {  	[spmem:s3] =	stream.indirect.scatter.add.f32 [tilespmem:s18], [sflag:$0x7], $0x80, s14, s17, $0xb8;
	[tilespmem:$0x1E800] =	vst v63  }
0x39: {  	_ =	swait.ge [sflag:s12], $0x2800  }
0x3a: {  	[sflag:s12] =	ssyncset.done $0x0  }
0x3b: {  	[sflag:s12] =	ssyncadd.s32 $0xFFFFD800  }
0x3c: {  	_ =	swait.ge [sflag:s26], $0x2800  }
0x3d: {  	[sflag:s26] =	ssyncset.done $0x0  }
0x3e: {  	[sflag:s26] =	ssyncadd.s32 $0xFFFFD800  }
0x3f: {  	[spmem:s3] =	stream.indirect.scatter.add.f32 [tilespmem:s20], [sflag:$0x7], $0x80, s28, s17, $0xb8;
	[tilespmem:$0x1E800] =	vst v63  }
0x40: {  	_ =	swait.ge [sflag:s12], $0x2800  }
0x41: {  	[sflag:s12] =	ssyncset.done $0x0  }
0x42: {  	[sflag:s12] =	ssyncadd.s32 $0xFFFFD800  }
0x43: {  	_ =	swait.ge [sflag:s29], $0x2800  }
0x44: {  	[sflag:s29] =	ssyncset.done $0x0  }
0x45: {  	[sflag:s29] =	ssyncadd.s32 $0xFFFFD800  }
0x46: {  	[spmem:s3] =	stream.indirect.scatter.add.f32 [tilespmem:s22], [sflag:$0x7], $0x80, s30, s17, $0xb8;
	[tilespmem:$0x1E800] =	vst v63  }
0x47: {  	_ =	swait.ge [sflag:s12], $0x2800  }
0x48: {  	[sflag:s12] =	ssyncset.done $0x0  }
0x49: {  	[sflag:s12] =	ssyncadd.s32 $0xFFFFD800  }
0x4a: {  	_ =	swait.ge [sflag:s31], $0x2800  }
0x4b: {  	[sflag:s31] =	ssyncset.done $0x0  }
0x4c: {  	[sflag:s31] =	ssyncadd.s32 $0xFFFFD800  }
0x4d: {  	[spmem:s3] =	stream.indirect.scatter.add.f32 [tilespmem:s24], [sflag:$0x7], $0x80, s1, s17, $0xb8;
	[tilespmem:$0x1E800] =	vst v63  }
0x4e: {  	_ =	swait.ge [sflag:s12], $0x2800  }
0x4f: {  	[sflag:s12] =	ssyncset.done $0x0  }
0x50: {  	[sflag:s12] =	ssyncadd.s32 $0xFFFFD800  }
0x51: {  	[tilespmem:s18], [sflag:$0x3] =	stream.indirect.gather [hbm4b:s0+s17], $0x80, s2, s17, $0xb8;
	[tilespmem:$0x1E800] =	vst v63  }
0x52: {  	s10 =	rddreg [dreg:$0x5]  }
0x53: {  	[tilespmem:s20], [sflag:$0x4] =	stream.indirect.gather [hbm4b:s0+s17], $0x80, s10, s17, $0xb8;
	[tilespmem:$0x1E800] =	vst v63  }
0x54: {  	s11 =	rddreg [dreg:$0x6]  }
0x55: {  	[tilespmem:s22], [sflag:$0x5] =	stream.indirect.gather [hbm4b:s0+s17], $0x80, s11, s17, $0xb8;
	[tilespmem:$0x1E800] =	vst v63  }
0x56: {  	s9 =	rddreg [dreg:$0x7]  }
0x57: {  	[tilespmem:s24], [sflag:$0x6] =	stream.indirect.gather [hbm4b:s0+s17], $0x80, s9, s17, $0xb8;
	[tilespmem:$0x1E800] =	vst v63  }
0x58: {  	_ =	swait.ge [sflag:s25], $0x2800  }
0x59: {  	[sflag:s25] =	ssyncset.done $0x0  }
0x5a: {  	[sflag:s25] =	ssyncadd.s32 $0xFFFFD800  }
0x5b: {  	[spmem:s3] =	stream.indirect.scatter.add.f32 [tilespmem:s18], [sflag:$0x7], $0x80, s5, s17, $0xb8;
	[tilespmem:$0x1E800] =	vst v63  }
0x5c: {  	_ =	swait.ge [sflag:s12], $0x2800  }
0x5d: {  	[sflag:s12] =	ssyncset.done $0x0  }
0x5e: {  	[sflag:s12] =	ssyncadd.s32 $0xFFFFD800  }
0x5f: {  	_ =	swait.ge [sflag:s26], $0x2800  }
0x60: {  	[sflag:s26] =	ssyncset.done $0x0  }
0x61: {  	s11 =	rddreg [dreg:$0x8];
	[sflag:s26] =	ssyncadd.s32 $0xFFFFD800  }
0x62: {  	[spmem:s3] =	stream.indirect.scatter.add.f32 [tilespmem:s20], [sflag:$0x7], $0x80, s11, s17, $0xb8;
	[tilespmem:$0x1E800] =	vst v63  }
0x63: {  	_ =	swait.ge [sflag:s12], $0x2800  }
0x64: {  	[sflag:s12] =	ssyncset.done $0x0  }
0x65: {  	[sflag:s12] =	ssyncadd.s32 $0xFFFFD800  }
0x66: {  	_ =	swait.ge [sflag:s29], $0x2800  }
0x67: {  	[sflag:s29] =	ssyncset.done $0x0  }
0x68: {  	[sflag:s29] =	ssyncadd.s32 $0xFFFFD800  }
0x69: {  	[spmem:s3] =	stream.indirect.scatter.add.f32 [tilespmem:s22], [sflag:$0x7], $0x80, s7, s17, $0xb8;
	[tilespmem:$0x1E800] =	vst v63  }
0x6a: {  	_ =	swait.ge [sflag:s12], $0x2800  }
0x6b: {  	[sflag:s12] =	ssyncset.done $0x0  }
0x6c: {  	[sflag:s12] =	ssyncadd.s32 $0xFFFFD800  }
0x6d: {  	_ =	swait.ge [sflag:s31], $0x2800  }
0x6e: {  	[sflag:s31] =	ssyncset.done $0x0  }
0x6f: {  	[sflag:s31] =	ssyncadd.s32 $0xFFFFD800  }
0x70: {  	[spmem:s3] =	stream.indirect.scatter.add.f32 [tilespmem:s24], [sflag:$0x7], $0x80, s8, s17, $0xb8;
	[tilespmem:$0x1E800] =	vst v63  }
0x71: {  	s6 =	simm.s32 $0x100;
	_ =	swait.ge [sflag:s12], $0x2800  }
0x72: {  	s10 =	simm.s32 $0x80;
	s11 =	rddreg [dreg:$0x4];
	[sflag:s12] =	ssyncset.done $0x0  }
.LBB2_2:
0x73: {  	[sflag:s12] =	ssyncadd.s32 $0xFFFFD800;
	s11 =	sadd.s32 s10, s11  }
0x74: {  	[tilespmem:s13], [sflag:$0x1] =	stream.linear.gather [hbm4b:s11+s4], $0x400, $0x38;
	[tilespmem:$0x1E800] =	vst v63  }
0x75: {  	s11 =	sadd.s32 $0x10000, s11  }
0x76: {  	[tilespmem:s14], [sflag:$0x2] =	stream.linear.gather [hbm4b:s11+s4], $0x400, $0x38;
	[tilespmem:$0x1E800] =	vst v63  }
0x77: {  	_ =	swait.ge [sflag:s15], $0x400  }
0x78: {  	[sflag:s15] =	ssyncset.done $0x0  }
0x79: {  	[sflag:s15] =	ssyncadd.s32 $0xFFFFFC00  }
0x7a: {  	_ =	swait.ge [sflag:s16], $0x400  }
0x7b: {  	[sflag:s16] =	ssyncset.done $0x0  }
0x7c: {  	[sflag:s16] =	ssyncadd.s32 $0xFFFFFC00  }
0x7d: {  	[tilespmem:s18], [sflag:$0x3] =	stream.indirect.gather [hbm4b:s0+s17], $0x80, s13, s17, $0xb8;
	[tilespmem:$0x1E800] =	vst v63  }
0x7e: {  	_ = 	snop  }
0x7f: {  	[tilespmem:s20], [sflag:$0x4] =	stream.indirect.gather [hbm4b:s0+s17], $0x80, s19, s17, $0xb8;
	[tilespmem:$0x1E800] =	vst v63  }
0x80: {  	_ = 	snop  }
0x81: {  	[tilespmem:s22], [sflag:$0x5] =	stream.indirect.gather [hbm4b:s0+s17], $0x80, s21, s17, $0xb8;
	[tilespmem:$0x1E800] =	vst v63  }
0x82: {  	_ = 	snop  }
0x83: {  	[tilespmem:s24], [sflag:$0x6] =	stream.indirect.gather [hbm4b:s0+s17], $0x80, s23, s17, $0xb8;
	[tilespmem:$0x1E800] =	vst v63  }
0x84: {  	_ =	swait.ge [sflag:s25], $0x2800  }
0x85: {  	[sflag:s25] =	ssyncset.done $0x0  }
0x86: {  	[sflag:s25] =	ssyncadd.s32 $0xFFFFD800  }
0x87: {  	[spmem:s3] =	stream.indirect.scatter.add.f32 [tilespmem:s18], [sflag:$0x7], $0x80, s14, s17, $0xb8;
	[tilespmem:$0x1E800] =	vst v63  }
0x88: {  	_ =	swait.ge [sflag:s12], $0x2800  }
0x89: {  	[sflag:s12] =	ssyncset.done $0x0  }
0x8a: {  	[sflag:s12] =	ssyncadd.s32 $0xFFFFD800  }
0x8b: {  	_ =	swait.ge [sflag:s26], $0x2800  }
0x8c: {  	[sflag:s26] =	ssyncset.done $0x0  }
0x8d: {  	[sflag:s26] =	ssyncadd.s32 $0xFFFFD800  }
0x8e: {  	[spmem:s3] =	stream.indirect.scatter.add.f32 [tilespmem:s20], [sflag:$0x7], $0x80, s28, s17, $0xb8;
	[tilespmem:$0x1E800] =	vst v63  }
0x8f: {  	_ =	swait.ge [sflag:s12], $0x2800  }
0x90: {  	[sflag:s12] =	ssyncset.done $0x0  }
0x91: {  	[sflag:s12] =	ssyncadd.s32 $0xFFFFD800  }
0x92: {  	_ =	swait.ge [sflag:s29], $0x2800  }
0x93: {  	[sflag:s29] =	ssyncset.done $0x0  }
0x94: {  	[sflag:s29] =	ssyncadd.s32 $0xFFFFD800  }
0x95: {  	[spmem:s3] =	stream.indirect.scatter.add.f32 [tilespmem:s22], [sflag:$0x7], $0x80, s30, s17, $0xb8;
	[tilespmem:$0x1E800] =	vst v63  }
0x96: {  	_ =	swait.ge [sflag:s12], $0x2800  }
0x97: {  	[sflag:s12] =	ssyncset.done $0x0  }
0x98: {  	[sflag:s12] =	ssyncadd.s32 $0xFFFFD800  }
0x99: {  	_ =	swait.ge [sflag:s31], $0x2800  }
0x9a: {  	[sflag:s31] =	ssyncset.done $0x0  }
0x9b: {  	[sflag:s31] =	ssyncadd.s32 $0xFFFFD800  }
0x9c: {  	[spmem:s3] =	stream.indirect.scatter.add.f32 [tilespmem:s24], [sflag:$0x7], $0x80, s1, s17, $0xb8;
	[tilespmem:$0x1E800] =	vst v63  }
0x9d: {  	_ =	swait.ge [sflag:s12], $0x2800  }
0x9e: {  	[sflag:s12] =	ssyncset.done $0x0  }
0x9f: {  	s9 =	smov.u32 s6;
	[sflag:s12] =	ssyncadd.s32 $0xFFFFD800  }
0xa0: {  	[tilespmem:s18], [sflag:$0x3] =	stream.indirect.gather [hbm4b:s0+s17], $0x80, s2, s17, $0xb8;
	[tilespmem:$0x1E800] =	vst v63  }
0xa1: {  	s10 =	smov.u32 s9;
	s9 =	rddreg [dreg:$0x5]  }
0xa2: {  	[tilespmem:s20], [sflag:$0x4] =	stream.indirect.gather [hbm4b:s0+s17], $0x80, s9, s17, $0xb8;
	[tilespmem:$0x1E800] =	vst v63  }
0xa3: {  	s11 =	rddreg [dreg:$0x6]  }
0xa4: {  	[tilespmem:s22], [sflag:$0x5] =	stream.indirect.gather [hbm4b:s0+s17], $0x80, s11, s17, $0xb8;
	[tilespmem:$0x1E800] =	vst v63  }
0xa5: {  	s9 =	rddreg [dreg:$0x7]  }
0xa6: {  	[tilespmem:s24], [sflag:$0x6] =	stream.indirect.gather [hbm4b:s0+s17], $0x80, s9, s17, $0xb8;
	[tilespmem:$0x1E800] =	vst v63  }
0xa7: {  	_ =	swait.ge [sflag:s25], $0x2800  }
0xa8: {  	[sflag:s25] =	ssyncset.done $0x0  }
0xa9: {  	[sflag:s25] =	ssyncadd.s32 $0xFFFFD800  }
0xaa: {  	[spmem:s3] =	stream.indirect.scatter.add.f32 [tilespmem:s18], [sflag:$0x7], $0x80, s5, s17, $0xb8;
	[tilespmem:$0x1E800] =	vst v63  }
0xab: {  	_ =	swait.ge [sflag:s12], $0x2800  }
0xac: {  	[sflag:s12] =	ssyncset.done $0x0  }
0xad: {  	[sflag:s12] =	ssyncadd.s32 $0xFFFFD800  }
0xae: {  	_ =	swait.ge [sflag:s26], $0x2800  }
0xaf: {  	[sflag:s26] =	ssyncset.done $0x0  }
0xb0: {  	s11 =	rddreg [dreg:$0x8];
	[sflag:s26] =	ssyncadd.s32 $0xFFFFD800  }
0xb1: {  	[spmem:s3] =	stream.indirect.scatter.add.f32 [tilespmem:s20], [sflag:$0x7], $0x80, s11, s17, $0xb8;
	[tilespmem:$0x1E800] =	vst v63  }
0xb2: {  	_ =	swait.ge [sflag:s12], $0x2800  }
0xb3: {  	[sflag:s12] =	ssyncset.done $0x0  }
0xb4: {  	[sflag:s12] =	ssyncadd.s32 $0xFFFFD800  }
0xb5: {  	_ =	swait.ge [sflag:s29], $0x2800  }
0xb6: {  	[sflag:s29] =	ssyncset.done $0x0  }
0xb7: {  	[sflag:s29] =	ssyncadd.s32 $0xFFFFD800  }
0xb8: {  	[spmem:s3] =	stream.indirect.scatter.add.f32 [tilespmem:s22], [sflag:$0x7], $0x80, s7, s17, $0xb8;
	[tilespmem:$0x1E800] =	vst v63  }
0xb9: {  	_ =	swait.ge [sflag:s12], $0x2800  }
0xba: {  	[sflag:s12] =	ssyncset.done $0x0  }
0xbb: {  	[sflag:s12] =	ssyncadd.s32 $0xFFFFD800  }
0xbc: {  	p0 =	sne.s32 s6, $0x700;
	_ =	swait.ge [sflag:s31], $0x2800  }
.Ltmp0:
0xbd: {  	[sflag:s31] =	ssyncset.done $0x0;
	(pc) =	sbr.rel @p0 .LBB2_2-.Ltmp0, $4  }
0xbe: {  	[sflag:s31] =	ssyncadd.s32 $0xFFFFD800  }
0xbf: {  	[spmem:s3] =	stream.indirect.scatter.add.f32 [tilespmem:s24], [sflag:$0x7], $0x80, s8, s17, $0xb8;
	[tilespmem:$0x1E800] =	vst v63  }
0xc0: {  	_ =	swait.ge [sflag:s12], $0x2800  }
0xc1: {  	s6 =	sadd.s32 $0x80, s6;
	s11 =	rddreg [dreg:$0x4];
	[sflag:s12] =	ssyncset.done $0x0  }
0xc2: {  	[sflag:s12] =	ssyncadd.s32 $0xFFFFD800;
	s6 =	sadd.s32 s10, s11  }
0xc3: {  	[tilespmem:s13], [sflag:$0x1] =	stream.linear.gather [hbm4b:s6+s4], $0x400, $0x38;
	[tilespmem:$0x1E800] =	vst v63  }
0xc4: {  	s6 =	sadd.s32 $0x10000, s6  }
0xc5: {  	[tilespmem:s14], [sflag:$0x2] =	stream.linear.gather [hbm4b:s6+s4], $0x400, $0x38;
	[tilespmem:$0x1E800] =	vst v63  }
0xc6: {  	_ =	swait.ge [sflag:s15], $0x400  }
0xc7: {  	[sflag:s15] =	ssyncset.done $0x0  }
0xc8: {  	[sflag:s15] =	ssyncadd.s32 $0xFFFFFC00  }
0xc9: {  	_ =	swait.ge [sflag:s16], $0x400  }
0xca: {  	[sflag:s16] =	ssyncset.done $0x0  }
0xcb: {  	[sflag:s16] =	ssyncadd.s32 $0xFFFFFC00  }
0xcc: {  	[tilespmem:s18], [sflag:$0x3] =	stream.indirect.gather [hbm4b:s0+s17], $0x80, s13, s17, $0xb8;
	[tilespmem:$0x1E800] =	vst v63  }
0xcd: {  	_ = 	snop  }
0xce: {  	[tilespmem:s20], [sflag:$0x4] =	stream.indirect.gather [hbm4b:s0+s17], $0x80, s19, s17, $0xb8;
	[tilespmem:$0x1E800] =	vst v63  }
0xcf: {  	_ = 	snop  }
0xd0: {  	[tilespmem:s22], [sflag:$0x5] =	stream.indirect.gather [hbm4b:s0+s17], $0x80, s21, s17, $0xb8;
	[tilespmem:$0x1E800] =	vst v63  }
0xd1: {  	_ = 	snop  }
0xd2: {  	[tilespmem:s24], [sflag:$0x6] =	stream.indirect.gather [hbm4b:s0+s17], $0x80, s23, s17, $0xb8;
	[tilespmem:$0x1E800] =	vst v63  }
0xd3: {  	_ =	swait.ge [sflag:s25], $0x2800  }
0xd4: {  	[sflag:s25] =	ssyncset.done $0x0  }
0xd5: {  	[sflag:s25] =	ssyncadd.s32 $0xFFFFD800  }
0xd6: {  	[spmem:s3] =	stream.indirect.scatter.add.f32 [tilespmem:s18], [sflag:$0x7], $0x80, s14, s17, $0xb8;
	[tilespmem:$0x1E800] =	vst v63  }
0xd7: {  	_ =	swait.ge [sflag:s12], $0x2800  }
0xd8: {  	[sflag:s12] =	ssyncset.done $0x0  }
0xd9: {  	[sflag:s12] =	ssyncadd.s32 $0xFFFFD800  }
0xda: {  	_ =	swait.ge [sflag:s26], $0x2800  }
0xdb: {  	[sflag:s26] =	ssyncset.done $0x0  }
0xdc: {  	[sflag:s26] =	ssyncadd.s32 $0xFFFFD800  }
0xdd: {  	[spmem:s3] =	stream.indirect.scatter.add.f32 [tilespmem:s20], [sflag:$0x7], $0x80, s28, s17, $0xb8;
	[tilespmem:$0x1E800] =	vst v63  }
0xde: {  	_ =	swait.ge [sflag:s12], $0x2800  }
0xdf: {  	[sflag:s12] =	ssyncset.done $0x0  }
0xe0: {  	[sflag:s12] =	ssyncadd.s32 $0xFFFFD800  }
0xe1: {  	_ =	swait.ge [sflag:s29], $0x2800  }
0xe2: {  	[sflag:s29] =	ssyncset.done $0x0  }
0xe3: {  	[sflag:s29] =	ssyncadd.s32 $0xFFFFD800  }
0xe4: {  	[spmem:s3] =	stream.indirect.scatter.add.f32 [tilespmem:s22], [sflag:$0x7], $0x80, s30, s17, $0xb8;
	[tilespmem:$0x1E800] =	vst v63  }
0xe5: {  	_ =	swait.ge [sflag:s12], $0x2800  }
0xe6: {  	[sflag:s12] =	ssyncset.done $0x0  }
0xe7: {  	[sflag:s12] =	ssyncadd.s32 $0xFFFFD800  }
0xe8: {  	_ =	swait.ge [sflag:s31], $0x2800  }
0xe9: {  	[sflag:s31] =	ssyncset.done $0x0  }
0xea: {  	[sflag:s31] =	ssyncadd.s32 $0xFFFFD800  }
0xeb: {  	[spmem:s3] =	stream.indirect.scatter.add.f32 [tilespmem:s24], [sflag:$0x7], $0x80, s1, s17, $0xb8;
	[tilespmem:$0x1E800] =	vst v63  }
0xec: {  	_ =	swait.ge [sflag:s12], $0x2800  }
0xed: {  	[sflag:s12] =	ssyncset.done $0x0  }
0xee: {  	[sflag:s12] =	ssyncadd.s32 $0xFFFFD800  }
0xef: {  	[tilespmem:s18], [sflag:$0x3] =	stream.indirect.gather [hbm4b:s0+s17], $0x80, s2, s17, $0xb8;
	[tilespmem:$0x1E800] =	vst v63  }
0xf0: {  	s11 =	rddreg [dreg:$0x5]  }
0xf1: {  	[tilespmem:s20], [sflag:$0x4] =	stream.indirect.gather [hbm4b:s0+s17], $0x80, s11, s17, $0xb8;
	[tilespmem:$0x1E800] =	vst v63  }
0xf2: {  	s9 =	rddreg [dreg:$0x6]  }
0xf3: {  	[tilespmem:s22], [sflag:$0x5] =	stream.indirect.gather [hbm4b:s0+s17], $0x80, s9, s17, $0xb8;
	[tilespmem:$0x1E800] =	vst v63  }
0xf4: {  	s10 =	rddreg [dreg:$0x7]  }
0xf5: {  	[tilespmem:s24], [sflag:$0x6] =	stream.indirect.gather [hbm4b:s0+s17], $0x80, s10, s17, $0xb8;
	[tilespmem:$0x1E800] =	vst v63  }
0xf6: {  	_ =	swait.ge [sflag:s25], $0x2800  }
0xf7: {  	[sflag:s25] =	ssyncset.done $0x0  }
0xf8: {  	[sflag:s25] =	ssyncadd.s32 $0xFFFFD800  }
0xf9: {  	[spmem:s3] =	stream.indirect.scatter.add.f32 [tilespmem:s18], [sflag:$0x7], $0x80, s5, s17, $0xb8;
	[tilespmem:$0x1E800] =	vst v63  }
0xfa: {  	_ =	swait.ge [sflag:s12], $0x2800  }
0xfb: {  	[sflag:s12] =	ssyncset.done $0x0  }
0xfc: {  	[sflag:s12] =	ssyncadd.s32 $0xFFFFD800  }
0xfd: {  	_ =	swait.ge [sflag:s26], $0x2800  }
0xfe: {  	[sflag:s26] =	ssyncset.done $0x0  }
0xff: {  	s11 =	rddreg [dreg:$0x8];
	[sflag:s26] =	ssyncadd.s32 $0xFFFFD800  }
0x100: {  	[spmem:s3] =	stream.indirect.scatter.add.f32 [tilespmem:s20], [sflag:$0x7], $0x80, s11, s17, $0xb8;
	[tilespmem:$0x1E800] =	vst v63  }
0x101: {  	_ =	swait.ge [sflag:s12], $0x2800  }
0x102: {  	[sflag:s12] =	ssyncset.done $0x0  }
0x103: {  	[sflag:s12] =	ssyncadd.s32 $0xFFFFD800  }
0x104: {  	_ =	swait.ge [sflag:s29], $0x2800  }
0x105: {  	[sflag:s29] =	ssyncset.done $0x0  }
0x106: {  	[sflag:s29] =	ssyncadd.s32 $0xFFFFD800  }
0x107: {  	[spmem:s3] =	stream.indirect.scatter.add.f32 [tilespmem:s22], [sflag:$0x7], $0x80, s7, s17, $0xb8;
	[tilespmem:$0x1E800] =	vst v63  }
0x108: {  	_ =	swait.ge [sflag:s12], $0x2800  }
0x109: {  	[sflag:s12] =	ssyncset.done $0x0  }
0x10a: {  	[sflag:s12] =	ssyncadd.s32 $0xFFFFD800  }
0x10b: {  	_ =	swait.ge [sflag:s31], $0x2800  }
0x10c: {  	[sflag:s31] =	ssyncset.done $0x0  }
0x10d: {  	[sflag:s31] =	ssyncadd.s32 $0xFFFFD800  }
0x10e: {  	[spmem:s3] =	stream.indirect.scatter.add.f32 [tilespmem:s24], [sflag:$0x7], $0x80, s8, s17, $0xb8;
	[tilespmem:$0x1E800] =	vst v63  }
0x10f: {  	_ =	swait.ge [sflag:s12], $0x2800  }
0x110: {  	[sflag:s12] =	ssyncset.done $0x0  }
0x111: {  	s9 =	rddreg [dreg:$0xb];
	[sflag:s12] =	ssyncadd.s32 $0xFFFFD800  }
0x112: {  	[tilespmem:s13], [sflag:$0x1] =	stream.linear.gather [hbm4b:s9+s4], $0x280, $0x38;
	[tilespmem:$0x1E800] =	vst v63  }
0x113: {  	_ =	swait.ge [sflag:s15], $0x280  }
0x114: {  	[sflag:s15] =	ssyncset.done $0x0  }
0x115: {  	s10 =	rddreg [dreg:$0xc];
	[sflag:s15] =	ssyncadd.s32 $0xFFFFFD80  }
0x116: {  	[tilespmem:s14], [sflag:$0x2] =	stream.linear.gather [hbm4b:s10+s4], $0x280, $0x38;
	[tilespmem:$0x1E800] =	vst v63  }
0x117: {  	_ =	swait.ge [sflag:s16], $0x280  }
0x118: {  	[sflag:s16] =	ssyncset.done $0x0  }
0x119: {  	[sflag:s16] =	ssyncadd.s32 $0xFFFFFD80  }
0x11a: {  	[tilespmem:s18], [sflag:$0x3] =	stream.indirect.gather [hbm4b:s0+s17], $0x80, s13, s17, $0xb8;
	[tilespmem:$0x1E800] =	vst v63  }
0x11b: {  	_ = 	snop  }
0x11c: {  	[tilespmem:s20], [sflag:$0x4] =	stream.indirect.gather [hbm4b:s0+s17], $0x80, s19, s17, $0xb8;
	[tilespmem:$0x1E800] =	vst v63  }
0x11d: {  	_ = 	snop  }
0x11e: {  	[tilespmem:s22], [sflag:$0x5] =	stream.indirect.gather [hbm4b:s0+s17], $0x80, s21, s17, $0xb8;
	[tilespmem:$0x1E800] =	vst v63  }
0x11f: {  	_ = 	snop  }
0x120: {  	[tilespmem:s24], [sflag:$0x6] =	stream.indirect.gather [hbm4b:s0+s17], $0x80, s23, s17, $0xb8;
	[tilespmem:$0x1E800] =	vst v63  }
0x121: {  	_ =	swait.ge [sflag:s25], $0x2800  }
0x122: {  	[sflag:s25] =	ssyncset.done $0x0  }
0x123: {  	[sflag:s25] =	ssyncadd.s32 $0xFFFFD800  }
0x124: {  	[spmem:s3] =	stream.indirect.scatter.add.f32 [tilespmem:s18], [sflag:$0x7], $0x80, s14, s17, $0xb8;
	[tilespmem:$0x1E800] =	vst v63  }
0x125: {  	_ =	swait.ge [sflag:s12], $0x2800  }
0x126: {  	[sflag:s12] =	ssyncset.done $0x0  }
0x127: {  	[sflag:s12] =	ssyncadd.s32 $0xFFFFD800  }
0x128: {  	[tilespmem:s18], [sflag:$0x3] =	stream.indirect.gather [hbm4b:s0+s17], $0x80, s2, s17, $0xb8;
	[tilespmem:$0x1E800] =	vst v63  }
0x129: {  	_ =	swait.ge [sflag:s26], $0x2800  }
0x12a: {  	[sflag:s26] =	ssyncset.done $0x0  }
0x12b: {  	[sflag:s26] =	ssyncadd.s32 $0xFFFFD800  }
0x12c: {  	[spmem:s3] =	stream.indirect.scatter.add.f32 [tilespmem:s20], [sflag:$0x7], $0x80, s28, s17, $0xb8;
	[tilespmem:$0x1E800] =	vst v63  }
0x12d: {  	_ =	swait.ge [sflag:s12], $0x2800  }
0x12e: {  	[sflag:s12] =	ssyncset.done $0x0  }
0x12f: {  	[sflag:s12] =	ssyncadd.s32 $0xFFFFD800  }
0x130: {  	_ =	swait.ge [sflag:s29], $0x2800  }
0x131: {  	[sflag:s29] =	ssyncset.done $0x0  }
0x132: {  	[sflag:s29] =	ssyncadd.s32 $0xFFFFD800  }
0x133: {  	[spmem:s3] =	stream.indirect.scatter.add.f32 [tilespmem:s22], [sflag:$0x7], $0x80, s30, s17, $0xb8;
	[tilespmem:$0x1E800] =	vst v63  }
0x134: {  	_ =	swait.ge [sflag:s12], $0x2800  }
0x135: {  	[sflag:s12] =	ssyncset.done $0x0  }
0x136: {  	[sflag:s12] =	ssyncadd.s32 $0xFFFFD800  }
0x137: {  	_ =	swait.ge [sflag:s31], $0x2800  }
0x138: {  	[sflag:s31] =	ssyncset.done $0x0  }
0x139: {  	[sflag:s31] =	ssyncadd.s32 $0xFFFFD800  }
0x13a: {  	[spmem:s3] =	stream.indirect.scatter.add.f32 [tilespmem:s24], [sflag:$0x7], $0x80, s1, s17, $0xb8;
	[tilespmem:$0x1E800] =	vst v63  }
0x13b: {  	_ =	swait.ge [sflag:s12], $0x2800  }
0x13c: {  	[sflag:s12] =	ssyncset.done $0x0  }
0x13d: {  	[sflag:s12] =	ssyncadd.s32 $0xFFFFD800  }
0x13e: {  	_ =	swait.ge [sflag:s25], $0x2800  }
0x13f: {  	[sflag:s25] =	ssyncset.done $0x0  }
0x140: {  	[sflag:s25] =	ssyncadd.s32 $0xFFFFD800  }
0x141: {  	[spmem:s3] =	stream.indirect.scatter.add.f32 [tilespmem:s18], [sflag:$0x7], $0x80, s5, s17, $0xb8;
	[tilespmem:$0x1E800] =	vst v63  }
0x142: {  	_ =	swait.ge [sflag:s12], $0x2800  }
0x143: {  	[sflag:s12] =	ssyncset.done $0x0  }
0x144: {  	[sflag:s12] =	ssyncadd.s32 $0xFFFFD800  }
0x145: {  	[bflag:$0x0] =	sbarrier.arrive $0xFFFF  }
0x146: {  	s10 =	rddreg [dreg:$0xa]  }
0x147: {  	s11 =	rddreg [dreg:$0xd]  }
0x148: {  	s9 =	rddreg [dreg:$0xf]  }
0x149: {  	[hbm:s11], [sflag:s10] =	dma.local [spmem:s9], $0x2800  }
0x14a: {  	_ =	swait.ge [sflag:s12], $0x2800  }
0x14b: {  	s6 =	rddreg [dreg:$0x10]  }
0x14c: {  	s11 =	sadd.s32 $0x1, s6;
	s6 =	rddreg [dreg:$0xe]  }
0x14d: {  	p0 =	sne.s32 s11, s6  }
.Ltmp1:
0x14e: {  	_ = 	snop;
	(pc) =	sbr.rel @p0 .LBB2_1-.Ltmp1, $3  }
0x14f: {  	_ =	sdelay $0x1  }
0x150: {  	[sflag:s12] =	ssyncset.done $0x0  }
0x151: {  	[sflag:s12] =	ssyncadd.s32 $0xFFFFD800  }
0x152: {  	_ =	sfence.sel $0x180000  }
0x153: {  	[bflag:$0x0] =	sbarrier.arrive $0xFFFF  }
0x154: {  	_ =	strace $0x90000047  }
0x155: {  	s0 =	stileid.u32;
	[bflag:$0x2] =	sbarrier.arrive $0xFFFF  }
0x156: {  	p0 =	sne.s32 s0, $0x0;
	s0 =	rddreg [dreg:$0x3]  }
0x157: {  	s0 =	sadd.s32 @!p0 $0x100000, s0  }
0x158: {  	[sflag:s0] =	ssyncadd.tile.s32 @!p0 $0x1;
	_ =	shalt  }
.Lfunc_end2:
_tile_overlayer_lowered:
.L_overlay_start_2:
0x159: {  	(tag) =	ssettag $0x2  }
0x15a: {  	s0 =	rddreg [dreg:$0x0];
	s2 =	stileid.u32  }
0x15b: {  	s1 =	rddreg [dreg:$0x1];
	p0 =	sne.s32 s2, $0x0  }
0x15c: {  	s3 =	rddreg [dreg:$0x2];
	[bflag:$0x3] =	sbarrier.arrive $0xFFFF;
	s2 =	simm.s32 @!p0 $0x1C07  }
0x15d: {  	[timem:s3], [sflag:s2] =	dma.local @!p0 [hbm:s0], s1  }
0x15e: {  	s0 =	simm.s32 @!p0 $0x7  }
0x15f: {  	_ =	swait.ge @!p0 [sflag:s0], s1  }
0x160: {  	s1 =	ssub.s32 @!p0 $0x0, s1;
	[sflag:s0] =	ssyncset.done @!p0 $0x0  }
0x161: {  	[sflag:s0] =	ssyncadd.s32 @!p0 s1  }
0x162: {  	[bflag:$0x3] =	sbarrier.arrive $0xFFFF  }
0x163: {  	_ =	shalt  }

</sc_bundles>
